<compile_context>
chip_gen: v7x
topology: tpu7x:2x2x1
jax: 0.10.2.dev20260603
libtpu: 0.0.44.dev20260713+nightly
codegen_flags: <defaults>
</compile_context>

<pallas_src>
import functools

import jax
import jax.numpy as jnp
from jax import lax
from jax.experimental import pallas as pl
from jax.experimental.pallas import tpu as pltpu
from jax.experimental.pallas import tpu_sc as plsc

_LOG1E4 = 9.210340371976184
_INV2PI = 0.15915494309189535

_C0 = 6.283088507310033
_C1 = -41.333250612374165
_C2 = 81.40014502793045
_C3 = -74.67624173688598
_C4 = 33.16885008474881

_NW = 32
_CP = 4


def _sc_body(x_hbm, o_hbm, inv_v, ph_v, xbuf, obuf, insem, outsem,
             *, b, s, e):
    cid = lax.axis_index("c")
    sid = lax.axis_index("s")
    wid = sid * 2 + cid

    nj = e // 16

    def fill(j, carry):
        ei = lax.iota(jnp.int32, 16) + j * 16
        ef = ei.astype(jnp.float32)
        expo = (ef - jnp.mod(ef, 2.0)) * (1.0 / e)
        inv_v[pl.ds(j * 16, 16)] = jnp.exp(-_LOG1E4 * expo) * _INV2PI
        ph_v[pl.ds(j * 16, 16)] = jnp.where(ei % 2 == 0, 0.0, 0.25)
        return carry

    lax.fori_loop(0, nj, fill, 0)

    npos = s // _NW
    p0w = wid * npos
    nchunks = npos // _CP

    def in_copies(slot, c):
        pos0 = p0w + c * _CP
        return [
            pltpu.make_async_copy(x_hbm.at[bb, pl.ds(pos0, _CP)],
                                  xbuf.at[slot, bb], insem)
            for bb in range(b)
        ]

    def out_copies(slot, c):
        pos0 = p0w + c * _CP
        return [
            pltpu.make_async_copy(obuf.at[slot, bb],
                                  o_hbm.at[bb, pl.ds(pos0, _CP)], outsem)
            for bb in range(b)
        ]

    def compute(slot, c):
        pos0 = p0w + c * _CP

        def jbody(j, jcarry):
            inv = inv_v[pl.ds(j * 16, 16)]
            ph = ph_v[pl.ds(j * 16, 16)]
            for p in range(_CP):
                posf = (pos0 + p).astype(jnp.float32)
                y = posf * inv + ph
                f = (y + 0.5).astype(jnp.int32).astype(jnp.float32)
                r = y - f
                r2 = r * r
                pp = _C3 + r2 * _C4
                pp = _C2 + r2 * pp
                pp = _C1 + r2 * pp
                pp = _C0 + r2 * pp
                enc = r * pp
                for bb in range(b):
                    xv = xbuf[slot, bb, p, pl.ds(j * 16, 16)]
                    obuf[slot, bb, p, pl.ds(j * 16, 16)] = jnp.where(
                        xv == 0.0, 0.0, enc)
            return jcarry

        lax.fori_loop(0, nj, jbody, 0)

    for cp in in_copies(0, 0):
        cp.start()

    def step(t, carry):
        for slot in (0, 1):
            c = 2 * t + slot

            @pl.when(c + 1 < nchunks)
            def _():
                for cp in in_copies(slot ^ 1, c + 1):
                    cp.start()

            for cp in in_copies(slot, c):
                cp.wait()

            @pl.when(c > 1)
            def _():
                for cp in out_copies(slot, c - 2):
                    cp.wait()

            compute(slot, c)
            for cp in out_copies(slot, c):
                cp.start()
        return carry

    lax.fori_loop(0, nchunks // 2, step, 0)
    for cp in out_copies(0, nchunks - 2):
        cp.wait()
    for cp in out_copies(1, nchunks - 1):
        cp.wait()


def kernel(x):
    B, S, E = x.shape
    run = pl.kernel(
        functools.partial(_sc_body, b=B, s=S, e=E),
        out_type=jax.ShapeDtypeStruct((B, S, E), jnp.float32),
        mesh=plsc.VectorSubcoreMesh(core_axis_name="c", subcore_axis_name="s"),
        scratch_types=[
            pltpu.VMEM((E,), jnp.float32),
            pltpu.VMEM((E,), jnp.float32),
            pltpu.VMEM((2, B, _CP, E), jnp.float32),
            pltpu.VMEM((2, B, _CP, E), jnp.float32),
            pltpu.SemaphoreType.DMA,
            pltpu.SemaphoreType.DMA,
        ],
    )
    return run(x)

# --- scband reference (transcript-rebuilt; emitter-appended) ---
"""Pipeline reference for scband-position-embedding-45603962749728 (READ-ONLY COPY).

The authoritative reference and input builder live on the scoring server;
editing this copy changes nothing except your own understanding.
"""

import jax, jax.numpy as jnp
import numpy as np

MAX_LEN = 8192

def setup_inputs(seed: int = 0) -> dict:
    key = jax.random.key(seed)
    x = jax.random.normal(key, (4, 4096, 1024), dtype=jnp.float32)
    return {"x": x}

def _position_enc(max_len, E):
    pos = jnp.arange(max_len, dtype=jnp.float32)
    i = jnp.arange(E, dtype=jnp.float32)
    exponent = (i - jnp.mod(i, 2.0)) / float(E)
    angle = pos[:, None] / jnp.power(10000.0, exponent)[None, :]
    even_mask = (jnp.mod(jnp.arange(E), 2) == 0)
    enc = jnp.where(even_mask[None, :], jnp.sin(angle), jnp.cos(angle))
    return enc.astype(jnp.float32)

def reference(x):
    B, S, E = x.shape
    enc = _position_enc(MAX_LEN, E)
    position_ind = jnp.broadcast_to(jnp.arange(S, dtype=jnp.int32)[None, :], (B, S))
    outputs = jnp.take(enc, position_ind, axis=0)
    outputs = jnp.where(x == 0, x, outputs)
    return outputs.astype(jnp.float32)

if __name__ == "__main__":
    import jax
    _d = setup_inputs()
    print(jax.jit(kernel)(*tuple(_d.values())))

</pallas_src>

<mosaic_0001>
#map = affine_map<(d0, d1) -> (0, 0, 0)>
module attributes {stable_mosaic.version = 14 : i64} {
  func.func @_sc_body(%arg0: i32, %arg1: i32, %arg2: memref<4x4096x1024xf32, #tpu.memory_space<hbm>>, %arg3: memref<4x4096x1024xf32, #tpu.memory_space<hbm>>, %arg4: memref<1024xf32, #tpu.memory_space<vmem>>, %arg5: memref<1024xf32, #tpu.memory_space<vmem>>, %arg6: memref<2x4x4x1024xf32, #tpu.memory_space<vmem>>, %arg7: memref<2x4x4x1024xf32, #tpu.memory_space<vmem>>, %arg8: memref<!tpu.dma_semaphore, #tpu.memory_space<semaphore_mem>>, %arg9: memref<!tpu.dma_semaphore, #tpu.memory_space<semaphore_mem>>) attributes {dimension_semantics = [#tpu.dimension_semantics<core_parallel>, #tpu.dimension_semantics<subcore_parallel>], iteration_bounds = array<i64: 2, 16>, scalar_prefetch = 0 : i64, scratch_operands = 6 : i64, tpu.core_type = #tpu.core_type<sc_vector_subcore>, window_params = [{transform_indices = #map}, {transform_indices = #map}]} {
    %mul3A = arith.constant 2 : i32
    %mul3A_0 = arith.muli %arg1, %mul3A : i32
    %add3A = arith.addi %mul3A_0, %arg0 : i32
    %scan3A = arith.constant 0 : i32
    %scan3A_1 = arith.constant 0 : i32
    %scan3A_2 = arith.constant 64 : i32
    %scan3A_3 = arith.addi %scan3A_1, %scan3A_2 : i32
    %scan3A_4 = arith.constant 1 : i32
    scf.for %scan3A_222 = %scan3A_1 to %scan3A_3 step %scan3A_4  : i32 {
      %iota3A = tpu.iota {dimensions = array<i32: 0>} : vector<16xi32>
      %mul3A_223 = arith.constant 16 : i32
      %mul3A_224 = arith.muli %scan3A_222, %mul3A_223 : i32
      %add3A_225 = vector.broadcast %mul3A_224 : i32 to vector<16xi32>
      %add3A_226 = arith.addi %iota3A, %add3A_225 : vector<16xi32>
      %convert_element_type3A = arith.sitofp %add3A_226 : vector<16xi32> to vector<16xf32>
      %jit3A = arith.constant 2.000000e+00 : f32
      %rem3A = vector.broadcast %jit3A : f32 to vector<16xf32>
      %rem3A_227 = arith.remf %convert_element_type3A, %rem3A : vector<16xf32>
      %ne3A = arith.constant 0.000000e+00 : f32
      %ne3A_228 = vector.broadcast %ne3A : f32 to vector<16xf32>
      %ne3A_229 = arith.cmpf one, %rem3A_227, %ne3A_228 : vector<16xf32>
      %lt3A = arith.constant 0.000000e+00 : f32
      %lt3A_230 = vector.broadcast %lt3A : f32 to vector<16xf32>
      %lt3A_231 = arith.cmpf olt, %rem3A_227, %lt3A_230 : vector<16xf32>
      %lt3A_232 = arith.constant 0.000000e+00 : f32
      %lt3A_233 = arith.cmpf olt, %jit3A, %lt3A_232 : f32
      %ne3A_234 = vector.broadcast %lt3A_233 : i1 to vector<16xi1>
      %ne3A_235 = vector.broadcast %ne3A_234 : vector<16xi1> to vector<16xi1>
      %ne3A_236 = arith.xori %lt3A_231, %ne3A_235 : vector<16xi1>
      %and3A = arith.andi %ne3A_236, %ne3A_229 : vector<16xi1>
      %add3A_237 = vector.broadcast %jit3A : f32 to vector<16xf32>
      %add3A_238 = arith.addf %rem3A_227, %add3A_237 : vector<16xf32>
      %select_n3A = arith.select %and3A, %add3A_238, %rem3A_227 : vector<16xi1>, vector<16xf32>
      %sub3A = arith.subf %convert_element_type3A, %select_n3A : vector<16xf32>
      %mul3A_239 = arith.constant 9.765625E-4 : f32
      %mul3A_240 = vector.broadcast %mul3A_239 : f32 to vector<16xf32>
      %mul3A_241 = arith.mulf %sub3A, %mul3A_240 : vector<16xf32>
      %mul3A_242 = arith.constant -9.21034049 : f32
      %mul3A_243 = vector.broadcast %mul3A_242 : f32 to vector<16xf32>
      %mul3A_244 = arith.mulf %mul3A_243, %mul3A_241 : vector<16xf32>
      %exp3A = math.exp %mul3A_244 : vector<16xf32>
      %mul3A_245 = arith.constant 0.159154937 : f32
      %mul3A_246 = vector.broadcast %mul3A_245 : f32 to vector<16xf32>
      %mul3A_247 = arith.mulf %exp3A, %mul3A_246 : vector<16xf32>
      %mul3A_248 = arith.constant 16 : i32
      %mul3A_249 = arith.muli %scan3A_222, %mul3A_248 : i32
      %swap3A = arith.index_cast %mul3A_249 : i32 to index
      %swap3A_250 = tpu.vector_load %arg4[%swap3A] {strides = array<i32>} : memref<1024xf32, #tpu.memory_space<vmem>>, vector<16xf32>,
      %swap3A_251 = vector.shape_cast %swap3A_250 : vector<16xf32> to vector<16xf32>
      %swap3A_252 = vector.shape_cast %mul3A_247 : vector<16xf32> to vector<16xf32>
      tpu.vector_store %arg4[%swap3A], %swap3A_252 {strides = array<i32>} : memref<1024xf32, #tpu.memory_space<vmem>>, vector<16xf32>,
      %jit3A_253 = arith.constant 2 : i32
      %eq3A = arith.constant 0 : i32
      %eq3A_254 = arith.cmpi eq, %jit3A_253, %eq3A : i32
      %jit3A_255 = arith.constant 1 : i32
      %select_n3A_256 = arith.select %eq3A_254, %jit3A_255, %jit3A_253 : i32
      %rem3A_257 = vector.broadcast %select_n3A_256 : i32 to vector<16xi32>
      %rem3A_258 = arith.remsi %add3A_226, %rem3A_257 : vector<16xi32>
      %ne3A_259 = arith.constant 0 : i32
      %ne3A_260 = vector.broadcast %ne3A_259 : i32 to vector<16xi32>
      %ne3A_261 = arith.cmpi ne, %rem3A_258, %ne3A_260 : vector<16xi32>
      %lt3A_262 = arith.constant 0 : i32
      %lt3A_263 = vector.broadcast %lt3A_262 : i32 to vector<16xi32>
      %lt3A_264 = arith.cmpi slt, %rem3A_258, %lt3A_263 : vector<16xi32>
      %lt3A_265 = arith.constant 0 : i32
      %lt3A_266 = arith.cmpi slt, %select_n3A_256, %lt3A_265 : i32
      %ne3A_267 = vector.broadcast %lt3A_266 : i1 to vector<16xi1>
      %ne3A_268 = vector.broadcast %ne3A_267 : vector<16xi1> to vector<16xi1>
      %ne3A_269 = arith.xori %lt3A_264, %ne3A_268 : vector<16xi1>
      %and3A_270 = arith.andi %ne3A_269, %ne3A_261 : vector<16xi1>
      %add3A_271 = vector.broadcast %select_n3A_256 : i32 to vector<16xi32>
      %add3A_272 = arith.addi %rem3A_258, %add3A_271 : vector<16xi32>
      %select_n3A_273 = arith.select %and3A_270, %add3A_272, %rem3A_258 : vector<16xi1>, vector<16xi32>
      %eq3A_274 = arith.constant 0 : i32
      %eq3A_275 = vector.broadcast %eq3A_274 : i32 to vector<16xi32>
      %eq3A_276 = arith.cmpi eq, %select_n3A_273, %eq3A_275 : vector<16xi32>
      %jit3A_277 = arith.constant 0.000000e+00 : f32
      %jit3A_278 = arith.constant 2.500000e-01 : f32
      %broadcast_in_dim3A = vector.broadcast %jit3A_277 : f32 to vector<16xf32>
      %broadcast_in_dim3A_279 = vector.broadcast %jit3A_278 : f32 to vector<16xf32>
      %select_n3A_280 = arith.select %eq3A_276, %broadcast_in_dim3A, %broadcast_in_dim3A_279 : vector<16xi1>, vector<16xf32>
      %mul3A_281 = arith.constant 16 : i32
      %mul3A_282 = arith.muli %scan3A_222, %mul3A_281 : i32
      %swap3A_283 = arith.index_cast %mul3A_282 : i32 to index
      %swap3A_284 = tpu.vector_load %arg5[%swap3A_283] {strides = array<i32>} : memref<1024xf32, #tpu.memory_space<vmem>>, vector<16xf32>,
      %swap3A_285 = vector.shape_cast %swap3A_284 : vector<16xf32> to vector<16xf32>
      %swap3A_286 = vector.shape_cast %select_n3A_280 : vector<16xf32> to vector<16xf32>
      tpu.vector_store %arg5[%swap3A_283], %swap3A_286 {strides = array<i32>} : memref<1024xf32, #tpu.memory_space<vmem>>, vector<16xf32>,
    }
    %scan3A_5 = arith.constant 64 : i32
    %mul3A_6 = arith.constant 128 : i32
    %mul3A_7 = arith.muli %add3A, %mul3A_6 : i32
    %add3A_8 = arith.constant 0 : i32
    %add3A_9 = arith.addi %mul3A_7, %add3A_8 : i32
    %dma_start3A = arith.constant 0 : i32
    %dma_start3A_10 = arith.constant 0 : i32
    %dma_start3A_11 = arith.constant 0 : i32
    %dma_start3A_12 = arith.constant 0 : i32
    %dma_start3A_13 = arith.constant 0 : i32
    %dma_start3A_14 = tpu.memref_slice %arg6[%dma_start3A_10, %dma_start3A_11, %dma_start3A_12, %dma_start3A_13] : memref<2x4x4x1024xf32, #tpu.memory_space<vmem>> -> memref<1x1x4x1024xf32, #tpu.memory_space<vmem>>
    %dma_start3A_15 = tpu.memref_squeeze %dma_start3A_14 : memref<1x1x4x1024xf32, #tpu.memory_space<vmem>> -> memref<4x1024xf32, #tpu.memory_space<vmem>>
    %dma_start3A_16 = arith.constant 0 : i32
    %dma_start3A_17 = tpu.memref_slice %arg2[%dma_start3A, %add3A_9, %dma_start3A_16] : memref<4x4096x1024xf32, #tpu.memory_space<hbm>> -> memref<1x4x1024xf32, #tpu.memory_space<hbm>>
    %dma_start3A_18 = tpu.memref_squeeze %dma_start3A_17 : memref<1x4x1024xf32, #tpu.memory_space<hbm>> -> memref<4x1024xf32, #tpu.memory_space<hbm>>
    %dma_start3A_19 = arith.constant 0 : i32
    %dma_start3A_20 = arith.constant 0 : i32
    %dma_start3A_21 = tpu.memref_slice %arg6[%dma_start3A_10, %dma_start3A_11, %dma_start3A_19, %dma_start3A_20] : memref<2x4x4x1024xf32, #tpu.memory_space<vmem>> -> memref<1x1x4x1024xf32, #tpu.memory_space<vmem>>
    %dma_start3A_22 = tpu.memref_squeeze %dma_start3A_21 : memref<1x1x4x1024xf32, #tpu.memory_space<vmem>> -> memref<4x1024xf32, #tpu.memory_space<vmem>>
    %dma_start3A_23 = arith.constant 0 : i32
    %dma_start3A_24 = tpu.memref_slice %arg2[%dma_start3A, %add3A_9, %dma_start3A_23] : memref<4x4096x1024xf32, #tpu.memory_space<hbm>> -> memref<1x4x1024xf32, #tpu.memory_space<hbm>>
    %dma_start3A_25 = tpu.memref_squeeze %dma_start3A_24 : memref<1x4x1024xf32, #tpu.memory_space<hbm>> -> memref<4x1024xf32, #tpu.memory_space<hbm>>
    tpu.enqueue_dma source(%dma_start3A_25 : memref<4x1024xf32, #tpu.memory_space<hbm>>) target(%dma_start3A_22 : memref<4x1024xf32, #tpu.memory_space<vmem>>) target_semaphore(%arg8 : memref<!tpu.dma_semaphore, #tpu.memory_space<semaphore_mem>>)
    %dma_start3A_26 = arith.constant 1 : i32
    %dma_start3A_27 = arith.constant 0 : i32
    %dma_start3A_28 = arith.constant 1 : i32
    %dma_start3A_29 = arith.constant 0 : i32
    %dma_start3A_30 = arith.constant 0 : i32
    %dma_start3A_31 = tpu.memref_slice %arg6[%dma_start3A_27, %dma_start3A_28, %dma_start3A_29, %dma_start3A_30] : memref<2x4x4x1024xf32, #tpu.memory_space<vmem>> -> memref<1x1x4x1024xf32, #tpu.memory_space<vmem>>
    %dma_start3A_32 = tpu.memref_squeeze %dma_start3A_31 : memref<1x1x4x1024xf32, #tpu.memory_space<vmem>> -> memref<4x1024xf32, #tpu.memory_space<vmem>>
    %dma_start3A_33 = arith.constant 0 : i32
    %dma_start3A_34 = tpu.memref_slice %arg2[%dma_start3A_26, %add3A_9, %dma_start3A_33] : memref<4x4096x1024xf32, #tpu.memory_space<hbm>> -> memref<1x4x1024xf32, #tpu.memory_space<hbm>>
    %dma_start3A_35 = tpu.memref_squeeze %dma_start3A_34 : memref<1x4x1024xf32, #tpu.memory_space<hbm>> -> memref<4x1024xf32, #tpu.memory_space<hbm>>
    %dma_start3A_36 = arith.constant 0 : i32
    %dma_start3A_37 = arith.constant 0 : i32
    %dma_start3A_38 = tpu.memref_slice %arg6[%dma_start3A_27, %dma_start3A_28, %dma_start3A_36, %dma_start3A_37] : memref<2x4x4x1024xf32, #tpu.memory_space<vmem>> -> memref<1x1x4x1024xf32, #tpu.memory_space<vmem>>
    %dma_start3A_39 = tpu.memref_squeeze %dma_start3A_38 : memref<1x1x4x1024xf32, #tpu.memory_space<vmem>> -> memref<4x1024xf32, #tpu.memory_space<vmem>>
    %dma_start3A_40 = arith.constant 0 : i32
    %dma_start3A_41 = tpu.memref_slice %arg2[%dma_start3A_26, %add3A_9, %dma_start3A_40] : memref<4x4096x1024xf32, #tpu.memory_space<hbm>> -> memref<1x4x1024xf32, #tpu.memory_space<hbm>>
    %dma_start3A_42 = tpu.memref_squeeze %dma_start3A_41 : memref<1x4x1024xf32, #tpu.memory_space<hbm>> -> memref<4x1024xf32, #tpu.memory_space<hbm>>
    tpu.enqueue_dma source(%dma_start3A_42 : memref<4x1024xf32, #tpu.memory_space<hbm>>) target(%dma_start3A_39 : memref<4x1024xf32, #tpu.memory_space<vmem>>) target_semaphore(%arg8 : memref<!tpu.dma_semaphore, #tpu.memory_space<semaphore_mem>>)
    %dma_start3A_43 = arith.constant 2 : i32
    %dma_start3A_44 = arith.constant 0 : i32
    %dma_start3A_45 = arith.constant 2 : i32
    %dma_start3A_46 = arith.constant 0 : i32
    %dma_start3A_47 = arith.constant 0 : i32
    %dma_start3A_48 = tpu.memref_slice %arg6[%dma_start3A_44, %dma_start3A_45, %dma_start3A_46, %dma_start3A_47] : memref<2x4x4x1024xf32, #tpu.memory_space<vmem>> -> memref<1x1x4x1024xf32, #tpu.memory_space<vmem>>
    %dma_start3A_49 = tpu.memref_squeeze %dma_start3A_48 : memref<1x1x4x1024xf32, #tpu.memory_space<vmem>> -> memref<4x1024xf32, #tpu.memory_space<vmem>>
    %dma_start3A_50 = arith.constant 0 : i32
    %dma_start3A_51 = tpu.memref_slice %arg2[%dma_start3A_43, %add3A_9, %dma_start3A_50] : memref<4x4096x1024xf32, #tpu.memory_space<hbm>> -> memref<1x4x1024xf32, #tpu.memory_space<hbm>>
    %dma_start3A_52 = tpu.memref_squeeze %dma_start3A_51 : memref<1x4x1024xf32, #tpu.memory_space<hbm>> -> memref<4x1024xf32, #tpu.memory_space<hbm>>
    %dma_start3A_53 = arith.constant 0 : i32
    %dma_start3A_54 = arith.constant 0 : i32
    %dma_start3A_55 = tpu.memref_slice %arg6[%dma_start3A_44, %dma_start3A_45, %dma_start3A_53, %dma_start3A_54] : memref<2x4x4x1024xf32, #tpu.memory_space<vmem>> -> memref<1x1x4x1024xf32, #tpu.memory_space<vmem>>
    %dma_start3A_56 = tpu.memref_squeeze %dma_start3A_55 : memref<1x1x4x1024xf32, #tpu.memory_space<vmem>> -> memref<4x1024xf32, #tpu.memory_space<vmem>>
    %dma_start3A_57 = arith.constant 0 : i32
    %dma_start3A_58 = tpu.memref_slice %arg2[%dma_start3A_43, %add3A_9, %dma_start3A_57] : memref<4x4096x1024xf32, #tpu.memory_space<hbm>> -> memref<1x4x1024xf32, #tpu.memory_space<hbm>>
    %dma_start3A_59 = tpu.memref_squeeze %dma_start3A_58 : memref<1x4x1024xf32, #tpu.memory_space<hbm>> -> memref<4x1024xf32, #tpu.memory_space<hbm>>
    tpu.enqueue_dma source(%dma_start3A_59 : memref<4x1024xf32, #tpu.memory_space<hbm>>) target(%dma_start3A_56 : memref<4x1024xf32, #tpu.memory_space<vmem>>) target_semaphore(%arg8 : memref<!tpu.dma_semaphore, #tpu.memory_space<semaphore_mem>>)
    %dma_start3A_60 = arith.constant 3 : i32
    %dma_start3A_61 = arith.constant 0 : i32
    %dma_start3A_62 = arith.constant 3 : i32
    %dma_start3A_63 = arith.constant 0 : i32
    %dma_start3A_64 = arith.constant 0 : i32
    %dma_start3A_65 = tpu.memref_slice %arg6[%dma_start3A_61, %dma_start3A_62, %dma_start3A_63, %dma_start3A_64] : memref<2x4x4x1024xf32, #tpu.memory_space<vmem>> -> memref<1x1x4x1024xf32, #tpu.memory_space<vmem>>
    %dma_start3A_66 = tpu.memref_squeeze %dma_start3A_65 : memref<1x1x4x1024xf32, #tpu.memory_space<vmem>> -> memref<4x1024xf32, #tpu.memory_space<vmem>>
    %dma_start3A_67 = arith.constant 0 : i32
    %dma_start3A_68 = tpu.memref_slice %arg2[%dma_start3A_60, %add3A_9, %dma_start3A_67] : memref<4x4096x1024xf32, #tpu.memory_space<hbm>> -> memref<1x4x1024xf32, #tpu.memory_space<hbm>>
    %dma_start3A_69 = tpu.memref_squeeze %dma_start3A_68 : memref<1x4x1024xf32, #tpu.memory_space<hbm>> -> memref<4x1024xf32, #tpu.memory_space<hbm>>
    %dma_start3A_70 = arith.constant 0 : i32
    %dma_start3A_71 = arith.constant 0 : i32
    %dma_start3A_72 = tpu.memref_slice %arg6[%dma_start3A_61, %dma_start3A_62, %dma_start3A_70, %dma_start3A_71] : memref<2x4x4x1024xf32, #tpu.memory_space<vmem>> -> memref<1x1x4x1024xf32, #tpu.memory_space<vmem>>
    %dma_start3A_73 = tpu.memref_squeeze %dma_start3A_72 : memref<1x1x4x1024xf32, #tpu.memory_space<vmem>> -> memref<4x1024xf32, #tpu.memory_space<vmem>>
    %dma_start3A_74 = arith.constant 0 : i32
    %dma_start3A_75 = tpu.memref_slice %arg2[%dma_start3A_60, %add3A_9, %dma_start3A_74] : memref<4x4096x1024xf32, #tpu.memory_space<hbm>> -> memref<1x4x1024xf32, #tpu.memory_space<hbm>>
    %dma_start3A_76 = tpu.memref_squeeze %dma_start3A_75 : memref<1x4x1024xf32, #tpu.memory_space<hbm>> -> memref<4x1024xf32, #tpu.memory_space<hbm>>
    tpu.enqueue_dma source(%dma_start3A_76 : memref<4x1024xf32, #tpu.memory_space<hbm>>) target(%dma_start3A_73 : memref<4x1024xf32, #tpu.memory_space<vmem>>) target_semaphore(%arg8 : memref<!tpu.dma_semaphore, #tpu.memory_space<semaphore_mem>>)
    %scan3A_77 = arith.constant 0 : i32
    %scan3A_78 = arith.constant 0 : i32
    %scan3A_79 = arith.constant 16 : i32
    %scan3A_80 = arith.addi %scan3A_78, %scan3A_79 : i32
    %scan3A_81 = arith.constant 1 : i32
    scf.for %scan3A_222 = %scan3A_78 to %scan3A_80 step %scan3A_81  : i32 {
      %mul3A_223 = arith.constant 2 : i32
      %mul3A_224 = arith.muli %mul3A_223, %scan3A_222 : i32
      %add3A_225 = arith.constant 0 : i32
      %add3A_226 = arith.addi %mul3A_224, %add3A_225 : i32
      %add3A_227 = arith.constant 1 : i32
      %add3A_228 = arith.addi %add3A_226, %add3A_227 : i32
      %lt3A = arith.constant 32 : i32
      %lt3A_229 = arith.cmpi slt, %add3A_228, %lt3A : i32
      %convert_element_type3A = arith.extui %lt3A_229 : i1 to i32
      %cond3A = arith.constant 0 : i32
      %cond3A_230 = arith.cmpi ne, %convert_element_type3A, %cond3A : i32
      scf.if %cond3A_230 {
        %add3A_553 = arith.constant 1 : i32
        %add3A_554 = arith.addi %add3A_226, %add3A_553 : i32
        %mul3A_555 = arith.constant 4 : i32
        %mul3A_556 = arith.muli %add3A_554, %mul3A_555 : i32
        %add3A_557 = arith.addi %mul3A_7, %mul3A_556 : i32
        %dma_start3A_558 = arith.constant 0 : i32
        %dma_start3A_559 = arith.constant 1 : i32
        %dma_start3A_560 = arith.constant 0 : i32
        %dma_start3A_561 = arith.constant 0 : i32
        %dma_start3A_562 = arith.constant 0 : i32
        %dma_start3A_563 = tpu.memref_slice %arg6[%dma_start3A_559, %dma_start3A_560, %dma_start3A_561, %dma_start3A_562] : memref<2x4x4x1024xf32, #tpu.memory_space<vmem>> -> memref<1x1x4x1024xf32, #tpu.memory_space<vmem>>
        %dma_start3A_564 = tpu.memref_squeeze %dma_start3A_563 : memref<1x1x4x1024xf32, #tpu.memory_space<vmem>> -> memref<4x1024xf32, #tpu.memory_space<vmem>>
        %dma_start3A_565 = arith.constant 0 : i32
        %dma_start3A_566 = tpu.memref_slice %arg2[%dma_start3A_558, %add3A_557, %dma_start3A_565] : memref<4x4096x1024xf32, #tpu.memory_space<hbm>> -> memref<1x4x1024xf32, #tpu.memory_space<hbm>>
        %dma_start3A_567 = tpu.memref_squeeze %dma_start3A_566 : memref<1x4x1024xf32, #tpu.memory_space<hbm>> -> memref<4x1024xf32, #tpu.memory_space<hbm>>
        %dma_start3A_568 = arith.constant 0 : i32
        %dma_start3A_569 = arith.constant 0 : i32
        %dma_start3A_570 = tpu.memref_slice %arg6[%dma_start3A_559, %dma_start3A_560, %dma_start3A_568, %dma_start3A_569] : memref<2x4x4x1024xf32, #tpu.memory_space<vmem>> -> memref<1x1x4x1024xf32, #tpu.memory_space<vmem>>
        %dma_start3A_571 = tpu.memref_squeeze %dma_start3A_570 : memref<1x1x4x1024xf32, #tpu.memory_space<vmem>> -> memref<4x1024xf32, #tpu.memory_space<vmem>>
        %dma_start3A_572 = arith.constant 0 : i32
        %dma_start3A_573 = tpu.memref_slice %arg2[%dma_start3A_558, %add3A_557, %dma_start3A_572] : memref<4x4096x1024xf32, #tpu.memory_space<hbm>> -> memref<1x4x1024xf32, #tpu.memory_space<hbm>>
        %dma_start3A_574 = tpu.memref_squeeze %dma_start3A_573 : memref<1x4x1024xf32, #tpu.memory_space<hbm>> -> memref<4x1024xf32, #tpu.memory_space<hbm>>
        tpu.enqueue_dma source(%dma_start3A_574 : memref<4x1024xf32, #tpu.memory_space<hbm>>) target(%dma_start3A_571 : memref<4x1024xf32, #tpu.memory_space<vmem>>) target_semaphore(%arg8 : memref<!tpu.dma_semaphore, #tpu.memory_space<semaphore_mem>>)
        %dma_start3A_575 = arith.constant 1 : i32
        %dma_start3A_576 = arith.constant 1 : i32
        %dma_start3A_577 = arith.constant 1 : i32
        %dma_start3A_578 = arith.constant 0 : i32
        %dma_start3A_579 = arith.constant 0 : i32
        %dma_start3A_580 = tpu.memref_slice %arg6[%dma_start3A_576, %dma_start3A_577, %dma_start3A_578, %dma_start3A_579] : memref<2x4x4x1024xf32, #tpu.memory_space<vmem>> -> memref<1x1x4x1024xf32, #tpu.memory_space<vmem>>
        %dma_start3A_581 = tpu.memref_squeeze %dma_start3A_580 : memref<1x1x4x1024xf32, #tpu.memory_space<vmem>> -> memref<4x1024xf32, #tpu.memory_space<vmem>>
        %dma_start3A_582 = arith.constant 0 : i32
        %dma_start3A_583 = tpu.memref_slice %arg2[%dma_start3A_575, %add3A_557, %dma_start3A_582] : memref<4x4096x1024xf32, #tpu.memory_space<hbm>> -> memref<1x4x1024xf32, #tpu.memory_space<hbm>>
        %dma_start3A_584 = tpu.memref_squeeze %dma_start3A_583 : memref<1x4x1024xf32, #tpu.memory_space<hbm>> -> memref<4x1024xf32, #tpu.memory_space<hbm>>
        %dma_start3A_585 = arith.constant 0 : i32
        %dma_start3A_586 = arith.constant 0 : i32
        %dma_start3A_587 = tpu.memref_slice %arg6[%dma_start3A_576, %dma_start3A_577, %dma_start3A_585, %dma_start3A_586] : memref<2x4x4x1024xf32, #tpu.memory_space<vmem>> -> memref<1x1x4x1024xf32, #tpu.memory_space<vmem>>
        %dma_start3A_588 = tpu.memref_squeeze %dma_start3A_587 : memref<1x1x4x1024xf32, #tpu.memory_space<vmem>> -> memref<4x1024xf32, #tpu.memory_space<vmem>>
        %dma_start3A_589 = arith.constant 0 : i32
        %dma_start3A_590 = tpu.memref_slice %arg2[%dma_start3A_575, %add3A_557, %dma_start3A_589] : memref<4x4096x1024xf32, #tpu.memory_space<hbm>> -> memref<1x4x1024xf32, #tpu.memory_space<hbm>>
        %dma_start3A_591 = tpu.memref_squeeze %dma_start3A_590 : memref<1x4x1024xf32, #tpu.memory_space<hbm>> -> memref<4x1024xf32, #tpu.memory_space<hbm>>
        tpu.enqueue_dma source(%dma_start3A_591 : memref<4x1024xf32, #tpu.memory_space<hbm>>) target(%dma_start3A_588 : memref<4x1024xf32, #tpu.memory_space<vmem>>) target_semaphore(%arg8 : memref<!tpu.dma_semaphore, #tpu.memory_space<semaphore_mem>>)
        %dma_start3A_592 = arith.constant 2 : i32
        %dma_start3A_593 = arith.constant 1 : i32
        %dma_start3A_594 = arith.constant 2 : i32
        %dma_start3A_595 = arith.constant 0 : i32
        %dma_start3A_596 = arith.constant 0 : i32
        %dma_start3A_597 = tpu.memref_slice %arg6[%dma_start3A_593, %dma_start3A_594, %dma_start3A_595, %dma_start3A_596] : memref<2x4x4x1024xf32, #tpu.memory_space<vmem>> -> memref<1x1x4x1024xf32, #tpu.memory_space<vmem>>
        %dma_start3A_598 = tpu.memref_squeeze %dma_start3A_597 : memref<1x1x4x1024xf32, #tpu.memory_space<vmem>> -> memref<4x1024xf32, #tpu.memory_space<vmem>>
        %dma_start3A_599 = arith.constant 0 : i32
        %dma_start3A_600 = tpu.memref_slice %arg2[%dma_start3A_592, %add3A_557, %dma_start3A_599] : memref<4x4096x1024xf32, #tpu.memory_space<hbm>> -> memref<1x4x1024xf32, #tpu.memory_space<hbm>>
        %dma_start3A_601 = tpu.memref_squeeze %dma_start3A_600 : memref<1x4x1024xf32, #tpu.memory_space<hbm>> -> memref<4x1024xf32, #tpu.memory_space<hbm>>
        %dma_start3A_602 = arith.constant 0 : i32
        %dma_start3A_603 = arith.constant 0 : i32
        %dma_start3A_604 = tpu.memref_slice %arg6[%dma_start3A_593, %dma_start3A_594, %dma_start3A_602, %dma_start3A_603] : memref<2x4x4x1024xf32, #tpu.memory_space<vmem>> -> memref<1x1x4x1024xf32, #tpu.memory_space<vmem>>
        %dma_start3A_605 = tpu.memref_squeeze %dma_start3A_604 : memref<1x1x4x1024xf32, #tpu.memory_space<vmem>> -> memref<4x1024xf32, #tpu.memory_space<vmem>>
        %dma_start3A_606 = arith.constant 0 : i32
        %dma_start3A_607 = tpu.memref_slice %arg2[%dma_start3A_592, %add3A_557, %dma_start3A_606] : memref<4x4096x1024xf32, #tpu.memory_space<hbm>> -> memref<1x4x1024xf32, #tpu.memory_space<hbm>>
        %dma_start3A_608 = tpu.memref_squeeze %dma_start3A_607 : memref<1x4x1024xf32, #tpu.memory_space<hbm>> -> memref<4x1024xf32, #tpu.memory_space<hbm>>
        tpu.enqueue_dma source(%dma_start3A_608 : memref<4x1024xf32, #tpu.memory_space<hbm>>) target(%dma_start3A_605 : memref<4x1024xf32, #tpu.memory_space<vmem>>) target_semaphore(%arg8 : memref<!tpu.dma_semaphore, #tpu.memory_space<semaphore_mem>>)
        %dma_start3A_609 = arith.constant 3 : i32
        %dma_start3A_610 = arith.constant 1 : i32
        %dma_start3A_611 = arith.constant 3 : i32
        %dma_start3A_612 = arith.constant 0 : i32
        %dma_start3A_613 = arith.constant 0 : i32
        %dma_start3A_614 = tpu.memref_slice %arg6[%dma_start3A_610, %dma_start3A_611, %dma_start3A_612, %dma_start3A_613] : memref<2x4x4x1024xf32, #tpu.memory_space<vmem>> -> memref<1x1x4x1024xf32, #tpu.memory_space<vmem>>
        %dma_start3A_615 = tpu.memref_squeeze %dma_start3A_614 : memref<1x1x4x1024xf32, #tpu.memory_space<vmem>> -> memref<4x1024xf32, #tpu.memory_space<vmem>>
        %dma_start3A_616 = arith.constant 0 : i32
        %dma_start3A_617 = tpu.memref_slice %arg2[%dma_start3A_609, %add3A_557, %dma_start3A_616] : memref<4x4096x1024xf32, #tpu.memory_space<hbm>> -> memref<1x4x1024xf32, #tpu.memory_space<hbm>>
        %dma_start3A_618 = tpu.memref_squeeze %dma_start3A_617 : memref<1x4x1024xf32, #tpu.memory_space<hbm>> -> memref<4x1024xf32, #tpu.memory_space<hbm>>
        %dma_start3A_619 = arith.constant 0 : i32
        %dma_start3A_620 = arith.constant 0 : i32
        %dma_start3A_621 = tpu.memref_slice %arg6[%dma_start3A_610, %dma_start3A_611, %dma_start3A_619, %dma_start3A_620] : memref<2x4x4x1024xf32, #tpu.memory_space<vmem>> -> memref<1x1x4x1024xf32, #tpu.memory_space<vmem>>
        %dma_start3A_622 = tpu.memref_squeeze %dma_start3A_621 : memref<1x1x4x1024xf32, #tpu.memory_space<vmem>> -> memref<4x1024xf32, #tpu.memory_space<vmem>>
        %dma_start3A_623 = arith.constant 0 : i32
        %dma_start3A_624 = tpu.memref_slice %arg2[%dma_start3A_609, %add3A_557, %dma_start3A_623] : memref<4x4096x1024xf32, #tpu.memory_space<hbm>> -> memref<1x4x1024xf32, #tpu.memory_space<hbm>>
        %dma_start3A_625 = tpu.memref_squeeze %dma_start3A_624 : memref<1x4x1024xf32, #tpu.memory_space<hbm>> -> memref<4x1024xf32, #tpu.memory_space<hbm>>
        tpu.enqueue_dma source(%dma_start3A_625 : memref<4x1024xf32, #tpu.memory_space<hbm>>) target(%dma_start3A_622 : memref<4x1024xf32, #tpu.memory_space<vmem>>) target_semaphore(%arg8 : memref<!tpu.dma_semaphore, #tpu.memory_space<semaphore_mem>>)
      } else {
      }
      %mul3A_231 = arith.constant 4 : i32
      %mul3A_232 = arith.muli %add3A_226, %mul3A_231 : i32
      %add3A_233 = arith.addi %mul3A_7, %mul3A_232 : i32
      %dma_wait3A_234 = arith.constant 0 : i32
      %dma_wait3A_235 = arith.constant 0 : i32
      %dma_wait3A_236 = arith.constant 0 : i32
      %dma_wait3A_237 = arith.constant 0 : i32
      %dma_wait3A_238 = arith.constant 0 : i32
      %dma_wait3A_239 = tpu.memref_slice %arg6[%dma_wait3A_235, %dma_wait3A_236, %dma_wait3A_237, %dma_wait3A_238] : memref<2x4x4x1024xf32, #tpu.memory_space<vmem>> -> memref<1x1x4x1024xf32, #tpu.memory_space<vmem>>
      %dma_wait3A_240 = tpu.memref_squeeze %dma_wait3A_239 : memref<1x1x4x1024xf32, #tpu.memory_space<vmem>> -> memref<4x1024xf32, #tpu.memory_space<vmem>>
      %dma_wait3A_241 = arith.constant 0 : i32
      %dma_wait3A_242 = tpu.memref_slice %arg2[%dma_wait3A_234, %add3A_233, %dma_wait3A_241] : memref<4x4096x1024xf32, #tpu.memory_space<hbm>> -> memref<1x4x1024xf32, #tpu.memory_space<hbm>>
      %dma_wait3A_243 = tpu.memref_squeeze %dma_wait3A_242 : memref<1x4x1024xf32, #tpu.memory_space<hbm>> -> memref<4x1024xf32, #tpu.memory_space<hbm>>
      %dma_wait3A_244 = arith.constant 0 : i32
      %dma_wait3A_245 = arith.constant 0 : i32
      %dma_wait3A_246 = tpu.memref_slice %arg6[%dma_wait3A_235, %dma_wait3A_236, %dma_wait3A_244, %dma_wait3A_245] : memref<2x4x4x1024xf32, #tpu.memory_space<vmem>> -> memref<1x1x4x1024xf32, #tpu.memory_space<vmem>>
      %dma_wait3A_247 = tpu.memref_squeeze %dma_wait3A_246 : memref<1x1x4x1024xf32, #tpu.memory_space<vmem>> -> memref<4x1024xf32, #tpu.memory_space<vmem>>
      %dma_wait3A_248 = arith.constant 0 : i32
      %dma_wait3A_249 = tpu.memref_slice %arg2[%dma_wait3A_234, %add3A_233, %dma_wait3A_248] : memref<4x4096x1024xf32, #tpu.memory_space<hbm>> -> memref<1x4x1024xf32, #tpu.memory_space<hbm>>
      %dma_wait3A_250 = tpu.memref_squeeze %dma_wait3A_249 : memref<1x4x1024xf32, #tpu.memory_space<hbm>> -> memref<4x1024xf32, #tpu.memory_space<hbm>>
      tpu.wait_dma2 semaphore(%arg8 : memref<!tpu.dma_semaphore, #tpu.memory_space<semaphore_mem>>) src(%dma_wait3A_250 : memref<4x1024xf32, #tpu.memory_space<hbm>>) dst(%dma_wait3A_247 : memref<4x1024xf32, #tpu.memory_space<vmem>>)
      %dma_wait3A_251 = arith.constant 1 : i32
      %dma_wait3A_252 = arith.constant 0 : i32
      %dma_wait3A_253 = arith.constant 1 : i32
      %dma_wait3A_254 = arith.constant 0 : i32
      %dma_wait3A_255 = arith.constant 0 : i32
      %dma_wait3A_256 = tpu.memref_slice %arg6[%dma_wait3A_252, %dma_wait3A_253, %dma_wait3A_254, %dma_wait3A_255] : memref<2x4x4x1024xf32, #tpu.memory_space<vmem>> -> memref<1x1x4x1024xf32, #tpu.memory_space<vmem>>
      %dma_wait3A_257 = tpu.memref_squeeze %dma_wait3A_256 : memref<1x1x4x1024xf32, #tpu.memory_space<vmem>> -> memref<4x1024xf32, #tpu.memory_space<vmem>>
      %dma_wait3A_258 = arith.constant 0 : i32
      %dma_wait3A_259 = tpu.memref_slice %arg2[%dma_wait3A_251, %add3A_233, %dma_wait3A_258] : memref<4x4096x1024xf32, #tpu.memory_space<hbm>> -> memref<1x4x1024xf32, #tpu.memory_space<hbm>>
      %dma_wait3A_260 = tpu.memref_squeeze %dma_wait3A_259 : memref<1x4x1024xf32, #tpu.memory_space<hbm>> -> memref<4x1024xf32, #tpu.memory_space<hbm>>
      %dma_wait3A_261 = arith.constant 0 : i32
      %dma_wait3A_262 = arith.constant 0 : i32
      %dma_wait3A_263 = tpu.memref_slice %arg6[%dma_wait3A_252, %dma_wait3A_253, %dma_wait3A_261, %dma_wait3A_262] : memref<2x4x4x1024xf32, #tpu.memory_space<vmem>> -> memref<1x1x4x1024xf32, #tpu.memory_space<vmem>>
      %dma_wait3A_264 = tpu.memref_squeeze %dma_wait3A_263 : memref<1x1x4x1024xf32, #tpu.memory_space<vmem>> -> memref<4x1024xf32, #tpu.memory_space<vmem>>
      %dma_wait3A_265 = arith.constant 0 : i32
      %dma_wait3A_266 = tpu.memref_slice %arg2[%dma_wait3A_251, %add3A_233, %dma_wait3A_265] : memref<4x4096x1024xf32, #tpu.memory_space<hbm>> -> memref<1x4x1024xf32, #tpu.memory_space<hbm>>
      %dma_wait3A_267 = tpu.memref_squeeze %dma_wait3A_266 : memref<1x4x1024xf32, #tpu.memory_space<hbm>> -> memref<4x1024xf32, #tpu.memory_space<hbm>>
      tpu.wait_dma2 semaphore(%arg8 : memref<!tpu.dma_semaphore, #tpu.memory_space<semaphore_mem>>) src(%dma_wait3A_267 : memref<4x1024xf32, #tpu.memory_space<hbm>>) dst(%dma_wait3A_264 : memref<4x1024xf32, #tpu.memory_space<vmem>>)
      %dma_wait3A_268 = arith.constant 2 : i32
      %dma_wait3A_269 = arith.constant 0 : i32
      %dma_wait3A_270 = arith.constant 2 : i32
      %dma_wait3A_271 = arith.constant 0 : i32
      %dma_wait3A_272 = arith.constant 0 : i32
      %dma_wait3A_273 = tpu.memref_slice %arg6[%dma_wait3A_269, %dma_wait3A_270, %dma_wait3A_271, %dma_wait3A_272] : memref<2x4x4x1024xf32, #tpu.memory_space<vmem>> -> memref<1x1x4x1024xf32, #tpu.memory_space<vmem>>
      %dma_wait3A_274 = tpu.memref_squeeze %dma_wait3A_273 : memref<1x1x4x1024xf32, #tpu.memory_space<vmem>> -> memref<4x1024xf32, #tpu.memory_space<vmem>>
      %dma_wait3A_275 = arith.constant 0 : i32
      %dma_wait3A_276 = tpu.memref_slice %arg2[%dma_wait3A_268, %add3A_233, %dma_wait3A_275] : memref<4x4096x1024xf32, #tpu.memory_space<hbm>> -> memref<1x4x1024xf32, #tpu.memory_space<hbm>>
      %dma_wait3A_277 = tpu.memref_squeeze %dma_wait3A_276 : memref<1x4x1024xf32, #tpu.memory_space<hbm>> -> memref<4x1024xf32, #tpu.memory_space<hbm>>
      %dma_wait3A_278 = arith.constant 0 : i32
      %dma_wait3A_279 = arith.constant 0 : i32
      %dma_wait3A_280 = tpu.memref_slice %arg6[%dma_wait3A_269, %dma_wait3A_270, %dma_wait3A_278, %dma_wait3A_279] : memref<2x4x4x1024xf32, #tpu.memory_space<vmem>> -> memref<1x1x4x1024xf32, #tpu.memory_space<vmem>>
      %dma_wait3A_281 = tpu.memref_squeeze %dma_wait3A_280 : memref<1x1x4x1024xf32, #tpu.memory_space<vmem>> -> memref<4x1024xf32, #tpu.memory_space<vmem>>
      %dma_wait3A_282 = arith.constant 0 : i32
      %dma_wait3A_283 = tpu.memref_slice %arg2[%dma_wait3A_268, %add3A_233, %dma_wait3A_282] : memref<4x4096x1024xf32, #tpu.memory_space<hbm>> -> memref<1x4x1024xf32, #tpu.memory_space<hbm>>
      %dma_wait3A_284 = tpu.memref_squeeze %dma_wait3A_283 : memref<1x4x1024xf32, #tpu.memory_space<hbm>> -> memref<4x1024xf32, #tpu.memory_space<hbm>>
      tpu.wait_dma2 semaphore(%arg8 : memref<!tpu.dma_semaphore, #tpu.memory_space<semaphore_mem>>) src(%dma_wait3A_284 : memref<4x1024xf32, #tpu.memory_space<hbm>>) dst(%dma_wait3A_281 : memref<4x1024xf32, #tpu.memory_space<vmem>>)
      %dma_wait3A_285 = arith.constant 3 : i32
      %dma_wait3A_286 = arith.constant 0 : i32
      %dma_wait3A_287 = arith.constant 3 : i32
      %dma_wait3A_288 = arith.constant 0 : i32
      %dma_wait3A_289 = arith.constant 0 : i32
      %dma_wait3A_290 = tpu.memref_slice %arg6[%dma_wait3A_286, %dma_wait3A_287, %dma_wait3A_288, %dma_wait3A_289] : memref<2x4x4x1024xf32, #tpu.memory_space<vmem>> -> memref<1x1x4x1024xf32, #tpu.memory_space<vmem>>
      %dma_wait3A_291 = tpu.memref_squeeze %dma_wait3A_290 : memref<1x1x4x1024xf32, #tpu.memory_space<vmem>> -> memref<4x1024xf32, #tpu.memory_space<vmem>>
      %dma_wait3A_292 = arith.constant 0 : i32
      %dma_wait3A_293 = tpu.memref_slice %arg2[%dma_wait3A_285, %add3A_233, %dma_wait3A_292] : memref<4x4096x1024xf32, #tpu.memory_space<hbm>> -> memref<1x4x1024xf32, #tpu.memory_space<hbm>>
      %dma_wait3A_294 = tpu.memref_squeeze %dma_wait3A_293 : memref<1x4x1024xf32, #tpu.memory_space<hbm>> -> memref<4x1024xf32, #tpu.memory_space<hbm>>
      %dma_wait3A_295 = arith.constant 0 : i32
      %dma_wait3A_296 = arith.constant 0 : i32
      %dma_wait3A_297 = tpu.memref_slice %arg6[%dma_wait3A_286, %dma_wait3A_287, %dma_wait3A_295, %dma_wait3A_296] : memref<2x4x4x1024xf32, #tpu.memory_space<vmem>> -> memref<1x1x4x1024xf32, #tpu.memory_space<vmem>>
      %dma_wait3A_298 = tpu.memref_squeeze %dma_wait3A_297 : memref<1x1x4x1024xf32, #tpu.memory_space<vmem>> -> memref<4x1024xf32, #tpu.memory_space<vmem>>
      %dma_wait3A_299 = arith.constant 0 : i32
      %dma_wait3A_300 = tpu.memref_slice %arg2[%dma_wait3A_285, %add3A_233, %dma_wait3A_299] : memref<4x4096x1024xf32, #tpu.memory_space<hbm>> -> memref<1x4x1024xf32, #tpu.memory_space<hbm>>
      %dma_wait3A_301 = tpu.memref_squeeze %dma_wait3A_300 : memref<1x4x1024xf32, #tpu.memory_space<hbm>> -> memref<4x1024xf32, #tpu.memory_space<hbm>>
      tpu.wait_dma2 semaphore(%arg8 : memref<!tpu.dma_semaphore, #tpu.memory_space<semaphore_mem>>) src(%dma_wait3A_301 : memref<4x1024xf32, #tpu.memory_space<hbm>>) dst(%dma_wait3A_298 : memref<4x1024xf32, #tpu.memory_space<vmem>>)
      %gt3A = arith.constant 1 : i32
      %gt3A_302 = arith.cmpi sgt, %add3A_226, %gt3A : i32
      %convert_element_type3A_303 = arith.extui %gt3A_302 : i1 to i32
      %cond3A_304 = arith.constant 0 : i32
      %cond3A_305 = arith.cmpi ne, %convert_element_type3A_303, %cond3A_304 : i32
      scf.if %cond3A_305 {
        %sub3A = arith.constant 2 : i32
        %sub3A_553 = arith.subi %add3A_226, %sub3A : i32
        %mul3A_554 = arith.constant 4 : i32
        %mul3A_555 = arith.muli %sub3A_553, %mul3A_554 : i32
        %add3A_556 = arith.addi %mul3A_7, %mul3A_555 : i32
        %dma_wait3A_557 = arith.constant 0 : i32
        %dma_wait3A_558 = arith.constant 0 : i32
        %dma_wait3A_559 = arith.constant 0 : i32
        %dma_wait3A_560 = arith.constant 0 : i32
        %dma_wait3A_561 = arith.constant 0 : i32
        %dma_wait3A_562 = tpu.memref_slice %arg7[%dma_wait3A_557, %dma_wait3A_558, %dma_wait3A_560, %dma_wait3A_561] : memref<2x4x4x1024xf32, #tpu.memory_space<vmem>> -> memref<1x1x4x1024xf32, #tpu.memory_space<vmem>>
        %dma_wait3A_563 = tpu.memref_squeeze %dma_wait3A_562 : memref<1x1x4x1024xf32, #tpu.memory_space<vmem>> -> memref<4x1024xf32, #tpu.memory_space<vmem>>
        %dma_wait3A_564 = arith.constant 0 : i32
        %dma_wait3A_565 = tpu.memref_slice %arg3[%dma_wait3A_559, %add3A_556, %dma_wait3A_564] : memref<4x4096x1024xf32, #tpu.memory_space<hbm>> -> memref<1x4x1024xf32, #tpu.memory_space<hbm>>
        %dma_wait3A_566 = tpu.memref_squeeze %dma_wait3A_565 : memref<1x4x1024xf32, #tpu.memory_space<hbm>> -> memref<4x1024xf32, #tpu.memory_space<hbm>>
        %dma_wait3A_567 = arith.constant 0 : i32
        %dma_wait3A_568 = tpu.memref_slice %arg3[%dma_wait3A_559, %add3A_556, %dma_wait3A_567] : memref<4x4096x1024xf32, #tpu.memory_space<hbm>> -> memref<1x4x1024xf32, #tpu.memory_space<hbm>>
        %dma_wait3A_569 = tpu.memref_squeeze %dma_wait3A_568 : memref<1x4x1024xf32, #tpu.memory_space<hbm>> -> memref<4x1024xf32, #tpu.memory_space<hbm>>
        %dma_wait3A_570 = arith.constant 0 : i32
        %dma_wait3A_571 = arith.constant 0 : i32
        %dma_wait3A_572 = tpu.memref_slice %arg7[%dma_wait3A_557, %dma_wait3A_558, %dma_wait3A_570, %dma_wait3A_571] : memref<2x4x4x1024xf32, #tpu.memory_space<vmem>> -> memref<1x1x4x1024xf32, #tpu.memory_space<vmem>>
        %dma_wait3A_573 = tpu.memref_squeeze %dma_wait3A_572 : memref<1x1x4x1024xf32, #tpu.memory_space<vmem>> -> memref<4x1024xf32, #tpu.memory_space<vmem>>
        tpu.wait_dma2 semaphore(%arg9 : memref<!tpu.dma_semaphore, #tpu.memory_space<semaphore_mem>>) src(%dma_wait3A_573 : memref<4x1024xf32, #tpu.memory_space<vmem>>) dst(%dma_wait3A_569 : memref<4x1024xf32, #tpu.memory_space<hbm>>)
        %dma_wait3A_574 = arith.constant 0 : i32
        %dma_wait3A_575 = arith.constant 1 : i32
        %dma_wait3A_576 = arith.constant 1 : i32
        %dma_wait3A_577 = arith.constant 0 : i32
        %dma_wait3A_578 = arith.constant 0 : i32
        %dma_wait3A_579 = tpu.memref_slice %arg7[%dma_wait3A_574, %dma_wait3A_575, %dma_wait3A_577, %dma_wait3A_578] : memref<2x4x4x1024xf32, #tpu.memory_space<vmem>> -> memref<1x1x4x1024xf32, #tpu.memory_space<vmem>>
        %dma_wait3A_580 = tpu.memref_squeeze %dma_wait3A_579 : memref<1x1x4x1024xf32, #tpu.memory_space<vmem>> -> memref<4x1024xf32, #tpu.memory_space<vmem>>
        %dma_wait3A_581 = arith.constant 0 : i32
        %dma_wait3A_582 = tpu.memref_slice %arg3[%dma_wait3A_576, %add3A_556, %dma_wait3A_581] : memref<4x4096x1024xf32, #tpu.memory_space<hbm>> -> memref<1x4x1024xf32, #tpu.memory_space<hbm>>
        %dma_wait3A_583 = tpu.memref_squeeze %dma_wait3A_582 : memref<1x4x1024xf32, #tpu.memory_space<hbm>> -> memref<4x1024xf32, #tpu.memory_space<hbm>>
        %dma_wait3A_584 = arith.constant 0 : i32
        %dma_wait3A_585 = tpu.memref_slice %arg3[%dma_wait3A_576, %add3A_556, %dma_wait3A_584] : memref<4x4096x1024xf32, #tpu.memory_space<hbm>> -> memref<1x4x1024xf32, #tpu.memory_space<hbm>>
        %dma_wait3A_586 = tpu.memref_squeeze %dma_wait3A_585 : memref<1x4x1024xf32, #tpu.memory_space<hbm>> -> memref<4x1024xf32, #tpu.memory_space<hbm>>
        %dma_wait3A_587 = arith.constant 0 : i32
        %dma_wait3A_588 = arith.constant 0 : i32
        %dma_wait3A_589 = tpu.memref_slice %arg7[%dma_wait3A_574, %dma_wait3A_575, %dma_wait3A_587, %dma_wait3A_588] : memref<2x4x4x1024xf32, #tpu.memory_space<vmem>> -> memref<1x1x4x1024xf32, #tpu.memory_space<vmem>>
        %dma_wait3A_590 = tpu.memref_squeeze %dma_wait3A_589 : memref<1x1x4x1024xf32, #tpu.memory_space<vmem>> -> memref<4x1024xf32, #tpu.memory_space<vmem>>
        tpu.wait_dma2 semaphore(%arg9 : memref<!tpu.dma_semaphore, #tpu.memory_space<semaphore_mem>>) src(%dma_wait3A_590 : memref<4x1024xf32, #tpu.memory_space<vmem>>) dst(%dma_wait3A_586 : memref<4x1024xf32, #tpu.memory_space<hbm>>)
        %dma_wait3A_591 = arith.constant 0 : i32
        %dma_wait3A_592 = arith.constant 2 : i32
        %dma_wait3A_593 = arith.constant 2 : i32
        %dma_wait3A_594 = arith.constant 0 : i32
        %dma_wait3A_595 = arith.constant 0 : i32
        %dma_wait3A_596 = tpu.memref_slice %arg7[%dma_wait3A_591, %dma_wait3A_592, %dma_wait3A_594, %dma_wait3A_595] : memref<2x4x4x1024xf32, #tpu.memory_space<vmem>> -> memref<1x1x4x1024xf32, #tpu.memory_space<vmem>>
        %dma_wait3A_597 = tpu.memref_squeeze %dma_wait3A_596 : memref<1x1x4x1024xf32, #tpu.memory_space<vmem>> -> memref<4x1024xf32, #tpu.memory_space<vmem>>
        %dma_wait3A_598 = arith.constant 0 : i32
        %dma_wait3A_599 = tpu.memref_slice %arg3[%dma_wait3A_593, %add3A_556, %dma_wait3A_598] : memref<4x4096x1024xf32, #tpu.memory_space<hbm>> -> memref<1x4x1024xf32, #tpu.memory_space<hbm>>
        %dma_wait3A_600 = tpu.memref_squeeze %dma_wait3A_599 : memref<1x4x1024xf32, #tpu.memory_space<hbm>> -> memref<4x1024xf32, #tpu.memory_space<hbm>>
        %dma_wait3A_601 = arith.constant 0 : i32
        %dma_wait3A_602 = tpu.memref_slice %arg3[%dma_wait3A_593, %add3A_556, %dma_wait3A_601] : memref<4x4096x1024xf32, #tpu.memory_space<hbm>> -> memref<1x4x1024xf32, #tpu.memory_space<hbm>>
        %dma_wait3A_603 = tpu.memref_squeeze %dma_wait3A_602 : memref<1x4x1024xf32, #tpu.memory_space<hbm>> -> memref<4x1024xf32, #tpu.memory_space<hbm>>
        %dma_wait3A_604 = arith.constant 0 : i32
        %dma_wait3A_605 = arith.constant 0 : i32
        %dma_wait3A_606 = tpu.memref_slice %arg7[%dma_wait3A_591, %dma_wait3A_592, %dma_wait3A_604, %dma_wait3A_605] : memref<2x4x4x1024xf32, #tpu.memory_space<vmem>> -> memref<1x1x4x1024xf32, #tpu.memory_space<vmem>>
        %dma_wait3A_607 = tpu.memref_squeeze %dma_wait3A_606 : memref<1x1x4x1024xf32, #tpu.memory_space<vmem>> -> memref<4x1024xf32, #tpu.memory_space<vmem>>
        tpu.wait_dma2 semaphore(%arg9 : memref<!tpu.dma_semaphore, #tpu.memory_space<semaphore_mem>>) src(%dma_wait3A_607 : memref<4x1024xf32, #tpu.memory_space<vmem>>) dst(%dma_wait3A_603 : memref<4x1024xf32, #tpu.memory_space<hbm>>)
        %dma_wait3A_608 = arith.constant 0 : i32
        %dma_wait3A_609 = arith.constant 3 : i32
        %dma_wait3A_610 = arith.constant 3 : i32
        %dma_wait3A_611 = arith.constant 0 : i32
        %dma_wait3A_612 = arith.constant 0 : i32
        %dma_wait3A_613 = tpu.memref_slice %arg7[%dma_wait3A_608, %dma_wait3A_609, %dma_wait3A_611, %dma_wait3A_612] : memref<2x4x4x1024xf32, #tpu.memory_space<vmem>> -> memref<1x1x4x1024xf32, #tpu.memory_space<vmem>>
        %dma_wait3A_614 = tpu.memref_squeeze %dma_wait3A_613 : memref<1x1x4x1024xf32, #tpu.memory_space<vmem>> -> memref<4x1024xf32, #tpu.memory_space<vmem>>
        %dma_wait3A_615 = arith.constant 0 : i32
        %dma_wait3A_616 = tpu.memref_slice %arg3[%dma_wait3A_610, %add3A_556, %dma_wait3A_615] : memref<4x4096x1024xf32, #tpu.memory_space<hbm>> -> memref<1x4x1024xf32, #tpu.memory_space<hbm>>
        %dma_wait3A_617 = tpu.memref_squeeze %dma_wait3A_616 : memref<1x4x1024xf32, #tpu.memory_space<hbm>> -> memref<4x1024xf32, #tpu.memory_space<hbm>>
        %dma_wait3A_618 = arith.constant 0 : i32
        %dma_wait3A_619 = tpu.memref_slice %arg3[%dma_wait3A_610, %add3A_556, %dma_wait3A_618] : memref<4x4096x1024xf32, #tpu.memory_space<hbm>> -> memref<1x4x1024xf32, #tpu.memory_space<hbm>>
        %dma_wait3A_620 = tpu.memref_squeeze %dma_wait3A_619 : memref<1x4x1024xf32, #tpu.memory_space<hbm>> -> memref<4x1024xf32, #tpu.memory_space<hbm>>
        %dma_wait3A_621 = arith.constant 0 : i32
        %dma_wait3A_622 = arith.constant 0 : i32
        %dma_wait3A_623 = tpu.memref_slice %arg7[%dma_wait3A_608, %dma_wait3A_609, %dma_wait3A_621, %dma_wait3A_622] : memref<2x4x4x1024xf32, #tpu.memory_space<vmem>> -> memref<1x1x4x1024xf32, #tpu.memory_space<vmem>>
        %dma_wait3A_624 = tpu.memref_squeeze %dma_wait3A_623 : memref<1x1x4x1024xf32, #tpu.memory_space<vmem>> -> memref<4x1024xf32, #tpu.memory_space<vmem>>
        tpu.wait_dma2 semaphore(%arg9 : memref<!tpu.dma_semaphore, #tpu.memory_space<semaphore_mem>>) src(%dma_wait3A_624 : memref<4x1024xf32, #tpu.memory_space<vmem>>) dst(%dma_wait3A_620 : memref<4x1024xf32, #tpu.memory_space<hbm>>)
      } else {
      }
      %mul3A_306 = arith.constant 4 : i32
      %mul3A_307 = arith.muli %add3A_226, %mul3A_306 : i32
      %add3A_308 = arith.addi %mul3A_7, %mul3A_307 : i32
      %scan3A_309 = arith.constant 0 : i32
      %scan3A_310 = arith.constant 0 : i32
      %scan3A_311 = arith.constant 64 : i32
      %scan3A_312 = arith.addi %scan3A_310, %scan3A_311 : i32
      %scan3A_313 = arith.constant 1 : i32
      scf.for %scan3A_553 = %scan3A_310 to %scan3A_312 step %scan3A_313  : i32 {
        %mul3A_554 = arith.constant 16 : i32
        %mul3A_555 = arith.muli %scan3A_553, %mul3A_554 : i32
        %get3A = arith.index_cast %mul3A_555 : i32 to index
        %get3A_556 = tpu.vector_load %arg4[%get3A] {strides = array<i32>} : memref<1024xf32, #tpu.memory_space<vmem>>, vector<16xf32>,
        %get3A_557 = vector.shape_cast %get3A_556 : vector<16xf32> to vector<16xf32>
        %mul3A_558 = arith.constant 16 : i32
        %mul3A_559 = arith.muli %scan3A_553, %mul3A_558 : i32
        %get3A_560 = arith.index_cast %mul3A_559 : i32 to index
        %get3A_561 = tpu.vector_load %arg5[%get3A_560] {strides = array<i32>} : memref<1024xf32, #tpu.memory_space<vmem>>, vector<16xf32>,
        %get3A_562 = vector.shape_cast %get3A_561 : vector<16xf32> to vector<16xf32>
        %add3A_563 = arith.constant 0 : i32
        %add3A_564 = arith.addi %add3A_308, %add3A_563 : i32
        %convert_element_type3A_565 = arith.sitofp %add3A_564 : i32 to f32
        %mul3A_566 = vector.broadcast %convert_element_type3A_565 : f32 to vector<16xf32>
        %mul3A_567 = arith.mulf %mul3A_566, %get3A_557 : vector<16xf32>
        %add3A_568 = arith.addf %mul3A_567, %get3A_562 : vector<16xf32>
        %add3A_569 = arith.constant 5.000000e-01 : f32
        %add3A_570 = vector.broadcast %add3A_569 : f32 to vector<16xf32>
        %add3A_571 = arith.addf %add3A_568, %add3A_570 : vector<16xf32>
        %convert_element_type3A_572 = arith.fptosi %add3A_571 : vector<16xf32> to vector<16xi32>
        %convert_element_type3A_573 = arith.sitofp %convert_element_type3A_572 : vector<16xi32> to vector<16xf32>
        %sub3A = arith.subf %add3A_568, %convert_element_type3A_573 : vector<16xf32>
        %mul3A_574 = arith.mulf %sub3A, %sub3A : vector<16xf32>
        %mul3A_575 = arith.constant 33.1688499 : f32
        %mul3A_576 = vector.broadcast %mul3A_575 : f32 to vector<16xf32>
        %mul3A_577 = arith.mulf %mul3A_574, %mul3A_576 : vector<16xf32>
        %add3A_578 = arith.constant -74.676239 : f32
        %add3A_579 = vector.broadcast %add3A_578 : f32 to vector<16xf32>
        %add3A_580 = arith.addf %add3A_579, %mul3A_577 : vector<16xf32>
        %mul3A_581 = arith.mulf %mul3A_574, %add3A_580 : vector<16xf32>
        %add3A_582 = arith.constant 81.4001464 : f32
        %add3A_583 = vector.broadcast %add3A_582 : f32 to vector<16xf32>
        %add3A_584 = arith.addf %add3A_583, %mul3A_581 : vector<16xf32>
        %mul3A_585 = arith.mulf %mul3A_574, %add3A_584 : vector<16xf32>
        %add3A_586 = arith.constant -41.333252 : f32
        %add3A_587 = vector.broadcast %add3A_586 : f32 to vector<16xf32>
        %add3A_588 = arith.addf %add3A_587, %mul3A_585 : vector<16xf32>
        %mul3A_589 = arith.mulf %mul3A_574, %add3A_588 : vector<16xf32>
        %add3A_590 = arith.constant 6.28308868 : f32
        %add3A_591 = vector.broadcast %add3A_590 : f32 to vector<16xf32>
        %add3A_592 = arith.addf %add3A_591, %mul3A_589 : vector<16xf32>
        %mul3A_593 = arith.mulf %sub3A, %add3A_592 : vector<16xf32>
        %mul3A_594 = arith.constant 16 : i32
        %mul3A_595 = arith.muli %scan3A_553, %mul3A_594 : i32
        %get3A_596 = arith.constant 0 : i32
        %get3A_597 = arith.constant 0 : i32
        %get3A_598 = arith.constant 0 : i32
        %get3A_599 = arith.index_cast %get3A_596 : i32 to index
        %get3A_600 = arith.index_cast %get3A_597 : i32 to index
        %get3A_601 = arith.index_cast %get3A_598 : i32 to index
        %get3A_602 = arith.index_cast %mul3A_595 : i32 to index
        %get3A_603 = tpu.vector_load %arg6[%get3A_599, %get3A_600, %get3A_601, %get3A_602] {strides = array<i32>} : memref<2x4x4x1024xf32, #tpu.memory_space<vmem>>, vector<1x1x1x16xf32>,
        %get3A_604 = vector.shape_cast %get3A_603 : vector<1x1x1x16xf32> to vector<16xf32>
        %eq3A = arith.constant 0.000000e+00 : f32
        %eq3A_605 = vector.broadcast %eq3A : f32 to vector<16xf32>
        %eq3A_606 = arith.cmpf oeq, %get3A_604, %eq3A_605 : vector<16xf32>
        %jit3A = arith.constant 0.000000e+00 : f32
        %broadcast_in_dim3A = vector.broadcast %jit3A : f32 to vector<16xf32>
        %select_n3A = arith.select %eq3A_606, %broadcast_in_dim3A, %mul3A_593 : vector<16xi1>, vector<16xf32>
        %mul3A_607 = arith.constant 16 : i32
        %mul3A_608 = arith.muli %scan3A_553, %mul3A_607 : i32
        %swap3A = arith.constant 0 : i32
        %swap3A_609 = arith.constant 0 : i32
        %swap3A_610 = arith.constant 0 : i32
        %swap3A_611 = arith.index_cast %swap3A : i32 to index
        %swap3A_612 = arith.index_cast %swap3A_609 : i32 to index
        %swap3A_613 = arith.index_cast %swap3A_610 : i32 to index
        %swap3A_614 = arith.index_cast %mul3A_608 : i32 to index
        %swap3A_615 = tpu.vector_load %arg7[%swap3A_611, %swap3A_612, %swap3A_613, %swap3A_614] {strides = array<i32>} : memref<2x4x4x1024xf32, #tpu.memory_space<vmem>>, vector<1x1x1x16xf32>,
        %swap3A_616 = vector.shape_cast %swap3A_615 : vector<1x1x1x16xf32> to vector<16xf32>
        %swap3A_617 = vector.shape_cast %select_n3A : vector<16xf32> to vector<1x1x1x16xf32>
        tpu.vector_store %arg7[%swap3A_611, %swap3A_612, %swap3A_613, %swap3A_614], %swap3A_617 {strides = array<i32>} : memref<2x4x4x1024xf32, #tpu.memory_space<vmem>>, vector<1x1x1x16xf32>,
        %mul3A_618 = arith.constant 16 : i32
        %mul3A_619 = arith.muli %scan3A_553, %mul3A_618 : i32
        %get3A_620 = arith.constant 0 : i32
        %get3A_621 = arith.constant 1 : i32
        %get3A_622 = arith.constant 0 : i32
        %get3A_623 = arith.index_cast %get3A_620 : i32 to index
        %get3A_624 = arith.index_cast %get3A_621 : i32 to index
        %get3A_625 = arith.index_cast %get3A_622 : i32 to index
        %get3A_626 = arith.index_cast %mul3A_619 : i32 to index
        %get3A_627 = tpu.vector_load %arg6[%get3A_623, %get3A_624, %get3A_625, %get3A_626] {strides = array<i32>} : memref<2x4x4x1024xf32, #tpu.memory_space<vmem>>, vector<1x1x1x16xf32>,
        %get3A_628 = vector.shape_cast %get3A_627 : vector<1x1x1x16xf32> to vector<16xf32>
        %eq3A_629 = arith.constant 0.000000e+00 : f32
        %eq3A_630 = vector.broadcast %eq3A_629 : f32 to vector<16xf32>
        %eq3A_631 = arith.cmpf oeq, %get3A_628, %eq3A_630 : vector<16xf32>
        %jit3A_632 = arith.constant 0.000000e+00 : f32
        %broadcast_in_dim3A_633 = vector.broadcast %jit3A_632 : f32 to vector<16xf32>
        %select_n3A_634 = arith.select %eq3A_631, %broadcast_in_dim3A_633, %mul3A_593 : vector<16xi1>, vector<16xf32>
        %mul3A_635 = arith.constant 16 : i32
        %mul3A_636 = arith.muli %scan3A_553, %mul3A_635 : i32
        %swap3A_637 = arith.constant 0 : i32
        %swap3A_638 = arith.constant 1 : i32
        %swap3A_639 = arith.constant 0 : i32
        %swap3A_640 = arith.index_cast %swap3A_637 : i32 to index
        %swap3A_641 = arith.index_cast %swap3A_638 : i32 to index
        %swap3A_642 = arith.index_cast %swap3A_639 : i32 to index
        %swap3A_643 = arith.index_cast %mul3A_636 : i32 to index
        %swap3A_644 = tpu.vector_load %arg7[%swap3A_640, %swap3A_641, %swap3A_642, %swap3A_643] {strides = array<i32>} : memref<2x4x4x1024xf32, #tpu.memory_space<vmem>>, vector<1x1x1x16xf32>,
        %swap3A_645 = vector.shape_cast %swap3A_644 : vector<1x1x1x16xf32> to vector<16xf32>
        %swap3A_646 = vector.shape_cast %select_n3A_634 : vector<16xf32> to vector<1x1x1x16xf32>
        tpu.vector_store %arg7[%swap3A_640, %swap3A_641, %swap3A_642, %swap3A_643], %swap3A_646 {strides = array<i32>} : memref<2x4x4x1024xf32, #tpu.memory_space<vmem>>, vector<1x1x1x16xf32>,
        %mul3A_647 = arith.constant 16 : i32
        %mul3A_648 = arith.muli %scan3A_553, %mul3A_647 : i32
        %get3A_649 = arith.constant 0 : i32
        %get3A_650 = arith.constant 2 : i32
        %get3A_651 = arith.constant 0 : i32
        %get3A_652 = arith.index_cast %get3A_649 : i32 to index
        %get3A_653 = arith.index_cast %get3A_650 : i32 to index
        %get3A_654 = arith.index_cast %get3A_651 : i32 to index
        %get3A_655 = arith.index_cast %mul3A_648 : i32 to index
        %get3A_656 = tpu.vector_load %arg6[%get3A_652, %get3A_653, %get3A_654, %get3A_655] {strides = array<i32>} : memref<2x4x4x1024xf32, #tpu.memory_space<vmem>>, vector<1x1x1x16xf32>,
        %get3A_657 = vector.shape_cast %get3A_656 : vector<1x1x1x16xf32> to vector<16xf32>
        %eq3A_658 = arith.constant 0.000000e+00 : f32
        %eq3A_659 = vector.broadcast %eq3A_658 : f32 to vector<16xf32>
        %eq3A_660 = arith.cmpf oeq, %get3A_657, %eq3A_659 : vector<16xf32>
        %jit3A_661 = arith.constant 0.000000e+00 : f32
        %broadcast_in_dim3A_662 = vector.broadcast %jit3A_661 : f32 to vector<16xf32>
        %select_n3A_663 = arith.select %eq3A_660, %broadcast_in_dim3A_662, %mul3A_593 : vector<16xi1>, vector<16xf32>
        %mul3A_664 = arith.constant 16 : i32
        %mul3A_665 = arith.muli %scan3A_553, %mul3A_664 : i32
        %swap3A_666 = arith.constant 0 : i32
        %swap3A_667 = arith.constant 2 : i32
        %swap3A_668 = arith.constant 0 : i32
        %swap3A_669 = arith.index_cast %swap3A_666 : i32 to index
        %swap3A_670 = arith.index_cast %swap3A_667 : i32 to index
        %swap3A_671 = arith.index_cast %swap3A_668 : i32 to index
        %swap3A_672 = arith.index_cast %mul3A_665 : i32 to index
        %swap3A_673 = tpu.vector_load %arg7[%swap3A_669, %swap3A_670, %swap3A_671, %swap3A_672] {strides = array<i32>} : memref<2x4x4x1024xf32, #tpu.memory_space<vmem>>, vector<1x1x1x16xf32>,
        %swap3A_674 = vector.shape_cast %swap3A_673 : vector<1x1x1x16xf32> to vector<16xf32>
        %swap3A_675 = vector.shape_cast %select_n3A_663 : vector<16xf32> to vector<1x1x1x16xf32>
        tpu.vector_store %arg7[%swap3A_669, %swap3A_670, %swap3A_671, %swap3A_672], %swap3A_675 {strides = array<i32>} : memref<2x4x4x1024xf32, #tpu.memory_space<vmem>>, vector<1x1x1x16xf32>,
        %mul3A_676 = arith.constant 16 : i32
        %mul3A_677 = arith.muli %scan3A_553, %mul3A_676 : i32
        %get3A_678 = arith.constant 0 : i32
        %get3A_679 = arith.constant 3 : i32
        %get3A_680 = arith.constant 0 : i32
        %get3A_681 = arith.index_cast %get3A_678 : i32 to index
        %get3A_682 = arith.index_cast %get3A_679 : i32 to index
        %get3A_683 = arith.index_cast %get3A_680 : i32 to index
        %get3A_684 = arith.index_cast %mul3A_677 : i32 to index
        %get3A_685 = tpu.vector_load %arg6[%get3A_681, %get3A_682, %get3A_683, %get3A_684] {strides = array<i32>} : memref<2x4x4x1024xf32, #tpu.memory_space<vmem>>, vector<1x1x1x16xf32>,
        %get3A_686 = vector.shape_cast %get3A_685 : vector<1x1x1x16xf32> to vector<16xf32>
        %eq3A_687 = arith.constant 0.000000e+00 : f32
        %eq3A_688 = vector.broadcast %eq3A_687 : f32 to vector<16xf32>
        %eq3A_689 = arith.cmpf oeq, %get3A_686, %eq3A_688 : vector<16xf32>
        %jit3A_690 = arith.constant 0.000000e+00 : f32
        %broadcast_in_dim3A_691 = vector.broadcast %jit3A_690 : f32 to vector<16xf32>
        %select_n3A_692 = arith.select %eq3A_689, %broadcast_in_dim3A_691, %mul3A_593 : vector<16xi1>, vector<16xf32>
        %mul3A_693 = arith.constant 16 : i32
        %mul3A_694 = arith.muli %scan3A_553, %mul3A_693 : i32
        %swap3A_695 = arith.constant 0 : i32
        %swap3A_696 = arith.constant 3 : i32
        %swap3A_697 = arith.constant 0 : i32
        %swap3A_698 = arith.index_cast %swap3A_695 : i32 to index
        %swap3A_699 = arith.index_cast %swap3A_696 : i32 to index
        %swap3A_700 = arith.index_cast %swap3A_697 : i32 to index
        %swap3A_701 = arith.index_cast %mul3A_694 : i32 to index
        %swap3A_702 = tpu.vector_load %arg7[%swap3A_698, %swap3A_699, %swap3A_700, %swap3A_701] {strides = array<i32>} : memref<2x4x4x1024xf32, #tpu.memory_space<vmem>>, vector<1x1x1x16xf32>,
        %swap3A_703 = vector.shape_cast %swap3A_702 : vector<1x1x1x16xf32> to vector<16xf32>
        %swap3A_704 = vector.shape_cast %select_n3A_692 : vector<16xf32> to vector<1x1x1x16xf32>
        tpu.vector_store %arg7[%swap3A_698, %swap3A_699, %swap3A_700, %swap3A_701], %swap3A_704 {strides = array<i32>} : memref<2x4x4x1024xf32, #tpu.memory_space<vmem>>, vector<1x1x1x16xf32>,
        %add3A_705 = arith.constant 1 : i32
        %add3A_706 = arith.addi %add3A_308, %add3A_705 : i32
        %convert_element_type3A_707 = arith.sitofp %add3A_706 : i32 to f32
        %mul3A_708 = vector.broadcast %convert_element_type3A_707 : f32 to vector<16xf32>
        %mul3A_709 = arith.mulf %mul3A_708, %get3A_557 : vector<16xf32>
        %add3A_710 = arith.addf %mul3A_709, %get3A_562 : vector<16xf32>
        %add3A_711 = arith.constant 5.000000e-01 : f32
        %add3A_712 = vector.broadcast %add3A_711 : f32 to vector<16xf32>
        %add3A_713 = arith.addf %add3A_710, %add3A_712 : vector<16xf32>
        %convert_element_type3A_714 = arith.fptosi %add3A_713 : vector<16xf32> to vector<16xi32>
        %convert_element_type3A_715 = arith.sitofp %convert_element_type3A_714 : vector<16xi32> to vector<16xf32>
        %sub3A_716 = arith.subf %add3A_710, %convert_element_type3A_715 : vector<16xf32>
        %mul3A_717 = arith.mulf %sub3A_716, %sub3A_716 : vector<16xf32>
        %mul3A_718 = arith.constant 33.1688499 : f32
        %mul3A_719 = vector.broadcast %mul3A_718 : f32 to vector<16xf32>
        %mul3A_720 = arith.mulf %mul3A_717, %mul3A_719 : vector<16xf32>
        %add3A_721 = arith.constant -74.676239 : f32
        %add3A_722 = vector.broadcast %add3A_721 : f32 to vector<16xf32>
        %add3A_723 = arith.addf %add3A_722, %mul3A_720 : vector<16xf32>
        %mul3A_724 = arith.mulf %mul3A_717, %add3A_723 : vector<16xf32>
        %add3A_725 = arith.constant 81.4001464 : f32
        %add3A_726 = vector.broadcast %add3A_725 : f32 to vector<16xf32>
        %add3A_727 = arith.addf %add3A_726, %mul3A_724 : vector<16xf32>
        %mul3A_728 = arith.mulf %mul3A_717, %add3A_727 : vector<16xf32>
        %add3A_729 = arith.constant -41.333252 : f32
        %add3A_730 = vector.broadcast %add3A_729 : f32 to vector<16xf32>
        %add3A_731 = arith.addf %add3A_730, %mul3A_728 : vector<16xf32>
        %mul3A_732 = arith.mulf %mul3A_717, %add3A_731 : vector<16xf32>
        %add3A_733 = arith.constant 6.28308868 : f32
        %add3A_734 = vector.broadcast %add3A_733 : f32 to vector<16xf32>
        %add3A_735 = arith.addf %add3A_734, %mul3A_732 : vector<16xf32>
        %mul3A_736 = arith.mulf %sub3A_716, %add3A_735 : vector<16xf32>
        %mul3A_737 = arith.constant 16 : i32
        %mul3A_738 = arith.muli %scan3A_553, %mul3A_737 : i32
        %get3A_739 = arith.constant 0 : i32
        %get3A_740 = arith.constant 0 : i32
        %get3A_741 = arith.constant 1 : i32
        %get3A_742 = arith.index_cast %get3A_739 : i32 to index
        %get3A_743 = arith.index_cast %get3A_740 : i32 to index
        %get3A_744 = arith.index_cast %get3A_741 : i32 to index
        %get3A_745 = arith.index_cast %mul3A_738 : i32 to index
        %get3A_746 = tpu.vector_load %arg6[%get3A_742, %get3A_743, %get3A_744, %get3A_745] {strides = array<i32>} : memref<2x4x4x1024xf32, #tpu.memory_space<vmem>>, vector<1x1x1x16xf32>,
        %get3A_747 = vector.shape_cast %get3A_746 : vector<1x1x1x16xf32> to vector<16xf32>
        %eq3A_748 = arith.constant 0.000000e+00 : f32
        %eq3A_749 = vector.broadcast %eq3A_748 : f32 to vector<16xf32>
        %eq3A_750 = arith.cmpf oeq, %get3A_747, %eq3A_749 : vector<16xf32>
        %jit3A_751 = arith.constant 0.000000e+00 : f32
        %broadcast_in_dim3A_752 = vector.broadcast %jit3A_751 : f32 to vector<16xf32>
        %select_n3A_753 = arith.select %eq3A_750, %broadcast_in_dim3A_752, %mul3A_736 : vector<16xi1>, vector<16xf32>
        %mul3A_754 = arith.constant 16 : i32
        %mul3A_755 = arith.muli %scan3A_553, %mul3A_754 : i32
        %swap3A_756 = arith.constant 0 : i32
        %swap3A_757 = arith.constant 0 : i32
        %swap3A_758 = arith.constant 1 : i32
        %swap3A_759 = arith.index_cast %swap3A_756 : i32 to index
        %swap3A_760 = arith.index_cast %swap3A_757 : i32 to index
        %swap3A_761 = arith.index_cast %swap3A_758 : i32 to index
        %swap3A_762 = arith.index_cast %mul3A_755 : i32 to index
        %swap3A_763 = tpu.vector_load %arg7[%swap3A_759, %swap3A_760, %swap3A_761, %swap3A_762] {strides = array<i32>} : memref<2x4x4x1024xf32, #tpu.memory_space<vmem>>, vector<1x1x1x16xf32>,
        %swap3A_764 = vector.shape_cast %swap3A_763 : vector<1x1x1x16xf32> to vector<16xf32>
        %swap3A_765 = vector.shape_cast %select_n3A_753 : vector<16xf32> to vector<1x1x1x16xf32>
        tpu.vector_store %arg7[%swap3A_759, %swap3A_760, %swap3A_761, %swap3A_762], %swap3A_765 {strides = array<i32>} : memref<2x4x4x1024xf32, #tpu.memory_space<vmem>>, vector<1x1x1x16xf32>,
        %mul3A_766 = arith.constant 16 : i32
        %mul3A_767 = arith.muli %scan3A_553, %mul3A_766 : i32
        %get3A_768 = arith.constant 0 : i32
        %get3A_769 = arith.constant 1 : i32
        %get3A_770 = arith.constant 1 : i32
        %get3A_771 = arith.index_cast %get3A_768 : i32 to index
        %get3A_772 = arith.index_cast %get3A_769 : i32 to index
        %get3A_773 = arith.index_cast %get3A_770 : i32 to index
        %get3A_774 = arith.index_cast %mul3A_767 : i32 to index
        %get3A_775 = tpu.vector_load %arg6[%get3A_771, %get3A_772, %get3A_773, %get3A_774] {strides = array<i32>} : memref<2x4x4x1024xf32, #tpu.memory_space<vmem>>, vector<1x1x1x16xf32>,
        %get3A_776 = vector.shape_cast %get3A_775 : vector<1x1x1x16xf32> to vector<16xf32>
        %eq3A_777 = arith.constant 0.000000e+00 : f32
        %eq3A_778 = vector.broadcast %eq3A_777 : f32 to vector<16xf32>
        %eq3A_779 = arith.cmpf oeq, %get3A_776, %eq3A_778 : vector<16xf32>
        %jit3A_780 = arith.constant 0.000000e+00 : f32
        %broadcast_in_dim3A_781 = vector.broadcast %jit3A_780 : f32 to vector<16xf32>
        %select_n3A_782 = arith.select %eq3A_779, %broadcast_in_dim3A_781, %mul3A_736 : vector<16xi1>, vector<16xf32>
        %mul3A_783 = arith.constant 16 : i32
        %mul3A_784 = arith.muli %scan3A_553, %mul3A_783 : i32
        %swap3A_785 = arith.constant 0 : i32
        %swap3A_786 = arith.constant 1 : i32
        %swap3A_787 = arith.constant 1 : i32
        %swap3A_788 = arith.index_cast %swap3A_785 : i32 to index
        %swap3A_789 = arith.index_cast %swap3A_786 : i32 to index
        %swap3A_790 = arith.index_cast %swap3A_787 : i32 to index
        %swap3A_791 = arith.index_cast %mul3A_784 : i32 to index
        %swap3A_792 = tpu.vector_load %arg7[%swap3A_788, %swap3A_789, %swap3A_790, %swap3A_791] {strides = array<i32>} : memref<2x4x4x1024xf32, #tpu.memory_space<vmem>>, vector<1x1x1x16xf32>,
        %swap3A_793 = vector.shape_cast %swap3A_792 : vector<1x1x1x16xf32> to vector<16xf32>
        %swap3A_794 = vector.shape_cast %select_n3A_782 : vector<16xf32> to vector<1x1x1x16xf32>
        tpu.vector_store %arg7[%swap3A_788, %swap3A_789, %swap3A_790, %swap3A_791], %swap3A_794 {strides = array<i32>} : memref<2x4x4x1024xf32, #tpu.memory_space<vmem>>, vector<1x1x1x16xf32>,
        %mul3A_795 = arith.constant 16 : i32
        %mul3A_796 = arith.muli %scan3A_553, %mul3A_795 : i32
        %get3A_797 = arith.constant 0 : i32
        %get3A_798 = arith.constant 2 : i32
        %get3A_799 = arith.constant 1 : i32
        %get3A_800 = arith.index_cast %get3A_797 : i32 to index
        %get3A_801 = arith.index_cast %get3A_798 : i32 to index
        %get3A_802 = arith.index_cast %get3A_799 : i32 to index
        %get3A_803 = arith.index_cast %mul3A_796 : i32 to index
        %get3A_804 = tpu.vector_load %arg6[%get3A_800, %get3A_801, %get3A_802, %get3A_803] {strides = array<i32>} : memref<2x4x4x1024xf32, #tpu.memory_space<vmem>>, vector<1x1x1x16xf32>,
        %get3A_805 = vector.shape_cast %get3A_804 : vector<1x1x1x16xf32> to vector<16xf32>
        %eq3A_806 = arith.constant 0.000000e+00 : f32
        %eq3A_807 = vector.broadcast %eq3A_806 : f32 to vector<16xf32>
        %eq3A_808 = arith.cmpf oeq, %get3A_805, %eq3A_807 : vector<16xf32>
        %jit3A_809 = arith.constant 0.000000e+00 : f32
        %broadcast_in_dim3A_810 = vector.broadcast %jit3A_809 : f32 to vector<16xf32>
        %select_n3A_811 = arith.select %eq3A_808, %broadcast_in_dim3A_810, %mul3A_736 : vector<16xi1>, vector<16xf32>
        %mul3A_812 = arith.constant 16 : i32
        %mul3A_813 = arith.muli %scan3A_553, %mul3A_812 : i32
        %swap3A_814 = arith.constant 0 : i32
        %swap3A_815 = arith.constant 2 : i32
        %swap3A_816 = arith.constant 1 : i32
        %swap3A_817 = arith.index_cast %swap3A_814 : i32 to index
        %swap3A_818 = arith.index_cast %swap3A_815 : i32 to index
        %swap3A_819 = arith.index_cast %swap3A_816 : i32 to index
        %swap3A_820 = arith.index_cast %mul3A_813 : i32 to index
        %swap3A_821 = tpu.vector_load %arg7[%swap3A_817, %swap3A_818, %swap3A_819, %swap3A_820] {strides = array<i32>} : memref<2x4x4x1024xf32, #tpu.memory_space<vmem>>, vector<1x1x1x16xf32>,
        %swap3A_822 = vector.shape_cast %swap3A_821 : vector<1x1x1x16xf32> to vector<16xf32>
        %swap3A_823 = vector.shape_cast %select_n3A_811 : vector<16xf32> to vector<1x1x1x16xf32>
        tpu.vector_store %arg7[%swap3A_817, %swap3A_818, %swap3A_819, %swap3A_820], %swap3A_823 {strides = array<i32>} : memref<2x4x4x1024xf32, #tpu.memory_space<vmem>>, vector<1x1x1x16xf32>,
        %mul3A_824 = arith.constant 16 : i32
        %mul3A_825 = arith.muli %scan3A_553, %mul3A_824 : i32
        %get3A_826 = arith.constant 0 : i32
        %get3A_827 = arith.constant 3 : i32
        %get3A_828 = arith.constant 1 : i32
        %get3A_829 = arith.index_cast %get3A_826 : i32 to index
        %get3A_830 = arith.index_cast %get3A_827 : i32 to index
        %get3A_831 = arith.index_cast %get3A_828 : i32 to index
        %get3A_832 = arith.index_cast %mul3A_825 : i32 to index
        %get3A_833 = tpu.vector_load %arg6[%get3A_829, %get3A_830, %get3A_831, %get3A_832] {strides = array<i32>} : memref<2x4x4x1024xf32, #tpu.memory_space<vmem>>, vector<1x1x1x16xf32>,
        %get3A_834 = vector.shape_cast %get3A_833 : vector<1x1x1x16xf32> to vector<16xf32>
        %eq3A_835 = arith.constant 0.000000e+00 : f32
        %eq3A_836 = vector.broadcast %eq3A_835 : f32 to vector<16xf32>
        %eq3A_837 = arith.cmpf oeq, %get3A_834, %eq3A_836 : vector<16xf32>
        %jit3A_838 = arith.constant 0.000000e+00 : f32
        %broadcast_in_dim3A_839 = vector.broadcast %jit3A_838 : f32 to vector<16xf32>
        %select_n3A_840 = arith.select %eq3A_837, %broadcast_in_dim3A_839, %mul3A_736 : vector<16xi1>, vector<16xf32>
        %mul3A_841 = arith.constant 16 : i32
        %mul3A_842 = arith.muli %scan3A_553, %mul3A_841 : i32
        %swap3A_843 = arith.constant 0 : i32
        %swap3A_844 = arith.constant 3 : i32
        %swap3A_845 = arith.constant 1 : i32
        %swap3A_846 = arith.index_cast %swap3A_843 : i32 to index
        %swap3A_847 = arith.index_cast %swap3A_844 : i32 to index
        %swap3A_848 = arith.index_cast %swap3A_845 : i32 to index
        %swap3A_849 = arith.index_cast %mul3A_842 : i32 to index
        %swap3A_850 = tpu.vector_load %arg7[%swap3A_846, %swap3A_847, %swap3A_848, %swap3A_849] {strides = array<i32>} : memref<2x4x4x1024xf32, #tpu.memory_space<vmem>>, vector<1x1x1x16xf32>,
        %swap3A_851 = vector.shape_cast %swap3A_850 : vector<1x1x1x16xf32> to vector<16xf32>
        %swap3A_852 = vector.shape_cast %select_n3A_840 : vector<16xf32> to vector<1x1x1x16xf32>
        tpu.vector_store %arg7[%swap3A_846, %swap3A_847, %swap3A_848, %swap3A_849], %swap3A_852 {strides = array<i32>} : memref<2x4x4x1024xf32, #tpu.memory_space<vmem>>, vector<1x1x1x16xf32>,
        %add3A_853 = arith.constant 2 : i32
        %add3A_854 = arith.addi %add3A_308, %add3A_853 : i32
        %convert_element_type3A_855 = arith.sitofp %add3A_854 : i32 to f32
        %mul3A_856 = vector.broadcast %convert_element_type3A_855 : f32 to vector<16xf32>
        %mul3A_857 = arith.mulf %mul3A_856, %get3A_557 : vector<16xf32>
        %add3A_858 = arith.addf %mul3A_857, %get3A_562 : vector<16xf32>
        %add3A_859 = arith.constant 5.000000e-01 : f32
        %add3A_860 = vector.broadcast %add3A_859 : f32 to vector<16xf32>
        %add3A_861 = arith.addf %add3A_858, %add3A_860 : vector<16xf32>
        %convert_element_type3A_862 = arith.fptosi %add3A_861 : vector<16xf32> to vector<16xi32>
        %convert_element_type3A_863 = arith.sitofp %convert_element_type3A_862 : vector<16xi32> to vector<16xf32>
        %sub3A_864 = arith.subf %add3A_858, %convert_element_type3A_863 : vector<16xf32>
        %mul3A_865 = arith.mulf %sub3A_864, %sub3A_864 : vector<16xf32>
        %mul3A_866 = arith.constant 33.1688499 : f32
        %mul3A_867 = vector.broadcast %mul3A_866 : f32 to vector<16xf32>
        %mul3A_868 = arith.mulf %mul3A_865, %mul3A_867 : vector<16xf32>
        %add3A_869 = arith.constant -74.676239 : f32
        %add3A_870 = vector.broadcast %add3A_869 : f32 to vector<16xf32>
        %add3A_871 = arith.addf %add3A_870, %mul3A_868 : vector<16xf32>
        %mul3A_872 = arith.mulf %mul3A_865, %add3A_871 : vector<16xf32>
        %add3A_873 = arith.constant 81.4001464 : f32
        %add3A_874 = vector.broadcast %add3A_873 : f32 to vector<16xf32>
        %add3A_875 = arith.addf %add3A_874, %mul3A_872 : vector<16xf32>
        %mul3A_876 = arith.mulf %mul3A_865, %add3A_875 : vector<16xf32>
        %add3A_877 = arith.constant -41.333252 : f32
        %add3A_878 = vector.broadcast %add3A_877 : f32 to vector<16xf32>
        %add3A_879 = arith.addf %add3A_878, %mul3A_876 : vector<16xf32>
        %mul3A_880 = arith.mulf %mul3A_865, %add3A_879 : vector<16xf32>
        %add3A_881 = arith.constant 6.28308868 : f32
        %add3A_882 = vector.broadcast %add3A_881 : f32 to vector<16xf32>
        %add3A_883 = arith.addf %add3A_882, %mul3A_880 : vector<16xf32>
        %mul3A_884 = arith.mulf %sub3A_864, %add3A_883 : vector<16xf32>
        %mul3A_885 = arith.constant 16 : i32
        %mul3A_886 = arith.muli %scan3A_553, %mul3A_885 : i32
        %get3A_887 = arith.constant 0 : i32
        %get3A_888 = arith.constant 0 : i32
        %get3A_889 = arith.constant 2 : i32
        %get3A_890 = arith.index_cast %get3A_887 : i32 to index
        %get3A_891 = arith.index_cast %get3A_888 : i32 to index
        %get3A_892 = arith.index_cast %get3A_889 : i32 to index
        %get3A_893 = arith.index_cast %mul3A_886 : i32 to index
        %get3A_894 = tpu.vector_load %arg6[%get3A_890, %get3A_891, %get3A_892, %get3A_893] {strides = array<i32>} : memref<2x4x4x1024xf32, #tpu.memory_space<vmem>>, vector<1x1x1x16xf32>,
        %get3A_895 = vector.shape_cast %get3A_894 : vector<1x1x1x16xf32> to vector<16xf32>
        %eq3A_896 = arith.constant 0.000000e+00 : f32
        %eq3A_897 = vector.broadcast %eq3A_896 : f32 to vector<16xf32>
        %eq3A_898 = arith.cmpf oeq, %get3A_895, %eq3A_897 : vector<16xf32>
        %jit3A_899 = arith.constant 0.000000e+00 : f32
        %broadcast_in_dim3A_900 = vector.broadcast %jit3A_899 : f32 to vector<16xf32>
        %select_n3A_901 = arith.select %eq3A_898, %broadcast_in_dim3A_900, %mul3A_884 : vector<16xi1>, vector<16xf32>
        %mul3A_902 = arith.constant 16 : i32
        %mul3A_903 = arith.muli %scan3A_553, %mul3A_902 : i32
        %swap3A_904 = arith.constant 0 : i32
        %swap3A_905 = arith.constant 0 : i32
        %swap3A_906 = arith.constant 2 : i32
        %swap3A_907 = arith.index_cast %swap3A_904 : i32 to index
        %swap3A_908 = arith.index_cast %swap3A_905 : i32 to index
        %swap3A_909 = arith.index_cast %swap3A_906 : i32 to index
        %swap3A_910 = arith.index_cast %mul3A_903 : i32 to index
        %swap3A_911 = tpu.vector_load %arg7[%swap3A_907, %swap3A_908, %swap3A_909, %swap3A_910] {strides = array<i32>} : memref<2x4x4x1024xf32, #tpu.memory_space<vmem>>, vector<1x1x1x16xf32>,
        %swap3A_912 = vector.shape_cast %swap3A_911 : vector<1x1x1x16xf32> to vector<16xf32>
        %swap3A_913 = vector.shape_cast %select_n3A_901 : vector<16xf32> to vector<1x1x1x16xf32>
        tpu.vector_store %arg7[%swap3A_907, %swap3A_908, %swap3A_909, %swap3A_910], %swap3A_913 {strides = array<i32>} : memref<2x4x4x1024xf32, #tpu.memory_space<vmem>>, vector<1x1x1x16xf32>,
        %mul3A_914 = arith.constant 16 : i32
        %mul3A_915 = arith.muli %scan3A_553, %mul3A_914 : i32
        %get3A_916 = arith.constant 0 : i32
        %get3A_917 = arith.constant 1 : i32
        %get3A_918 = arith.constant 2 : i32
        %get3A_919 = arith.index_cast %get3A_916 : i32 to index
        %get3A_920 = arith.index_cast %get3A_917 : i32 to index
        %get3A_921 = arith.index_cast %get3A_918 : i32 to index
        %get3A_922 = arith.index_cast %mul3A_915 : i32 to index
        %get3A_923 = tpu.vector_load %arg6[%get3A_919, %get3A_920, %get3A_921, %get3A_922] {strides = array<i32>} : memref<2x4x4x1024xf32, #tpu.memory_space<vmem>>, vector<1x1x1x16xf32>,
        %get3A_924 = vector.shape_cast %get3A_923 : vector<1x1x1x16xf32> to vector<16xf32>
        %eq3A_925 = arith.constant 0.000000e+00 : f32
        %eq3A_926 = vector.broadcast %eq3A_925 : f32 to vector<16xf32>
        %eq3A_927 = arith.cmpf oeq, %get3A_924, %eq3A_926 : vector<16xf32>
        %jit3A_928 = arith.constant 0.000000e+00 : f32
        %broadcast_in_dim3A_929 = vector.broadcast %jit3A_928 : f32 to vector<16xf32>
        %select_n3A_930 = arith.select %eq3A_927, %broadcast_in_dim3A_929, %mul3A_884 : vector<16xi1>, vector<16xf32>
        %mul3A_931 = arith.constant 16 : i32
        %mul3A_932 = arith.muli %scan3A_553, %mul3A_931 : i32
        %swap3A_933 = arith.constant 0 : i32
        %swap3A_934 = arith.constant 1 : i32
        %swap3A_935 = arith.constant 2 : i32
        %swap3A_936 = arith.index_cast %swap3A_933 : i32 to index
        %swap3A_937 = arith.index_cast %swap3A_934 : i32 to index
        %swap3A_938 = arith.index_cast %swap3A_935 : i32 to index
        %swap3A_939 = arith.index_cast %mul3A_932 : i32 to index
        %swap3A_940 = tpu.vector_load %arg7[%swap3A_936, %swap3A_937, %swap3A_938, %swap3A_939] {strides = array<i32>} : memref<2x4x4x1024xf32, #tpu.memory_space<vmem>>, vector<1x1x1x16xf32>,
        %swap3A_941 = vector.shape_cast %swap3A_940 : vector<1x1x1x16xf32> to vector<16xf32>
        %swap3A_942 = vector.shape_cast %select_n3A_930 : vector<16xf32> to vector<1x1x1x16xf32>
        tpu.vector_store %arg7[%swap3A_936, %swap3A_937, %swap3A_938, %swap3A_939], %swap3A_942 {strides = array<i32>} : memref<2x4x4x1024xf32, #tpu.memory_space<vmem>>, vector<1x1x1x16xf32>,
        %mul3A_943 = arith.constant 16 : i32
        %mul3A_944 = arith.muli %scan3A_553, %mul3A_943 : i32
        %get3A_945 = arith.constant 0 : i32
        %get3A_946 = arith.constant 2 : i32
        %get3A_947 = arith.constant 2 : i32
        %get3A_948 = arith.index_cast %get3A_945 : i32 to index
        %get3A_949 = arith.index_cast %get3A_946 : i32 to index
        %get3A_950 = arith.index_cast %get3A_947 : i32 to index
        %get3A_951 = arith.index_cast %mul3A_944 : i32 to index
        %get3A_952 = tpu.vector_load %arg6[%get3A_948, %get3A_949, %get3A_950, %get3A_951] {strides = array<i32>} : memref<2x4x4x1024xf32, #tpu.memory_space<vmem>>, vector<1x1x1x16xf32>,
        %get3A_953 = vector.shape_cast %get3A_952 : vector<1x1x1x16xf32> to vector<16xf32>
        %eq3A_954 = arith.constant 0.000000e+00 : f32
        %eq3A_955 = vector.broadcast %eq3A_954 : f32 to vector<16xf32>
        %eq3A_956 = arith.cmpf oeq, %get3A_953, %eq3A_955 : vector<16xf32>
        %jit3A_957 = arith.constant 0.000000e+00 : f32
        %broadcast_in_dim3A_958 = vector.broadcast %jit3A_957 : f32 to vector<16xf32>
        %select_n3A_959 = arith.select %eq3A_956, %broadcast_in_dim3A_958, %mul3A_884 : vector<16xi1>, vector<16xf32>
        %mul3A_960 = arith.constant 16 : i32
        %mul3A_961 = arith.muli %scan3A_553, %mul3A_960 : i32
        %swap3A_962 = arith.constant 0 : i32
        %swap3A_963 = arith.constant 2 : i32
        %swap3A_964 = arith.constant 2 : i32
        %swap3A_965 = arith.index_cast %swap3A_962 : i32 to index
        %swap3A_966 = arith.index_cast %swap3A_963 : i32 to index
        %swap3A_967 = arith.index_cast %swap3A_964 : i32 to index
        %swap3A_968 = arith.index_cast %mul3A_961 : i32 to index
        %swap3A_969 = tpu.vector_load %arg7[%swap3A_965, %swap3A_966, %swap3A_967, %swap3A_968] {strides = array<i32>} : memref<2x4x4x1024xf32, #tpu.memory_space<vmem>>, vector<1x1x1x16xf32>,
        %swap3A_970 = vector.shape_cast %swap3A_969 : vector<1x1x1x16xf32> to vector<16xf32>
        %swap3A_971 = vector.shape_cast %select_n3A_959 : vector<16xf32> to vector<1x1x1x16xf32>
        tpu.vector_store %arg7[%swap3A_965, %swap3A_966, %swap3A_967, %swap3A_968], %swap3A_971 {strides = array<i32>} : memref<2x4x4x1024xf32, #tpu.memory_space<vmem>>, vector<1x1x1x16xf32>,
        %mul3A_972 = arith.constant 16 : i32
        %mul3A_973 = arith.muli %scan3A_553, %mul3A_972 : i32
        %get3A_974 = arith.constant 0 : i32
        %get3A_975 = arith.constant 3 : i32
        %get3A_976 = arith.constant 2 : i32
        %get3A_977 = arith.index_cast %get3A_974 : i32 to index
        %get3A_978 = arith.index_cast %get3A_975 : i32 to index
        %get3A_979 = arith.index_cast %get3A_976 : i32 to index
        %get3A_980 = arith.index_cast %mul3A_973 : i32 to index
        %get3A_981 = tpu.vector_load %arg6[%get3A_977, %get3A_978, %get3A_979, %get3A_980] {strides = array<i32>} : memref<2x4x4x1024xf32, #tpu.memory_space<vmem>>, vector<1x1x1x16xf32>,
        %get3A_982 = vector.shape_cast %get3A_981 : vector<1x1x1x16xf32> to vector<16xf32>
        %eq3A_983 = arith.constant 0.000000e+00 : f32
        %eq3A_984 = vector.broadcast %eq3A_983 : f32 to vector<16xf32>
        %eq3A_985 = arith.cmpf oeq, %get3A_982, %eq3A_984 : vector<16xf32>
        %jit3A_986 = arith.constant 0.000000e+00 : f32
        %broadcast_in_dim3A_987 = vector.broadcast %jit3A_986 : f32 to vector<16xf32>
        %select_n3A_988 = arith.select %eq3A_985, %broadcast_in_dim3A_987, %mul3A_884 : vector<16xi1>, vector<16xf32>
        %mul3A_989 = arith.constant 16 : i32
        %mul3A_990 = arith.muli %scan3A_553, %mul3A_989 : i32
        %swap3A_991 = arith.constant 0 : i32
        %swap3A_992 = arith.constant 3 : i32
        %swap3A_993 = arith.constant 2 : i32
        %swap3A_994 = arith.index_cast %swap3A_991 : i32 to index
        %swap3A_995 = arith.index_cast %swap3A_992 : i32 to index
        %swap3A_996 = arith.index_cast %swap3A_993 : i32 to index
        %swap3A_997 = arith.index_cast %mul3A_990 : i32 to index
        %swap3A_998 = tpu.vector_load %arg7[%swap3A_994, %swap3A_995, %swap3A_996, %swap3A_997] {strides = array<i32>} : memref<2x4x4x1024xf32, #tpu.memory_space<vmem>>, vector<1x1x1x16xf32>,
        %swap3A_999 = vector.shape_cast %swap3A_998 : vector<1x1x1x16xf32> to vector<16xf32>
        %swap3A_1000 = vector.shape_cast %select_n3A_988 : vector<16xf32> to vector<1x1x1x16xf32>
        tpu.vector_store %arg7[%swap3A_994, %swap3A_995, %swap3A_996, %swap3A_997], %swap3A_1000 {strides = array<i32>} : memref<2x4x4x1024xf32, #tpu.memory_space<vmem>>, vector<1x1x1x16xf32>,
        %add3A_1001 = arith.constant 3 : i32
        %add3A_1002 = arith.addi %add3A_308, %add3A_1001 : i32
        %convert_element_type3A_1003 = arith.sitofp %add3A_1002 : i32 to f32
        %mul3A_1004 = vector.broadcast %convert_element_type3A_1003 : f32 to vector<16xf32>
        %mul3A_1005 = arith.mulf %mul3A_1004, %get3A_557 : vector<16xf32>
        %add3A_1006 = arith.addf %mul3A_1005, %get3A_562 : vector<16xf32>
        %add3A_1007 = arith.constant 5.000000e-01 : f32
        %add3A_1008 = vector.broadcast %add3A_1007 : f32 to vector<16xf32>
        %add3A_1009 = arith.addf %add3A_1006, %add3A_1008 : vector<16xf32>
        %convert_element_type3A_1010 = arith.fptosi %add3A_1009 : vector<16xf32> to vector<16xi32>
        %convert_element_type3A_1011 = arith.sitofp %convert_element_type3A_1010 : vector<16xi32> to vector<16xf32>
        %sub3A_1012 = arith.subf %add3A_1006, %convert_element_type3A_1011 : vector<16xf32>
        %mul3A_1013 = arith.mulf %sub3A_1012, %sub3A_1012 : vector<16xf32>
        %mul3A_1014 = arith.constant 33.1688499 : f32
        %mul3A_1015 = vector.broadcast %mul3A_1014 : f32 to vector<16xf32>
        %mul3A_1016 = arith.mulf %mul3A_1013, %mul3A_1015 : vector<16xf32>
        %add3A_1017 = arith.constant -74.676239 : f32
        %add3A_1018 = vector.broadcast %add3A_1017 : f32 to vector<16xf32>
        %add3A_1019 = arith.addf %add3A_1018, %mul3A_1016 : vector<16xf32>
        %mul3A_1020 = arith.mulf %mul3A_1013, %add3A_1019 : vector<16xf32>
        %add3A_1021 = arith.constant 81.4001464 : f32
        %add3A_1022 = vector.broadcast %add3A_1021 : f32 to vector<16xf32>
        %add3A_1023 = arith.addf %add3A_1022, %mul3A_1020 : vector<16xf32>
        %mul3A_1024 = arith.mulf %mul3A_1013, %add3A_1023 : vector<16xf32>
        %add3A_1025 = arith.constant -41.333252 : f32
        %add3A_1026 = vector.broadcast %add3A_1025 : f32 to vector<16xf32>
        %add3A_1027 = arith.addf %add3A_1026, %mul3A_1024 : vector<16xf32>
        %mul3A_1028 = arith.mulf %mul3A_1013, %add3A_1027 : vector<16xf32>
        %add3A_1029 = arith.constant 6.28308868 : f32
        %add3A_1030 = vector.broadcast %add3A_1029 : f32 to vector<16xf32>
        %add3A_1031 = arith.addf %add3A_1030, %mul3A_1028 : vector<16xf32>
        %mul3A_1032 = arith.mulf %sub3A_1012, %add3A_1031 : vector<16xf32>
        %mul3A_1033 = arith.constant 16 : i32
        %mul3A_1034 = arith.muli %scan3A_553, %mul3A_1033 : i32
        %get3A_1035 = arith.constant 0 : i32
        %get3A_1036 = arith.constant 0 : i32
        %get3A_1037 = arith.constant 3 : i32
        %get3A_1038 = arith.index_cast %get3A_1035 : i32 to index
        %get3A_1039 = arith.index_cast %get3A_1036 : i32 to index
        %get3A_1040 = arith.index_cast %get3A_1037 : i32 to index
        %get3A_1041 = arith.index_cast %mul3A_1034 : i32 to index
        %get3A_1042 = tpu.vector_load %arg6[%get3A_1038, %get3A_1039, %get3A_1040, %get3A_1041] {strides = array<i32>} : memref<2x4x4x1024xf32, #tpu.memory_space<vmem>>, vector<1x1x1x16xf32>,
        %get3A_1043 = vector.shape_cast %get3A_1042 : vector<1x1x1x16xf32> to vector<16xf32>
        %eq3A_1044 = arith.constant 0.000000e+00 : f32
        %eq3A_1045 = vector.broadcast %eq3A_1044 : f32 to vector<16xf32>
        %eq3A_1046 = arith.cmpf oeq, %get3A_1043, %eq3A_1045 : vector<16xf32>
        %jit3A_1047 = arith.constant 0.000000e+00 : f32
        %broadcast_in_dim3A_1048 = vector.broadcast %jit3A_1047 : f32 to vector<16xf32>
        %select_n3A_1049 = arith.select %eq3A_1046, %broadcast_in_dim3A_1048, %mul3A_1032 : vector<16xi1>, vector<16xf32>
        %mul3A_1050 = arith.constant 16 : i32
        %mul3A_1051 = arith.muli %scan3A_553, %mul3A_1050 : i32
        %swap3A_1052 = arith.constant 0 : i32
        %swap3A_1053 = arith.constant 0 : i32
        %swap3A_1054 = arith.constant 3 : i32
        %swap3A_1055 = arith.index_cast %swap3A_1052 : i32 to index
        %swap3A_1056 = arith.index_cast %swap3A_1053 : i32 to index
        %swap3A_1057 = arith.index_cast %swap3A_1054 : i32 to index
        %swap3A_1058 = arith.index_cast %mul3A_1051 : i32 to index
        %swap3A_1059 = tpu.vector_load %arg7[%swap3A_1055, %swap3A_1056, %swap3A_1057, %swap3A_1058] {strides = array<i32>} : memref<2x4x4x1024xf32, #tpu.memory_space<vmem>>, vector<1x1x1x16xf32>,
        %swap3A_1060 = vector.shape_cast %swap3A_1059 : vector<1x1x1x16xf32> to vector<16xf32>
        %swap3A_1061 = vector.shape_cast %select_n3A_1049 : vector<16xf32> to vector<1x1x1x16xf32>
        tpu.vector_store %arg7[%swap3A_1055, %swap3A_1056, %swap3A_1057, %swap3A_1058], %swap3A_1061 {strides = array<i32>} : memref<2x4x4x1024xf32, #tpu.memory_space<vmem>>, vector<1x1x1x16xf32>,
        %mul3A_1062 = arith.constant 16 : i32
        %mul3A_1063 = arith.muli %scan3A_553, %mul3A_1062 : i32
        %get3A_1064 = arith.constant 0 : i32
        %get3A_1065 = arith.constant 1 : i32
        %get3A_1066 = arith.constant 3 : i32
        %get3A_1067 = arith.index_cast %get3A_1064 : i32 to index
        %get3A_1068 = arith.index_cast %get3A_1065 : i32 to index
        %get3A_1069 = arith.index_cast %get3A_1066 : i32 to index
        %get3A_1070 = arith.index_cast %mul3A_1063 : i32 to index
        %get3A_1071 = tpu.vector_load %arg6[%get3A_1067, %get3A_1068, %get3A_1069, %get3A_1070] {strides = array<i32>} : memref<2x4x4x1024xf32, #tpu.memory_space<vmem>>, vector<1x1x1x16xf32>,
        %get3A_1072 = vector.shape_cast %get3A_1071 : vector<1x1x1x16xf32> to vector<16xf32>
        %eq3A_1073 = arith.constant 0.000000e+00 : f32
        %eq3A_1074 = vector.broadcast %eq3A_1073 : f32 to vector<16xf32>
        %eq3A_1075 = arith.cmpf oeq, %get3A_1072, %eq3A_1074 : vector<16xf32>
        %jit3A_1076 = arith.constant 0.000000e+00 : f32
        %broadcast_in_dim3A_1077 = vector.broadcast %jit3A_1076 : f32 to vector<16xf32>
        %select_n3A_1078 = arith.select %eq3A_1075, %broadcast_in_dim3A_1077, %mul3A_1032 : vector<16xi1>, vector<16xf32>
        %mul3A_1079 = arith.constant 16 : i32
        %mul3A_1080 = arith.muli %scan3A_553, %mul3A_1079 : i32
        %swap3A_1081 = arith.constant 0 : i32
        %swap3A_1082 = arith.constant 1 : i32
        %swap3A_1083 = arith.constant 3 : i32
        %swap3A_1084 = arith.index_cast %swap3A_1081 : i32 to index
        %swap3A_1085 = arith.index_cast %swap3A_1082 : i32 to index
        %swap3A_1086 = arith.index_cast %swap3A_1083 : i32 to index
        %swap3A_1087 = arith.index_cast %mul3A_1080 : i32 to index
        %swap3A_1088 = tpu.vector_load %arg7[%swap3A_1084, %swap3A_1085, %swap3A_1086, %swap3A_1087] {strides = array<i32>} : memref<2x4x4x1024xf32, #tpu.memory_space<vmem>>, vector<1x1x1x16xf32>,
        %swap3A_1089 = vector.shape_cast %swap3A_1088 : vector<1x1x1x16xf32> to vector<16xf32>
        %swap3A_1090 = vector.shape_cast %select_n3A_1078 : vector<16xf32> to vector<1x1x1x16xf32>
        tpu.vector_store %arg7[%swap3A_1084, %swap3A_1085, %swap3A_1086, %swap3A_1087], %swap3A_1090 {strides = array<i32>} : memref<2x4x4x1024xf32, #tpu.memory_space<vmem>>, vector<1x1x1x16xf32>,
        %mul3A_1091 = arith.constant 16 : i32
        %mul3A_1092 = arith.muli %scan3A_553, %mul3A_1091 : i32
        %get3A_1093 = arith.constant 0 : i32
        %get3A_1094 = arith.constant 2 : i32
        %get3A_1095 = arith.constant 3 : i32
        %get3A_1096 = arith.index_cast %get3A_1093 : i32 to index
        %get3A_1097 = arith.index_cast %get3A_1094 : i32 to index
        %get3A_1098 = arith.index_cast %get3A_1095 : i32 to index
        %get3A_1099 = arith.index_cast %mul3A_1092 : i32 to index
        %get3A_1100 = tpu.vector_load %arg6[%get3A_1096, %get3A_1097, %get3A_1098, %get3A_1099] {strides = array<i32>} : memref<2x4x4x1024xf32, #tpu.memory_space<vmem>>, vector<1x1x1x16xf32>,
        %get3A_1101 = vector.shape_cast %get3A_1100 : vector<1x1x1x16xf32> to vector<16xf32>
        %eq3A_1102 = arith.constant 0.000000e+00 : f32
        %eq3A_1103 = vector.broadcast %eq3A_1102 : f32 to vector<16xf32>
        %eq3A_1104 = arith.cmpf oeq, %get3A_1101, %eq3A_1103 : vector<16xf32>
        %jit3A_1105 = arith.constant 0.000000e+00 : f32
        %broadcast_in_dim3A_1106 = vector.broadcast %jit3A_1105 : f32 to vector<16xf32>
        %select_n3A_1107 = arith.select %eq3A_1104, %broadcast_in_dim3A_1106, %mul3A_1032 : vector<16xi1>, vector<16xf32>
        %mul3A_1108 = arith.constant 16 : i32
        %mul3A_1109 = arith.muli %scan3A_553, %mul3A_1108 : i32
        %swap3A_1110 = arith.constant 0 : i32
        %swap3A_1111 = arith.constant 2 : i32
        %swap3A_1112 = arith.constant 3 : i32
        %swap3A_1113 = arith.index_cast %swap3A_1110 : i32 to index
        %swap3A_1114 = arith.index_cast %swap3A_1111 : i32 to index
        %swap3A_1115 = arith.index_cast %swap3A_1112 : i32 to index
        %swap3A_1116 = arith.index_cast %mul3A_1109 : i32 to index
        %swap3A_1117 = tpu.vector_load %arg7[%swap3A_1113, %swap3A_1114, %swap3A_1115, %swap3A_1116] {strides = array<i32>} : memref<2x4x4x1024xf32, #tpu.memory_space<vmem>>, vector<1x1x1x16xf32>,
        %swap3A_1118 = vector.shape_cast %swap3A_1117 : vector<1x1x1x16xf32> to vector<16xf32>
        %swap3A_1119 = vector.shape_cast %select_n3A_1107 : vector<16xf32> to vector<1x1x1x16xf32>
        tpu.vector_store %arg7[%swap3A_1113, %swap3A_1114, %swap3A_1115, %swap3A_1116], %swap3A_1119 {strides = array<i32>} : memref<2x4x4x1024xf32, #tpu.memory_space<vmem>>, vector<1x1x1x16xf32>,
        %mul3A_1120 = arith.constant 16 : i32
        %mul3A_1121 = arith.muli %scan3A_553, %mul3A_1120 : i32
        %get3A_1122 = arith.constant 0 : i32
        %get3A_1123 = arith.constant 3 : i32
        %get3A_1124 = arith.constant 3 : i32
        %get3A_1125 = arith.index_cast %get3A_1122 : i32 to index
        %get3A_1126 = arith.index_cast %get3A_1123 : i32 to index
        %get3A_1127 = arith.index_cast %get3A_1124 : i32 to index
        %get3A_1128 = arith.index_cast %mul3A_1121 : i32 to index
        %get3A_1129 = tpu.vector_load %arg6[%get3A_1125, %get3A_1126, %get3A_1127, %get3A_1128] {strides = array<i32>} : memref<2x4x4x1024xf32, #tpu.memory_space<vmem>>, vector<1x1x1x16xf32>,
        %get3A_1130 = vector.shape_cast %get3A_1129 : vector<1x1x1x16xf32> to vector<16xf32>
        %eq3A_1131 = arith.constant 0.000000e+00 : f32
        %eq3A_1132 = vector.broadcast %eq3A_1131 : f32 to vector<16xf32>
        %eq3A_1133 = arith.cmpf oeq, %get3A_1130, %eq3A_1132 : vector<16xf32>
        %jit3A_1134 = arith.constant 0.000000e+00 : f32
        %broadcast_in_dim3A_1135 = vector.broadcast %jit3A_1134 : f32 to vector<16xf32>
        %select_n3A_1136 = arith.select %eq3A_1133, %broadcast_in_dim3A_1135, %mul3A_1032 : vector<16xi1>, vector<16xf32>
        %mul3A_1137 = arith.constant 16 : i32
        %mul3A_1138 = arith.muli %scan3A_553, %mul3A_1137 : i32
        %swap3A_1139 = arith.constant 0 : i32
        %swap3A_1140 = arith.constant 3 : i32
        %swap3A_1141 = arith.constant 3 : i32
        %swap3A_1142 = arith.index_cast %swap3A_1139 : i32 to index
        %swap3A_1143 = arith.index_cast %swap3A_1140 : i32 to index
        %swap3A_1144 = arith.index_cast %swap3A_1141 : i32 to index
        %swap3A_1145 = arith.index_cast %mul3A_1138 : i32 to index
        %swap3A_1146 = tpu.vector_load %arg7[%swap3A_1142, %swap3A_1143, %swap3A_1144, %swap3A_1145] {strides = array<i32>} : memref<2x4x4x1024xf32, #tpu.memory_space<vmem>>, vector<1x1x1x16xf32>,
        %swap3A_1147 = vector.shape_cast %swap3A_1146 : vector<1x1x1x16xf32> to vector<16xf32>
        %swap3A_1148 = vector.shape_cast %select_n3A_1136 : vector<16xf32> to vector<1x1x1x16xf32>
        tpu.vector_store %arg7[%swap3A_1142, %swap3A_1143, %swap3A_1144, %swap3A_1145], %swap3A_1148 {strides = array<i32>} : memref<2x4x4x1024xf32, #tpu.memory_space<vmem>>, vector<1x1x1x16xf32>,
      }
      %scan3A_314 = arith.constant 64 : i32
      %mul3A_315 = arith.constant 4 : i32
      %mul3A_316 = arith.muli %add3A_226, %mul3A_315 : i32
      %add3A_317 = arith.addi %mul3A_7, %mul3A_316 : i32
      %dma_start3A_318 = arith.constant 0 : i32
      %dma_start3A_319 = arith.constant 0 : i32
      %dma_start3A_320 = arith.constant 0 : i32
      %dma_start3A_321 = arith.constant 0 : i32
      %dma_start3A_322 = arith.constant 0 : i32
      %dma_start3A_323 = tpu.memref_slice %arg7[%dma_start3A_318, %dma_start3A_319, %dma_start3A_321, %dma_start3A_322] : memref<2x4x4x1024xf32, #tpu.memory_space<vmem>> -> memref<1x1x4x1024xf32, #tpu.memory_space<vmem>>
      %dma_start3A_324 = tpu.memref_squeeze %dma_start3A_323 : memref<1x1x4x1024xf32, #tpu.memory_space<vmem>> -> memref<4x1024xf32, #tpu.memory_space<vmem>>
      %dma_start3A_325 = arith.constant 0 : i32
      %dma_start3A_326 = tpu.memref_slice %arg3[%dma_start3A_320, %add3A_317, %dma_start3A_325] : memref<4x4096x1024xf32, #tpu.memory_space<hbm>> -> memref<1x4x1024xf32, #tpu.memory_space<hbm>>
      %dma_start3A_327 = tpu.memref_squeeze %dma_start3A_326 : memref<1x4x1024xf32, #tpu.memory_space<hbm>> -> memref<4x1024xf32, #tpu.memory_space<hbm>>
      %dma_start3A_328 = arith.constant 0 : i32
      %dma_start3A_329 = tpu.memref_slice %arg3[%dma_start3A_320, %add3A_317, %dma_start3A_328] : memref<4x4096x1024xf32, #tpu.memory_space<hbm>> -> memref<1x4x1024xf32, #tpu.memory_space<hbm>>
      %dma_start3A_330 = tpu.memref_squeeze %dma_start3A_329 : memref<1x4x1024xf32, #tpu.memory_space<hbm>> -> memref<4x1024xf32, #tpu.memory_space<hbm>>
      %dma_start3A_331 = arith.constant 0 : i32
      %dma_start3A_332 = arith.constant 0 : i32
      %dma_start3A_333 = tpu.memref_slice %arg7[%dma_start3A_318, %dma_start3A_319, %dma_start3A_331, %dma_start3A_332] : memref<2x4x4x1024xf32, #tpu.memory_space<vmem>> -> memref<1x1x4x1024xf32, #tpu.memory_space<vmem>>
      %dma_start3A_334 = tpu.memref_squeeze %dma_start3A_333 : memref<1x1x4x1024xf32, #tpu.memory_space<vmem>> -> memref<4x1024xf32, #tpu.memory_space<vmem>>
      tpu.enqueue_dma source(%dma_start3A_334 : memref<4x1024xf32, #tpu.memory_space<vmem>>) target(%dma_start3A_330 : memref<4x1024xf32, #tpu.memory_space<hbm>>) target_semaphore(%arg9 : memref<!tpu.dma_semaphore, #tpu.memory_space<semaphore_mem>>)
      %dma_start3A_335 = arith.constant 0 : i32
      %dma_start3A_336 = arith.constant 1 : i32
      %dma_start3A_337 = arith.constant 1 : i32
      %dma_start3A_338 = arith.constant 0 : i32
      %dma_start3A_339 = arith.constant 0 : i32
      %dma_start3A_340 = tpu.memref_slice %arg7[%dma_start3A_335, %dma_start3A_336, %dma_start3A_338, %dma_start3A_339] : memref<2x4x4x1024xf32, #tpu.memory_space<vmem>> -> memref<1x1x4x1024xf32, #tpu.memory_space<vmem>>
      %dma_start3A_341 = tpu.memref_squeeze %dma_start3A_340 : memref<1x1x4x1024xf32, #tpu.memory_space<vmem>> -> memref<4x1024xf32, #tpu.memory_space<vmem>>
      %dma_start3A_342 = arith.constant 0 : i32
      %dma_start3A_343 = tpu.memref_slice %arg3[%dma_start3A_337, %add3A_317, %dma_start3A_342] : memref<4x4096x1024xf32, #tpu.memory_space<hbm>> -> memref<1x4x1024xf32, #tpu.memory_space<hbm>>
      %dma_start3A_344 = tpu.memref_squeeze %dma_start3A_343 : memref<1x4x1024xf32, #tpu.memory_space<hbm>> -> memref<4x1024xf32, #tpu.memory_space<hbm>>
      %dma_start3A_345 = arith.constant 0 : i32
      %dma_start3A_346 = tpu.memref_slice %arg3[%dma_start3A_337, %add3A_317, %dma_start3A_345] : memref<4x4096x1024xf32, #tpu.memory_space<hbm>> -> memref<1x4x1024xf32, #tpu.memory_space<hbm>>
      %dma_start3A_347 = tpu.memref_squeeze %dma_start3A_346 : memref<1x4x1024xf32, #tpu.memory_space<hbm>> -> memref<4x1024xf32, #tpu.memory_space<hbm>>
      %dma_start3A_348 = arith.constant 0 : i32
      %dma_start3A_349 = arith.constant 0 : i32
      %dma_start3A_350 = tpu.memref_slice %arg7[%dma_start3A_335, %dma_start3A_336, %dma_start3A_348, %dma_start3A_349] : memref<2x4x4x1024xf32, #tpu.memory_space<vmem>> -> memref<1x1x4x1024xf32, #tpu.memory_space<vmem>>
      %dma_start3A_351 = tpu.memref_squeeze %dma_start3A_350 : memref<1x1x4x1024xf32, #tpu.memory_space<vmem>> -> memref<4x1024xf32, #tpu.memory_space<vmem>>
      tpu.enqueue_dma source(%dma_start3A_351 : memref<4x1024xf32, #tpu.memory_space<vmem>>) target(%dma_start3A_347 : memref<4x1024xf32, #tpu.memory_space<hbm>>) target_semaphore(%arg9 : memref<!tpu.dma_semaphore, #tpu.memory_space<semaphore_mem>>)
      %dma_start3A_352 = arith.constant 0 : i32
      %dma_start3A_353 = arith.constant 2 : i32
      %dma_start3A_354 = arith.constant 2 : i32
      %dma_start3A_355 = arith.constant 0 : i32
      %dma_start3A_356 = arith.constant 0 : i32
      %dma_start3A_357 = tpu.memref_slice %arg7[%dma_start3A_352, %dma_start3A_353, %dma_start3A_355, %dma_start3A_356] : memref<2x4x4x1024xf32, #tpu.memory_space<vmem>> -> memref<1x1x4x1024xf32, #tpu.memory_space<vmem>>
      %dma_start3A_358 = tpu.memref_squeeze %dma_start3A_357 : memref<1x1x4x1024xf32, #tpu.memory_space<vmem>> -> memref<4x1024xf32, #tpu.memory_space<vmem>>
      %dma_start3A_359 = arith.constant 0 : i32
      %dma_start3A_360 = tpu.memref_slice %arg3[%dma_start3A_354, %add3A_317, %dma_start3A_359] : memref<4x4096x1024xf32, #tpu.memory_space<hbm>> -> memref<1x4x1024xf32, #tpu.memory_space<hbm>>
      %dma_start3A_361 = tpu.memref_squeeze %dma_start3A_360 : memref<1x4x1024xf32, #tpu.memory_space<hbm>> -> memref<4x1024xf32, #tpu.memory_space<hbm>>
      %dma_start3A_362 = arith.constant 0 : i32
      %dma_start3A_363 = tpu.memref_slice %arg3[%dma_start3A_354, %add3A_317, %dma_start3A_362] : memref<4x4096x1024xf32, #tpu.memory_space<hbm>> -> memref<1x4x1024xf32, #tpu.memory_space<hbm>>
      %dma_start3A_364 = tpu.memref_squeeze %dma_start3A_363 : memref<1x4x1024xf32, #tpu.memory_space<hbm>> -> memref<4x1024xf32, #tpu.memory_space<hbm>>
      %dma_start3A_365 = arith.constant 0 : i32
      %dma_start3A_366 = arith.constant 0 : i32
      %dma_start3A_367 = tpu.memref_slice %arg7[%dma_start3A_352, %dma_start3A_353, %dma_start3A_365, %dma_start3A_366] : memref<2x4x4x1024xf32, #tpu.memory_space<vmem>> -> memref<1x1x4x1024xf32, #tpu.memory_space<vmem>>
      %dma_start3A_368 = tpu.memref_squeeze %dma_start3A_367 : memref<1x1x4x1024xf32, #tpu.memory_space<vmem>> -> memref<4x1024xf32, #tpu.memory_space<vmem>>
      tpu.enqueue_dma source(%dma_start3A_368 : memref<4x1024xf32, #tpu.memory_space<vmem>>) target(%dma_start3A_364 : memref<4x1024xf32, #tpu.memory_space<hbm>>) target_semaphore(%arg9 : memref<!tpu.dma_semaphore, #tpu.memory_space<semaphore_mem>>)
      %dma_start3A_369 = arith.constant 0 : i32
      %dma_start3A_370 = arith.constant 3 : i32
      %dma_start3A_371 = arith.constant 3 : i32
      %dma_start3A_372 = arith.constant 0 : i32
      %dma_start3A_373 = arith.constant 0 : i32
      %dma_start3A_374 = tpu.memref_slice %arg7[%dma_start3A_369, %dma_start3A_370, %dma_start3A_372, %dma_start3A_373] : memref<2x4x4x1024xf32, #tpu.memory_space<vmem>> -> memref<1x1x4x1024xf32, #tpu.memory_space<vmem>>
      %dma_start3A_375 = tpu.memref_squeeze %dma_start3A_374 : memref<1x1x4x1024xf32, #tpu.memory_space<vmem>> -> memref<4x1024xf32, #tpu.memory_space<vmem>>
      %dma_start3A_376 = arith.constant 0 : i32
      %dma_start3A_377 = tpu.memref_slice %arg3[%dma_start3A_371, %add3A_317, %dma_start3A_376] : memref<4x4096x1024xf32, #tpu.memory_space<hbm>> -> memref<1x4x1024xf32, #tpu.memory_space<hbm>>
      %dma_start3A_378 = tpu.memref_squeeze %dma_start3A_377 : memref<1x4x1024xf32, #tpu.memory_space<hbm>> -> memref<4x1024xf32, #tpu.memory_space<hbm>>
      %dma_start3A_379 = arith.constant 0 : i32
      %dma_start3A_380 = tpu.memref_slice %arg3[%dma_start3A_371, %add3A_317, %dma_start3A_379] : memref<4x4096x1024xf32, #tpu.memory_space<hbm>> -> memref<1x4x1024xf32, #tpu.memory_space<hbm>>
      %dma_start3A_381 = tpu.memref_squeeze %dma_start3A_380 : memref<1x4x1024xf32, #tpu.memory_space<hbm>> -> memref<4x1024xf32, #tpu.memory_space<hbm>>
      %dma_start3A_382 = arith.constant 0 : i32
      %dma_start3A_383 = arith.constant 0 : i32
      %dma_start3A_384 = tpu.memref_slice %arg7[%dma_start3A_369, %dma_start3A_370, %dma_start3A_382, %dma_start3A_383] : memref<2x4x4x1024xf32, #tpu.memory_space<vmem>> -> memref<1x1x4x1024xf32, #tpu.memory_space<vmem>>
      %dma_start3A_385 = tpu.memref_squeeze %dma_start3A_384 : memref<1x1x4x1024xf32, #tpu.memory_space<vmem>> -> memref<4x1024xf32, #tpu.memory_space<vmem>>
      tpu.enqueue_dma source(%dma_start3A_385 : memref<4x1024xf32, #tpu.memory_space<vmem>>) target(%dma_start3A_381 : memref<4x1024xf32, #tpu.memory_space<hbm>>) target_semaphore(%arg9 : memref<!tpu.dma_semaphore, #tpu.memory_space<semaphore_mem>>)
      %mul3A_386 = arith.constant 2 : i32
      %mul3A_387 = arith.muli %mul3A_386, %scan3A_222 : i32
      %add3A_388 = arith.constant 1 : i32
      %add3A_389 = arith.addi %mul3A_387, %add3A_388 : i32
      %add3A_390 = arith.constant 1 : i32
      %add3A_391 = arith.addi %add3A_389, %add3A_390 : i32
      %lt3A_392 = arith.constant 32 : i32
      %lt3A_393 = arith.cmpi slt, %add3A_391, %lt3A_392 : i32
      %convert_element_type3A_394 = arith.extui %lt3A_393 : i1 to i32
      %cond3A_395 = arith.constant 0 : i32
      %cond3A_396 = arith.cmpi ne, %convert_element_type3A_394, %cond3A_395 : i32
      scf.if %cond3A_396 {
        %add3A_553 = arith.constant 1 : i32
        %add3A_554 = arith.addi %add3A_389, %add3A_553 : i32
        %mul3A_555 = arith.constant 4 : i32
        %mul3A_556 = arith.muli %add3A_554, %mul3A_555 : i32
        %add3A_557 = arith.addi %mul3A_7, %mul3A_556 : i32
        %dma_start3A_558 = arith.constant 0 : i32
        %dma_start3A_559 = arith.constant 0 : i32
        %dma_start3A_560 = arith.constant 0 : i32
        %dma_start3A_561 = arith.constant 0 : i32
        %dma_start3A_562 = arith.constant 0 : i32
        %dma_start3A_563 = tpu.memref_slice %arg6[%dma_start3A_559, %dma_start3A_560, %dma_start3A_561, %dma_start3A_562] : memref<2x4x4x1024xf32, #tpu.memory_space<vmem>> -> memref<1x1x4x1024xf32, #tpu.memory_space<vmem>>
        %dma_start3A_564 = tpu.memref_squeeze %dma_start3A_563 : memref<1x1x4x1024xf32, #tpu.memory_space<vmem>> -> memref<4x1024xf32, #tpu.memory_space<vmem>>
        %dma_start3A_565 = arith.constant 0 : i32
        %dma_start3A_566 = tpu.memref_slice %arg2[%dma_start3A_558, %add3A_557, %dma_start3A_565] : memref<4x4096x1024xf32, #tpu.memory_space<hbm>> -> memref<1x4x1024xf32, #tpu.memory_space<hbm>>
        %dma_start3A_567 = tpu.memref_squeeze %dma_start3A_566 : memref<1x4x1024xf32, #tpu.memory_space<hbm>> -> memref<4x1024xf32, #tpu.memory_space<hbm>>
        %dma_start3A_568 = arith.constant 0 : i32
        %dma_start3A_569 = arith.constant 0 : i32
        %dma_start3A_570 = tpu.memref_slice %arg6[%dma_start3A_559, %dma_start3A_560, %dma_start3A_568, %dma_start3A_569] : memref<2x4x4x1024xf32, #tpu.memory_space<vmem>> -> memref<1x1x4x1024xf32, #tpu.memory_space<vmem>>
        %dma_start3A_571 = tpu.memref_squeeze %dma_start3A_570 : memref<1x1x4x1024xf32, #tpu.memory_space<vmem>> -> memref<4x1024xf32, #tpu.memory_space<vmem>>
        %dma_start3A_572 = arith.constant 0 : i32
        %dma_start3A_573 = tpu.memref_slice %arg2[%dma_start3A_558, %add3A_557, %dma_start3A_572] : memref<4x4096x1024xf32, #tpu.memory_space<hbm>> -> memref<1x4x1024xf32, #tpu.memory_space<hbm>>
        %dma_start3A_574 = tpu.memref_squeeze %dma_start3A_573 : memref<1x4x1024xf32, #tpu.memory_space<hbm>> -> memref<4x1024xf32, #tpu.memory_space<hbm>>
        tpu.enqueue_dma source(%dma_start3A_574 : memref<4x1024xf32, #tpu.memory_space<hbm>>) target(%dma_start3A_571 : memref<4x1024xf32, #tpu.memory_space<vmem>>) target_semaphore(%arg8 : memref<!tpu.dma_semaphore, #tpu.memory_space<semaphore_mem>>)
        %dma_start3A_575 = arith.constant 1 : i32
        %dma_start3A_576 = arith.constant 0 : i32
        %dma_start3A_577 = arith.constant 1 : i32
        %dma_start3A_578 = arith.constant 0 : i32
        %dma_start3A_579 = arith.constant 0 : i32
        %dma_start3A_580 = tpu.memref_slice %arg6[%dma_start3A_576, %dma_start3A_577, %dma_start3A_578, %dma_start3A_579] : memref<2x4x4x1024xf32, #tpu.memory_space<vmem>> -> memref<1x1x4x1024xf32, #tpu.memory_space<vmem>>
        %dma_start3A_581 = tpu.memref_squeeze %dma_start3A_580 : memref<1x1x4x1024xf32, #tpu.memory_space<vmem>> -> memref<4x1024xf32, #tpu.memory_space<vmem>>
        %dma_start3A_582 = arith.constant 0 : i32
        %dma_start3A_583 = tpu.memref_slice %arg2[%dma_start3A_575, %add3A_557, %dma_start3A_582] : memref<4x4096x1024xf32, #tpu.memory_space<hbm>> -> memref<1x4x1024xf32, #tpu.memory_space<hbm>>
        %dma_start3A_584 = tpu.memref_squeeze %dma_start3A_583 : memref<1x4x1024xf32, #tpu.memory_space<hbm>> -> memref<4x1024xf32, #tpu.memory_space<hbm>>
        %dma_start3A_585 = arith.constant 0 : i32
        %dma_start3A_586 = arith.constant 0 : i32
        %dma_start3A_587 = tpu.memref_slice %arg6[%dma_start3A_576, %dma_start3A_577, %dma_start3A_585, %dma_start3A_586] : memref<2x4x4x1024xf32, #tpu.memory_space<vmem>> -> memref<1x1x4x1024xf32, #tpu.memory_space<vmem>>
        %dma_start3A_588 = tpu.memref_squeeze %dma_start3A_587 : memref<1x1x4x1024xf32, #tpu.memory_space<vmem>> -> memref<4x1024xf32, #tpu.memory_space<vmem>>
        %dma_start3A_589 = arith.constant 0 : i32
        %dma_start3A_590 = tpu.memref_slice %arg2[%dma_start3A_575, %add3A_557, %dma_start3A_589] : memref<4x4096x1024xf32, #tpu.memory_space<hbm>> -> memref<1x4x1024xf32, #tpu.memory_space<hbm>>
        %dma_start3A_591 = tpu.memref_squeeze %dma_start3A_590 : memref<1x4x1024xf32, #tpu.memory_space<hbm>> -> memref<4x1024xf32, #tpu.memory_space<hbm>>
        tpu.enqueue_dma source(%dma_start3A_591 : memref<4x1024xf32, #tpu.memory_space<hbm>>) target(%dma_start3A_588 : memref<4x1024xf32, #tpu.memory_space<vmem>>) target_semaphore(%arg8 : memref<!tpu.dma_semaphore, #tpu.memory_space<semaphore_mem>>)
        %dma_start3A_592 = arith.constant 2 : i32
        %dma_start3A_593 = arith.constant 0 : i32
        %dma_start3A_594 = arith.constant 2 : i32
        %dma_start3A_595 = arith.constant 0 : i32
        %dma_start3A_596 = arith.constant 0 : i32
        %dma_start3A_597 = tpu.memref_slice %arg6[%dma_start3A_593, %dma_start3A_594, %dma_start3A_595, %dma_start3A_596] : memref<2x4x4x1024xf32, #tpu.memory_space<vmem>> -> memref<1x1x4x1024xf32, #tpu.memory_space<vmem>>
        %dma_start3A_598 = tpu.memref_squeeze %dma_start3A_597 : memref<1x1x4x1024xf32, #tpu.memory_space<vmem>> -> memref<4x1024xf32, #tpu.memory_space<vmem>>
        %dma_start3A_599 = arith.constant 0 : i32
        %dma_start3A_600 = tpu.memref_slice %arg2[%dma_start3A_592, %add3A_557, %dma_start3A_599] : memref<4x4096x1024xf32, #tpu.memory_space<hbm>> -> memref<1x4x1024xf32, #tpu.memory_space<hbm>>
        %dma_start3A_601 = tpu.memref_squeeze %dma_start3A_600 : memref<1x4x1024xf32, #tpu.memory_space<hbm>> -> memref<4x1024xf32, #tpu.memory_space<hbm>>
        %dma_start3A_602 = arith.constant 0 : i32
        %dma_start3A_603 = arith.constant 0 : i32
        %dma_start3A_604 = tpu.memref_slice %arg6[%dma_start3A_593, %dma_start3A_594, %dma_start3A_602, %dma_start3A_603] : memref<2x4x4x1024xf32, #tpu.memory_space<vmem>> -> memref<1x1x4x1024xf32, #tpu.memory_space<vmem>>
        %dma_start3A_605 = tpu.memref_squeeze %dma_start3A_604 : memref<1x1x4x1024xf32, #tpu.memory_space<vmem>> -> memref<4x1024xf32, #tpu.memory_space<vmem>>
        %dma_start3A_606 = arith.constant 0 : i32
        %dma_start3A_607 = tpu.memref_slice %arg2[%dma_start3A_592, %add3A_557, %dma_start3A_606] : memref<4x4096x1024xf32, #tpu.memory_space<hbm>> -> memref<1x4x1024xf32, #tpu.memory_space<hbm>>
        %dma_start3A_608 = tpu.memref_squeeze %dma_start3A_607 : memref<1x4x1024xf32, #tpu.memory_space<hbm>> -> memref<4x1024xf32, #tpu.memory_space<hbm>>
        tpu.enqueue_dma source(%dma_start3A_608 : memref<4x1024xf32, #tpu.memory_space<hbm>>) target(%dma_start3A_605 : memref<4x1024xf32, #tpu.memory_space<vmem>>) target_semaphore(%arg8 : memref<!tpu.dma_semaphore, #tpu.memory_space<semaphore_mem>>)
        %dma_start3A_609 = arith.constant 3 : i32
        %dma_start3A_610 = arith.constant 0 : i32
        %dma_start3A_611 = arith.constant 3 : i32
        %dma_start3A_612 = arith.constant 0 : i32
        %dma_start3A_613 = arith.constant 0 : i32
        %dma_start3A_614 = tpu.memref_slice %arg6[%dma_start3A_610, %dma_start3A_611, %dma_start3A_612, %dma_start3A_613] : memref<2x4x4x1024xf32, #tpu.memory_space<vmem>> -> memref<1x1x4x1024xf32, #tpu.memory_space<vmem>>
        %dma_start3A_615 = tpu.memref_squeeze %dma_start3A_614 : memref<1x1x4x1024xf32, #tpu.memory_space<vmem>> -> memref<4x1024xf32, #tpu.memory_space<vmem>>
        %dma_start3A_616 = arith.constant 0 : i32
        %dma_start3A_617 = tpu.memref_slice %arg2[%dma_start3A_609, %add3A_557, %dma_start3A_616] : memref<4x4096x1024xf32, #tpu.memory_space<hbm>> -> memref<1x4x1024xf32, #tpu.memory_space<hbm>>
        %dma_start3A_618 = tpu.memref_squeeze %dma_start3A_617 : memref<1x4x1024xf32, #tpu.memory_space<hbm>> -> memref<4x1024xf32, #tpu.memory_space<hbm>>
        %dma_start3A_619 = arith.constant 0 : i32
        %dma_start3A_620 = arith.constant 0 : i32
        %dma_start3A_621 = tpu.memref_slice %arg6[%dma_start3A_610, %dma_start3A_611, %dma_start3A_619, %dma_start3A_620] : memref<2x4x4x1024xf32, #tpu.memory_space<vmem>> -> memref<1x1x4x1024xf32, #tpu.memory_space<vmem>>
        %dma_start3A_622 = tpu.memref_squeeze %dma_start3A_621 : memref<1x1x4x1024xf32, #tpu.memory_space<vmem>> -> memref<4x1024xf32, #tpu.memory_space<vmem>>
        %dma_start3A_623 = arith.constant 0 : i32
        %dma_start3A_624 = tpu.memref_slice %arg2[%dma_start3A_609, %add3A_557, %dma_start3A_623] : memref<4x4096x1024xf32, #tpu.memory_space<hbm>> -> memref<1x4x1024xf32, #tpu.memory_space<hbm>>
        %dma_start3A_625 = tpu.memref_squeeze %dma_start3A_624 : memref<1x4x1024xf32, #tpu.memory_space<hbm>> -> memref<4x1024xf32, #tpu.memory_space<hbm>>
        tpu.enqueue_dma source(%dma_start3A_625 : memref<4x1024xf32, #tpu.memory_space<hbm>>) target(%dma_start3A_622 : memref<4x1024xf32, #tpu.memory_space<vmem>>) target_semaphore(%arg8 : memref<!tpu.dma_semaphore, #tpu.memory_space<semaphore_mem>>)
      } else {
      }
      %mul3A_397 = arith.constant 4 : i32
      %mul3A_398 = arith.muli %add3A_389, %mul3A_397 : i32
      %add3A_399 = arith.addi %mul3A_7, %mul3A_398 : i32
      %dma_wait3A_400 = arith.constant 0 : i32
      %dma_wait3A_401 = arith.constant 1 : i32
      %dma_wait3A_402 = arith.constant 0 : i32
      %dma_wait3A_403 = arith.constant 0 : i32
      %dma_wait3A_404 = arith.constant 0 : i32
      %dma_wait3A_405 = tpu.memref_slice %arg6[%dma_wait3A_401, %dma_wait3A_402, %dma_wait3A_403, %dma_wait3A_404] : memref<2x4x4x1024xf32, #tpu.memory_space<vmem>> -> memref<1x1x4x1024xf32, #tpu.memory_space<vmem>>
      %dma_wait3A_406 = tpu.memref_squeeze %dma_wait3A_405 : memref<1x1x4x1024xf32, #tpu.memory_space<vmem>> -> memref<4x1024xf32, #tpu.memory_space<vmem>>
      %dma_wait3A_407 = arith.constant 0 : i32
      %dma_wait3A_408 = tpu.memref_slice %arg2[%dma_wait3A_400, %add3A_399, %dma_wait3A_407] : memref<4x4096x1024xf32, #tpu.memory_space<hbm>> -> memref<1x4x1024xf32, #tpu.memory_space<hbm>>
      %dma_wait3A_409 = tpu.memref_squeeze %dma_wait3A_408 : memref<1x4x1024xf32, #tpu.memory_space<hbm>> -> memref<4x1024xf32, #tpu.memory_space<hbm>>
      %dma_wait3A_410 = arith.constant 0 : i32
      %dma_wait3A_411 = arith.constant 0 : i32
      %dma_wait3A_412 = tpu.memref_slice %arg6[%dma_wait3A_401, %dma_wait3A_402, %dma_wait3A_410, %dma_wait3A_411] : memref<2x4x4x1024xf32, #tpu.memory_space<vmem>> -> memref<1x1x4x1024xf32, #tpu.memory_space<vmem>>
      %dma_wait3A_413 = tpu.memref_squeeze %dma_wait3A_412 : memref<1x1x4x1024xf32, #tpu.memory_space<vmem>> -> memref<4x1024xf32, #tpu.memory_space<vmem>>
      %dma_wait3A_414 = arith.constant 0 : i32
      %dma_wait3A_415 = tpu.memref_slice %arg2[%dma_wait3A_400, %add3A_399, %dma_wait3A_414] : memref<4x4096x1024xf32, #tpu.memory_space<hbm>> -> memref<1x4x1024xf32, #tpu.memory_space<hbm>>
      %dma_wait3A_416 = tpu.memref_squeeze %dma_wait3A_415 : memref<1x4x1024xf32, #tpu.memory_space<hbm>> -> memref<4x1024xf32, #tpu.memory_space<hbm>>
      tpu.wait_dma2 semaphore(%arg8 : memref<!tpu.dma_semaphore, #tpu.memory_space<semaphore_mem>>) src(%dma_wait3A_416 : memref<4x1024xf32, #tpu.memory_space<hbm>>) dst(%dma_wait3A_413 : memref<4x1024xf32, #tpu.memory_space<vmem>>)
      %dma_wait3A_417 = arith.constant 1 : i32
      %dma_wait3A_418 = arith.constant 1 : i32
      %dma_wait3A_419 = arith.constant 1 : i32
      %dma_wait3A_420 = arith.constant 0 : i32
      %dma_wait3A_421 = arith.constant 0 : i32
      %dma_wait3A_422 = tpu.memref_slice %arg6[%dma_wait3A_418, %dma_wait3A_419, %dma_wait3A_420, %dma_wait3A_421] : memref<2x4x4x1024xf32, #tpu.memory_space<vmem>> -> memref<1x1x4x1024xf32, #tpu.memory_space<vmem>>
      %dma_wait3A_423 = tpu.memref_squeeze %dma_wait3A_422 : memref<1x1x4x1024xf32, #tpu.memory_space<vmem>> -> memref<4x1024xf32, #tpu.memory_space<vmem>>
      %dma_wait3A_424 = arith.constant 0 : i32
      %dma_wait3A_425 = tpu.memref_slice %arg2[%dma_wait3A_417, %add3A_399, %dma_wait3A_424] : memref<4x4096x1024xf32, #tpu.memory_space<hbm>> -> memref<1x4x1024xf32, #tpu.memory_space<hbm>>
      %dma_wait3A_426 = tpu.memref_squeeze %dma_wait3A_425 : memref<1x4x1024xf32, #tpu.memory_space<hbm>> -> memref<4x1024xf32, #tpu.memory_space<hbm>>
      %dma_wait3A_427 = arith.constant 0 : i32
      %dma_wait3A_428 = arith.constant 0 : i32
      %dma_wait3A_429 = tpu.memref_slice %arg6[%dma_wait3A_418, %dma_wait3A_419, %dma_wait3A_427, %dma_wait3A_428] : memref<2x4x4x1024xf32, #tpu.memory_space<vmem>> -> memref<1x1x4x1024xf32, #tpu.memory_space<vmem>>
      %dma_wait3A_430 = tpu.memref_squeeze %dma_wait3A_429 : memref<1x1x4x1024xf32, #tpu.memory_space<vmem>> -> memref<4x1024xf32, #tpu.memory_space<vmem>>
      %dma_wait3A_431 = arith.constant 0 : i32
      %dma_wait3A_432 = tpu.memref_slice %arg2[%dma_wait3A_417, %add3A_399, %dma_wait3A_431] : memref<4x4096x1024xf32, #tpu.memory_space<hbm>> -> memref<1x4x1024xf32, #tpu.memory_space<hbm>>
      %dma_wait3A_433 = tpu.memref_squeeze %dma_wait3A_432 : memref<1x4x1024xf32, #tpu.memory_space<hbm>> -> memref<4x1024xf32, #tpu.memory_space<hbm>>
      tpu.wait_dma2 semaphore(%arg8 : memref<!tpu.dma_semaphore, #tpu.memory_space<semaphore_mem>>) src(%dma_wait3A_433 : memref<4x1024xf32, #tpu.memory_space<hbm>>) dst(%dma_wait3A_430 : memref<4x1024xf32, #tpu.memory_space<vmem>>)
      %dma_wait3A_434 = arith.constant 2 : i32
      %dma_wait3A_435 = arith.constant 1 : i32
      %dma_wait3A_436 = arith.constant 2 : i32
      %dma_wait3A_437 = arith.constant 0 : i32
      %dma_wait3A_438 = arith.constant 0 : i32
      %dma_wait3A_439 = tpu.memref_slice %arg6[%dma_wait3A_435, %dma_wait3A_436, %dma_wait3A_437, %dma_wait3A_438] : memref<2x4x4x1024xf32, #tpu.memory_space<vmem>> -> memref<1x1x4x1024xf32, #tpu.memory_space<vmem>>
      %dma_wait3A_440 = tpu.memref_squeeze %dma_wait3A_439 : memref<1x1x4x1024xf32, #tpu.memory_space<vmem>> -> memref<4x1024xf32, #tpu.memory_space<vmem>>
      %dma_wait3A_441 = arith.constant 0 : i32
      %dma_wait3A_442 = tpu.memref_slice %arg2[%dma_wait3A_434, %add3A_399, %dma_wait3A_441] : memref<4x4096x1024xf32, #tpu.memory_space<hbm>> -> memref<1x4x1024xf32, #tpu.memory_space<hbm>>
      %dma_wait3A_443 = tpu.memref_squeeze %dma_wait3A_442 : memref<1x4x1024xf32, #tpu.memory_space<hbm>> -> memref<4x1024xf32, #tpu.memory_space<hbm>>
      %dma_wait3A_444 = arith.constant 0 : i32
      %dma_wait3A_445 = arith.constant 0 : i32
      %dma_wait3A_446 = tpu.memref_slice %arg6[%dma_wait3A_435, %dma_wait3A_436, %dma_wait3A_444, %dma_wait3A_445] : memref<2x4x4x1024xf32, #tpu.memory_space<vmem>> -> memref<1x1x4x1024xf32, #tpu.memory_space<vmem>>
      %dma_wait3A_447 = tpu.memref_squeeze %dma_wait3A_446 : memref<1x1x4x1024xf32, #tpu.memory_space<vmem>> -> memref<4x1024xf32, #tpu.memory_space<vmem>>
      %dma_wait3A_448 = arith.constant 0 : i32
      %dma_wait3A_449 = tpu.memref_slice %arg2[%dma_wait3A_434, %add3A_399, %dma_wait3A_448] : memref<4x4096x1024xf32, #tpu.memory_space<hbm>> -> memref<1x4x1024xf32, #tpu.memory_space<hbm>>
      %dma_wait3A_450 = tpu.memref_squeeze %dma_wait3A_449 : memref<1x4x1024xf32, #tpu.memory_space<hbm>> -> memref<4x1024xf32, #tpu.memory_space<hbm>>
      tpu.wait_dma2 semaphore(%arg8 : memref<!tpu.dma_semaphore, #tpu.memory_space<semaphore_mem>>) src(%dma_wait3A_450 : memref<4x1024xf32, #tpu.memory_space<hbm>>) dst(%dma_wait3A_447 : memref<4x1024xf32, #tpu.memory_space<vmem>>)
      %dma_wait3A_451 = arith.constant 3 : i32
      %dma_wait3A_452 = arith.constant 1 : i32
      %dma_wait3A_453 = arith.constant 3 : i32
      %dma_wait3A_454 = arith.constant 0 : i32
      %dma_wait3A_455 = arith.constant 0 : i32
      %dma_wait3A_456 = tpu.memref_slice %arg6[%dma_wait3A_452, %dma_wait3A_453, %dma_wait3A_454, %dma_wait3A_455] : memref<2x4x4x1024xf32, #tpu.memory_space<vmem>> -> memref<1x1x4x1024xf32, #tpu.memory_space<vmem>>
      %dma_wait3A_457 = tpu.memref_squeeze %dma_wait3A_456 : memref<1x1x4x1024xf32, #tpu.memory_space<vmem>> -> memref<4x1024xf32, #tpu.memory_space<vmem>>
      %dma_wait3A_458 = arith.constant 0 : i32
      %dma_wait3A_459 = tpu.memref_slice %arg2[%dma_wait3A_451, %add3A_399, %dma_wait3A_458] : memref<4x4096x1024xf32, #tpu.memory_space<hbm>> -> memref<1x4x1024xf32, #tpu.memory_space<hbm>>
      %dma_wait3A_460 = tpu.memref_squeeze %dma_wait3A_459 : memref<1x4x1024xf32, #tpu.memory_space<hbm>> -> memref<4x1024xf32, #tpu.memory_space<hbm>>
      %dma_wait3A_461 = arith.constant 0 : i32
      %dma_wait3A_462 = arith.constant 0 : i32
      %dma_wait3A_463 = tpu.memref_slice %arg6[%dma_wait3A_452, %dma_wait3A_453, %dma_wait3A_461, %dma_wait3A_462] : memref<2x4x4x1024xf32, #tpu.memory_space<vmem>> -> memref<1x1x4x1024xf32, #tpu.memory_space<vmem>>
      %dma_wait3A_464 = tpu.memref_squeeze %dma_wait3A_463 : memref<1x1x4x1024xf32, #tpu.memory_space<vmem>> -> memref<4x1024xf32, #tpu.memory_space<vmem>>
      %dma_wait3A_465 = arith.constant 0 : i32
      %dma_wait3A_466 = tpu.memref_slice %arg2[%dma_wait3A_451, %add3A_399, %dma_wait3A_465] : memref<4x4096x1024xf32, #tpu.memory_space<hbm>> -> memref<1x4x1024xf32, #tpu.memory_space<hbm>>
      %dma_wait3A_467 = tpu.memref_squeeze %dma_wait3A_466 : memref<1x4x1024xf32, #tpu.memory_space<hbm>> -> memref<4x1024xf32, #tpu.memory_space<hbm>>
      tpu.wait_dma2 semaphore(%arg8 : memref<!tpu.dma_semaphore, #tpu.memory_space<semaphore_mem>>) src(%dma_wait3A_467 : memref<4x1024xf32, #tpu.memory_space<hbm>>) dst(%dma_wait3A_464 : memref<4x1024xf32, #tpu.memory_space<vmem>>)
      %gt3A_468 = arith.constant 1 : i32
      %gt3A_469 = arith.cmpi sgt, %add3A_389, %gt3A_468 : i32
      %convert_element_type3A_470 = arith.extui %gt3A_469 : i1 to i32
      %cond3A_471 = arith.constant 0 : i32
      %cond3A_472 = arith.cmpi ne, %convert_element_type3A_470, %cond3A_471 : i32
      scf.if %cond3A_472 {
        %sub3A = arith.constant 2 : i32
        %sub3A_553 = arith.subi %add3A_389, %sub3A : i32
        %mul3A_554 = arith.constant 4 : i32
        %mul3A_555 = arith.muli %sub3A_553, %mul3A_554 : i32
        %add3A_556 = arith.addi %mul3A_7, %mul3A_555 : i32
        %dma_wait3A_557 = arith.constant 1 : i32
        %dma_wait3A_558 = arith.constant 0 : i32
        %dma_wait3A_559 = arith.constant 0 : i32
        %dma_wait3A_560 = arith.constant 0 : i32
        %dma_wait3A_561 = arith.constant 0 : i32
        %dma_wait3A_562 = tpu.memref_slice %arg7[%dma_wait3A_557, %dma_wait3A_558, %dma_wait3A_560, %dma_wait3A_561] : memref<2x4x4x1024xf32, #tpu.memory_space<vmem>> -> memref<1x1x4x1024xf32, #tpu.memory_space<vmem>>
        %dma_wait3A_563 = tpu.memref_squeeze %dma_wait3A_562 : memref<1x1x4x1024xf32, #tpu.memory_space<vmem>> -> memref<4x1024xf32, #tpu.memory_space<vmem>>
        %dma_wait3A_564 = arith.constant 0 : i32
        %dma_wait3A_565 = tpu.memref_slice %arg3[%dma_wait3A_559, %add3A_556, %dma_wait3A_564] : memref<4x4096x1024xf32, #tpu.memory_space<hbm>> -> memref<1x4x1024xf32, #tpu.memory_space<hbm>>
        %dma_wait3A_566 = tpu.memref_squeeze %dma_wait3A_565 : memref<1x4x1024xf32, #tpu.memory_space<hbm>> -> memref<4x1024xf32, #tpu.memory_space<hbm>>
        %dma_wait3A_567 = arith.constant 0 : i32
        %dma_wait3A_568 = tpu.memref_slice %arg3[%dma_wait3A_559, %add3A_556, %dma_wait3A_567] : memref<4x4096x1024xf32, #tpu.memory_space<hbm>> -> memref<1x4x1024xf32, #tpu.memory_space<hbm>>
        %dma_wait3A_569 = tpu.memref_squeeze %dma_wait3A_568 : memref<1x4x1024xf32, #tpu.memory_space<hbm>> -> memref<4x1024xf32, #tpu.memory_space<hbm>>
        %dma_wait3A_570 = arith.constant 0 : i32
        %dma_wait3A_571 = arith.constant 0 : i32
        %dma_wait3A_572 = tpu.memref_slice %arg7[%dma_wait3A_557, %dma_wait3A_558, %dma_wait3A_570, %dma_wait3A_571] : memref<2x4x4x1024xf32, #tpu.memory_space<vmem>> -> memref<1x1x4x1024xf32, #tpu.memory_space<vmem>>
        %dma_wait3A_573 = tpu.memref_squeeze %dma_wait3A_572 : memref<1x1x4x1024xf32, #tpu.memory_space<vmem>> -> memref<4x1024xf32, #tpu.memory_space<vmem>>
        tpu.wait_dma2 semaphore(%arg9 : memref<!tpu.dma_semaphore, #tpu.memory_space<semaphore_mem>>) src(%dma_wait3A_573 : memref<4x1024xf32, #tpu.memory_space<vmem>>) dst(%dma_wait3A_569 : memref<4x1024xf32, #tpu.memory_space<hbm>>)
        %dma_wait3A_574 = arith.constant 1 : i32
        %dma_wait3A_575 = arith.constant 1 : i32
        %dma_wait3A_576 = arith.constant 1 : i32
        %dma_wait3A_577 = arith.constant 0 : i32
        %dma_wait3A_578 = arith.constant 0 : i32
        %dma_wait3A_579 = tpu.memref_slice %arg7[%dma_wait3A_574, %dma_wait3A_575, %dma_wait3A_577, %dma_wait3A_578] : memref<2x4x4x1024xf32, #tpu.memory_space<vmem>> -> memref<1x1x4x1024xf32, #tpu.memory_space<vmem>>
        %dma_wait3A_580 = tpu.memref_squeeze %dma_wait3A_579 : memref<1x1x4x1024xf32, #tpu.memory_space<vmem>> -> memref<4x1024xf32, #tpu.memory_space<vmem>>
        %dma_wait3A_581 = arith.constant 0 : i32
        %dma_wait3A_582 = tpu.memref_slice %arg3[%dma_wait3A_576, %add3A_556, %dma_wait3A_581] : memref<4x4096x1024xf32, #tpu.memory_space<hbm>> -> memref<1x4x1024xf32, #tpu.memory_space<hbm>>
        %dma_wait3A_583 = tpu.memref_squeeze %dma_wait3A_582 : memref<1x4x1024xf32, #tpu.memory_space<hbm>> -> memref<4x1024xf32, #tpu.memory_space<hbm>>
        %dma_wait3A_584 = arith.constant 0 : i32
        %dma_wait3A_585 = tpu.memref_slice %arg3[%dma_wait3A_576, %add3A_556, %dma_wait3A_584] : memref<4x4096x1024xf32, #tpu.memory_space<hbm>> -> memref<1x4x1024xf32, #tpu.memory_space<hbm>>
        %dma_wait3A_586 = tpu.memref_squeeze %dma_wait3A_585 : memref<1x4x1024xf32, #tpu.memory_space<hbm>> -> memref<4x1024xf32, #tpu.memory_space<hbm>>
        %dma_wait3A_587 = arith.constant 0 : i32
        %dma_wait3A_588 = arith.constant 0 : i32
        %dma_wait3A_589 = tpu.memref_slice %arg7[%dma_wait3A_574, %dma_wait3A_575, %dma_wait3A_587, %dma_wait3A_588] : memref<2x4x4x1024xf32, #tpu.memory_space<vmem>> -> memref<1x1x4x1024xf32, #tpu.memory_space<vmem>>
        %dma_wait3A_590 = tpu.memref_squeeze %dma_wait3A_589 : memref<1x1x4x1024xf32, #tpu.memory_space<vmem>> -> memref<4x1024xf32, #tpu.memory_space<vmem>>
        tpu.wait_dma2 semaphore(%arg9 : memref<!tpu.dma_semaphore, #tpu.memory_space<semaphore_mem>>) src(%dma_wait3A_590 : memref<4x1024xf32, #tpu.memory_space<vmem>>) dst(%dma_wait3A_586 : memref<4x1024xf32, #tpu.memory_space<hbm>>)
        %dma_wait3A_591 = arith.constant 1 : i32
        %dma_wait3A_592 = arith.constant 2 : i32
        %dma_wait3A_593 = arith.constant 2 : i32
        %dma_wait3A_594 = arith.constant 0 : i32
        %dma_wait3A_595 = arith.constant 0 : i32
        %dma_wait3A_596 = tpu.memref_slice %arg7[%dma_wait3A_591, %dma_wait3A_592, %dma_wait3A_594, %dma_wait3A_595] : memref<2x4x4x1024xf32, #tpu.memory_space<vmem>> -> memref<1x1x4x1024xf32, #tpu.memory_space<vmem>>
        %dma_wait3A_597 = tpu.memref_squeeze %dma_wait3A_596 : memref<1x1x4x1024xf32, #tpu.memory_space<vmem>> -> memref<4x1024xf32, #tpu.memory_space<vmem>>
        %dma_wait3A_598 = arith.constant 0 : i32
        %dma_wait3A_599 = tpu.memref_slice %arg3[%dma_wait3A_593, %add3A_556, %dma_wait3A_598] : memref<4x4096x1024xf32, #tpu.memory_space<hbm>> -> memref<1x4x1024xf32, #tpu.memory_space<hbm>>
        %dma_wait3A_600 = tpu.memref_squeeze %dma_wait3A_599 : memref<1x4x1024xf32, #tpu.memory_space<hbm>> -> memref<4x1024xf32, #tpu.memory_space<hbm>>
        %dma_wait3A_601 = arith.constant 0 : i32
        %dma_wait3A_602 = tpu.memref_slice %arg3[%dma_wait3A_593, %add3A_556, %dma_wait3A_601] : memref<4x4096x1024xf32, #tpu.memory_space<hbm>> -> memref<1x4x1024xf32, #tpu.memory_space<hbm>>
        %dma_wait3A_603 = tpu.memref_squeeze %dma_wait3A_602 : memref<1x4x1024xf32, #tpu.memory_space<hbm>> -> memref<4x1024xf32, #tpu.memory_space<hbm>>
        %dma_wait3A_604 = arith.constant 0 : i32
        %dma_wait3A_605 = arith.constant 0 : i32
        %dma_wait3A_606 = tpu.memref_slice %arg7[%dma_wait3A_591, %dma_wait3A_592, %dma_wait3A_604, %dma_wait3A_605] : memref<2x4x4x1024xf32, #tpu.memory_space<vmem>> -> memref<1x1x4x1024xf32, #tpu.memory_space<vmem>>
        %dma_wait3A_607 = tpu.memref_squeeze %dma_wait3A_606 : memref<1x1x4x1024xf32, #tpu.memory_space<vmem>> -> memref<4x1024xf32, #tpu.memory_space<vmem>>
        tpu.wait_dma2 semaphore(%arg9 : memref<!tpu.dma_semaphore, #tpu.memory_space<semaphore_mem>>) src(%dma_wait3A_607 : memref<4x1024xf32, #tpu.memory_space<vmem>>) dst(%dma_wait3A_603 : memref<4x1024xf32, #tpu.memory_space<hbm>>)
        %dma_wait3A_608 = arith.constant 1 : i32
        %dma_wait3A_609 = arith.constant 3 : i32
        %dma_wait3A_610 = arith.constant 3 : i32
        %dma_wait3A_611 = arith.constant 0 : i32
        %dma_wait3A_612 = arith.constant 0 : i32
        %dma_wait3A_613 = tpu.memref_slice %arg7[%dma_wait3A_608, %dma_wait3A_609, %dma_wait3A_611, %dma_wait3A_612] : memref<2x4x4x1024xf32, #tpu.memory_space<vmem>> -> memref<1x1x4x1024xf32, #tpu.memory_space<vmem>>
        %dma_wait3A_614 = tpu.memref_squeeze %dma_wait3A_613 : memref<1x1x4x1024xf32, #tpu.memory_space<vmem>> -> memref<4x1024xf32, #tpu.memory_space<vmem>>
        %dma_wait3A_615 = arith.constant 0 : i32
        %dma_wait3A_616 = tpu.memref_slice %arg3[%dma_wait3A_610, %add3A_556, %dma_wait3A_615] : memref<4x4096x1024xf32, #tpu.memory_space<hbm>> -> memref<1x4x1024xf32, #tpu.memory_space<hbm>>
        %dma_wait3A_617 = tpu.memref_squeeze %dma_wait3A_616 : memref<1x4x1024xf32, #tpu.memory_space<hbm>> -> memref<4x1024xf32, #tpu.memory_space<hbm>>
        %dma_wait3A_618 = arith.constant 0 : i32
        %dma_wait3A_619 = tpu.memref_slice %arg3[%dma_wait3A_610, %add3A_556, %dma_wait3A_618] : memref<4x4096x1024xf32, #tpu.memory_space<hbm>> -> memref<1x4x1024xf32, #tpu.memory_space<hbm>>
        %dma_wait3A_620 = tpu.memref_squeeze %dma_wait3A_619 : memref<1x4x1024xf32, #tpu.memory_space<hbm>> -> memref<4x1024xf32, #tpu.memory_space<hbm>>
        %dma_wait3A_621 = arith.constant 0 : i32
        %dma_wait3A_622 = arith.constant 0 : i32
        %dma_wait3A_623 = tpu.memref_slice %arg7[%dma_wait3A_608, %dma_wait3A_609, %dma_wait3A_621, %dma_wait3A_622] : memref<2x4x4x1024xf32, #tpu.memory_space<vmem>> -> memref<1x1x4x1024xf32, #tpu.memory_space<vmem>>
        %dma_wait3A_624 = tpu.memref_squeeze %dma_wait3A_623 : memref<1x1x4x1024xf32, #tpu.memory_space<vmem>> -> memref<4x1024xf32, #tpu.memory_space<vmem>>
        tpu.wait_dma2 semaphore(%arg9 : memref<!tpu.dma_semaphore, #tpu.memory_space<semaphore_mem>>) src(%dma_wait3A_624 : memref<4x1024xf32, #tpu.memory_space<vmem>>) dst(%dma_wait3A_620 : memref<4x1024xf32, #tpu.memory_space<hbm>>)
      } else {
      }
      %mul3A_473 = arith.constant 4 : i32
      %mul3A_474 = arith.muli %add3A_389, %mul3A_473 : i32
      %add3A_475 = arith.addi %mul3A_7, %mul3A_474 : i32
      %scan3A_476 = arith.constant 0 : i32
      %scan3A_477 = arith.constant 0 : i32
      %scan3A_478 = arith.constant 64 : i32
      %scan3A_479 = arith.addi %scan3A_477, %scan3A_478 : i32
      %scan3A_480 = arith.constant 1 : i32
      scf.for %scan3A_553 = %scan3A_477 to %scan3A_479 step %scan3A_480  : i32 {
        %mul3A_554 = arith.constant 16 : i32
        %mul3A_555 = arith.muli %scan3A_553, %mul3A_554 : i32
        %get3A = arith.index_cast %mul3A_555 : i32 to index
        %get3A_556 = tpu.vector_load %arg4[%get3A] {strides = array<i32>} : memref<1024xf32, #tpu.memory_space<vmem>>, vector<16xf32>,
        %get3A_557 = vector.shape_cast %get3A_556 : vector<16xf32> to vector<16xf32>
        %mul3A_558 = arith.constant 16 : i32
        %mul3A_559 = arith.muli %scan3A_553, %mul3A_558 : i32
        %get3A_560 = arith.index_cast %mul3A_559 : i32 to index
        %get3A_561 = tpu.vector_load %arg5[%get3A_560] {strides = array<i32>} : memref<1024xf32, #tpu.memory_space<vmem>>, vector<16xf32>,
        %get3A_562 = vector.shape_cast %get3A_561 : vector<16xf32> to vector<16xf32>
        %add3A_563 = arith.constant 0 : i32
        %add3A_564 = arith.addi %add3A_475, %add3A_563 : i32
        %convert_element_type3A_565 = arith.sitofp %add3A_564 : i32 to f32
        %mul3A_566 = vector.broadcast %convert_element_type3A_565 : f32 to vector<16xf32>
        %mul3A_567 = arith.mulf %mul3A_566, %get3A_557 : vector<16xf32>
        %add3A_568 = arith.addf %mul3A_567, %get3A_562 : vector<16xf32>
        %add3A_569 = arith.constant 5.000000e-01 : f32
        %add3A_570 = vector.broadcast %add3A_569 : f32 to vector<16xf32>
        %add3A_571 = arith.addf %add3A_568, %add3A_570 : vector<16xf32>
        %convert_element_type3A_572 = arith.fptosi %add3A_571 : vector<16xf32> to vector<16xi32>
        %convert_element_type3A_573 = arith.sitofp %convert_element_type3A_572 : vector<16xi32> to vector<16xf32>
        %sub3A = arith.subf %add3A_568, %convert_element_type3A_573 : vector<16xf32>
        %mul3A_574 = arith.mulf %sub3A, %sub3A : vector<16xf32>
        %mul3A_575 = arith.constant 33.1688499 : f32
        %mul3A_576 = vector.broadcast %mul3A_575 : f32 to vector<16xf32>
        %mul3A_577 = arith.mulf %mul3A_574, %mul3A_576 : vector<16xf32>
        %add3A_578 = arith.constant -74.676239 : f32
        %add3A_579 = vector.broadcast %add3A_578 : f32 to vector<16xf32>
        %add3A_580 = arith.addf %add3A_579, %mul3A_577 : vector<16xf32>
        %mul3A_581 = arith.mulf %mul3A_574, %add3A_580 : vector<16xf32>
        %add3A_582 = arith.constant 81.4001464 : f32
        %add3A_583 = vector.broadcast %add3A_582 : f32 to vector<16xf32>
        %add3A_584 = arith.addf %add3A_583, %mul3A_581 : vector<16xf32>
        %mul3A_585 = arith.mulf %mul3A_574, %add3A_584 : vector<16xf32>
        %add3A_586 = arith.constant -41.333252 : f32
        %add3A_587 = vector.broadcast %add3A_586 : f32 to vector<16xf32>
        %add3A_588 = arith.addf %add3A_587, %mul3A_585 : vector<16xf32>
        %mul3A_589 = arith.mulf %mul3A_574, %add3A_588 : vector<16xf32>
        %add3A_590 = arith.constant 6.28308868 : f32
        %add3A_591 = vector.broadcast %add3A_590 : f32 to vector<16xf32>
        %add3A_592 = arith.addf %add3A_591, %mul3A_589 : vector<16xf32>
        %mul3A_593 = arith.mulf %sub3A, %add3A_592 : vector<16xf32>
        %mul3A_594 = arith.constant 16 : i32
        %mul3A_595 = arith.muli %scan3A_553, %mul3A_594 : i32
        %get3A_596 = arith.constant 1 : i32
        %get3A_597 = arith.constant 0 : i32
        %get3A_598 = arith.constant 0 : i32
        %get3A_599 = arith.index_cast %get3A_596 : i32 to index
        %get3A_600 = arith.index_cast %get3A_597 : i32 to index
        %get3A_601 = arith.index_cast %get3A_598 : i32 to index
        %get3A_602 = arith.index_cast %mul3A_595 : i32 to index
        %get3A_603 = tpu.vector_load %arg6[%get3A_599, %get3A_600, %get3A_601, %get3A_602] {strides = array<i32>} : memref<2x4x4x1024xf32, #tpu.memory_space<vmem>>, vector<1x1x1x16xf32>,
        %get3A_604 = vector.shape_cast %get3A_603 : vector<1x1x1x16xf32> to vector<16xf32>
        %eq3A = arith.constant 0.000000e+00 : f32
        %eq3A_605 = vector.broadcast %eq3A : f32 to vector<16xf32>
        %eq3A_606 = arith.cmpf oeq, %get3A_604, %eq3A_605 : vector<16xf32>
        %jit3A = arith.constant 0.000000e+00 : f32
        %broadcast_in_dim3A = vector.broadcast %jit3A : f32 to vector<16xf32>
        %select_n3A = arith.select %eq3A_606, %broadcast_in_dim3A, %mul3A_593 : vector<16xi1>, vector<16xf32>
        %mul3A_607 = arith.constant 16 : i32
        %mul3A_608 = arith.muli %scan3A_553, %mul3A_607 : i32
        %swap3A = arith.constant 1 : i32
        %swap3A_609 = arith.constant 0 : i32
        %swap3A_610 = arith.constant 0 : i32
        %swap3A_611 = arith.index_cast %swap3A : i32 to index
        %swap3A_612 = arith.index_cast %swap3A_609 : i32 to index
        %swap3A_613 = arith.index_cast %swap3A_610 : i32 to index
        %swap3A_614 = arith.index_cast %mul3A_608 : i32 to index
        %swap3A_615 = tpu.vector_load %arg7[%swap3A_611, %swap3A_612, %swap3A_613, %swap3A_614] {strides = array<i32>} : memref<2x4x4x1024xf32, #tpu.memory_space<vmem>>, vector<1x1x1x16xf32>,
        %swap3A_616 = vector.shape_cast %swap3A_615 : vector<1x1x1x16xf32> to vector<16xf32>
        %swap3A_617 = vector.shape_cast %select_n3A : vector<16xf32> to vector<1x1x1x16xf32>
        tpu.vector_store %arg7[%swap3A_611, %swap3A_612, %swap3A_613, %swap3A_614], %swap3A_617 {strides = array<i32>} : memref<2x4x4x1024xf32, #tpu.memory_space<vmem>>, vector<1x1x1x16xf32>,
        %mul3A_618 = arith.constant 16 : i32
        %mul3A_619 = arith.muli %scan3A_553, %mul3A_618 : i32
        %get3A_620 = arith.constant 1 : i32
        %get3A_621 = arith.constant 1 : i32
        %get3A_622 = arith.constant 0 : i32
        %get3A_623 = arith.index_cast %get3A_620 : i32 to index
        %get3A_624 = arith.index_cast %get3A_621 : i32 to index
        %get3A_625 = arith.index_cast %get3A_622 : i32 to index
        %get3A_626 = arith.index_cast %mul3A_619 : i32 to index
        %get3A_627 = tpu.vector_load %arg6[%get3A_623, %get3A_624, %get3A_625, %get3A_626] {strides = array<i32>} : memref<2x4x4x1024xf32, #tpu.memory_space<vmem>>, vector<1x1x1x16xf32>,
        %get3A_628 = vector.shape_cast %get3A_627 : vector<1x1x1x16xf32> to vector<16xf32>
        %eq3A_629 = arith.constant 0.000000e+00 : f32
        %eq3A_630 = vector.broadcast %eq3A_629 : f32 to vector<16xf32>
        %eq3A_631 = arith.cmpf oeq, %get3A_628, %eq3A_630 : vector<16xf32>
        %jit3A_632 = arith.constant 0.000000e+00 : f32
        %broadcast_in_dim3A_633 = vector.broadcast %jit3A_632 : f32 to vector<16xf32>
        %select_n3A_634 = arith.select %eq3A_631, %broadcast_in_dim3A_633, %mul3A_593 : vector<16xi1>, vector<16xf32>
        %mul3A_635 = arith.constant 16 : i32
        %mul3A_636 = arith.muli %scan3A_553, %mul3A_635 : i32
        %swap3A_637 = arith.constant 1 : i32
        %swap3A_638 = arith.constant 1 : i32
        %swap3A_639 = arith.constant 0 : i32
        %swap3A_640 = arith.index_cast %swap3A_637 : i32 to index
        %swap3A_641 = arith.index_cast %swap3A_638 : i32 to index
        %swap3A_642 = arith.index_cast %swap3A_639 : i32 to index
        %swap3A_643 = arith.index_cast %mul3A_636 : i32 to index
        %swap3A_644 = tpu.vector_load %arg7[%swap3A_640, %swap3A_641, %swap3A_642, %swap3A_643] {strides = array<i32>} : memref<2x4x4x1024xf32, #tpu.memory_space<vmem>>, vector<1x1x1x16xf32>,
        %swap3A_645 = vector.shape_cast %swap3A_644 : vector<1x1x1x16xf32> to vector<16xf32>
        %swap3A_646 = vector.shape_cast %select_n3A_634 : vector<16xf32> to vector<1x1x1x16xf32>
        tpu.vector_store %arg7[%swap3A_640, %swap3A_641, %swap3A_642, %swap3A_643], %swap3A_646 {strides = array<i32>} : memref<2x4x4x1024xf32, #tpu.memory_space<vmem>>, vector<1x1x1x16xf32>,
        %mul3A_647 = arith.constant 16 : i32
        %mul3A_648 = arith.muli %scan3A_553, %mul3A_647 : i32
        %get3A_649 = arith.constant 1 : i32
        %get3A_650 = arith.constant 2 : i32
        %get3A_651 = arith.constant 0 : i32
        %get3A_652 = arith.index_cast %get3A_649 : i32 to index
        %get3A_653 = arith.index_cast %get3A_650 : i32 to index
        %get3A_654 = arith.index_cast %get3A_651 : i32 to index
        %get3A_655 = arith.index_cast %mul3A_648 : i32 to index
        %get3A_656 = tpu.vector_load %arg6[%get3A_652, %get3A_653, %get3A_654, %get3A_655] {strides = array<i32>} : memref<2x4x4x1024xf32, #tpu.memory_space<vmem>>, vector<1x1x1x16xf32>,
        %get3A_657 = vector.shape_cast %get3A_656 : vector<1x1x1x16xf32> to vector<16xf32>
        %eq3A_658 = arith.constant 0.000000e+00 : f32
        %eq3A_659 = vector.broadcast %eq3A_658 : f32 to vector<16xf32>
        %eq3A_660 = arith.cmpf oeq, %get3A_657, %eq3A_659 : vector<16xf32>
        %jit3A_661 = arith.constant 0.000000e+00 : f32
        %broadcast_in_dim3A_662 = vector.broadcast %jit3A_661 : f32 to vector<16xf32>
        %select_n3A_663 = arith.select %eq3A_660, %broadcast_in_dim3A_662, %mul3A_593 : vector<16xi1>, vector<16xf32>
        %mul3A_664 = arith.constant 16 : i32
        %mul3A_665 = arith.muli %scan3A_553, %mul3A_664 : i32
        %swap3A_666 = arith.constant 1 : i32
        %swap3A_667 = arith.constant 2 : i32
        %swap3A_668 = arith.constant 0 : i32
        %swap3A_669 = arith.index_cast %swap3A_666 : i32 to index
        %swap3A_670 = arith.index_cast %swap3A_667 : i32 to index
        %swap3A_671 = arith.index_cast %swap3A_668 : i32 to index
        %swap3A_672 = arith.index_cast %mul3A_665 : i32 to index
        %swap3A_673 = tpu.vector_load %arg7[%swap3A_669, %swap3A_670, %swap3A_671, %swap3A_672] {strides = array<i32>} : memref<2x4x4x1024xf32, #tpu.memory_space<vmem>>, vector<1x1x1x16xf32>,
        %swap3A_674 = vector.shape_cast %swap3A_673 : vector<1x1x1x16xf32> to vector<16xf32>
        %swap3A_675 = vector.shape_cast %select_n3A_663 : vector<16xf32> to vector<1x1x1x16xf32>
        tpu.vector_store %arg7[%swap3A_669, %swap3A_670, %swap3A_671, %swap3A_672], %swap3A_675 {strides = array<i32>} : memref<2x4x4x1024xf32, #tpu.memory_space<vmem>>, vector<1x1x1x16xf32>,
        %mul3A_676 = arith.constant 16 : i32
        %mul3A_677 = arith.muli %scan3A_553, %mul3A_676 : i32
        %get3A_678 = arith.constant 1 : i32
        %get3A_679 = arith.constant 3 : i32
        %get3A_680 = arith.constant 0 : i32
        %get3A_681 = arith.index_cast %get3A_678 : i32 to index
        %get3A_682 = arith.index_cast %get3A_679 : i32 to index
        %get3A_683 = arith.index_cast %get3A_680 : i32 to index
        %get3A_684 = arith.index_cast %mul3A_677 : i32 to index
        %get3A_685 = tpu.vector_load %arg6[%get3A_681, %get3A_682, %get3A_683, %get3A_684] {strides = array<i32>} : memref<2x4x4x1024xf32, #tpu.memory_space<vmem>>, vector<1x1x1x16xf32>,
        %get3A_686 = vector.shape_cast %get3A_685 : vector<1x1x1x16xf32> to vector<16xf32>
        %eq3A_687 = arith.constant 0.000000e+00 : f32
        %eq3A_688 = vector.broadcast %eq3A_687 : f32 to vector<16xf32>
        %eq3A_689 = arith.cmpf oeq, %get3A_686, %eq3A_688 : vector<16xf32>
        %jit3A_690 = arith.constant 0.000000e+00 : f32
        %broadcast_in_dim3A_691 = vector.broadcast %jit3A_690 : f32 to vector<16xf32>
        %select_n3A_692 = arith.select %eq3A_689, %broadcast_in_dim3A_691, %mul3A_593 : vector<16xi1>, vector<16xf32>
        %mul3A_693 = arith.constant 16 : i32
        %mul3A_694 = arith.muli %scan3A_553, %mul3A_693 : i32
        %swap3A_695 = arith.constant 1 : i32
        %swap3A_696 = arith.constant 3 : i32
        %swap3A_697 = arith.constant 0 : i32
        %swap3A_698 = arith.index_cast %swap3A_695 : i32 to index
        %swap3A_699 = arith.index_cast %swap3A_696 : i32 to index
        %swap3A_700 = arith.index_cast %swap3A_697 : i32 to index
        %swap3A_701 = arith.index_cast %mul3A_694 : i32 to index
        %swap3A_702 = tpu.vector_load %arg7[%swap3A_698, %swap3A_699, %swap3A_700, %swap3A_701] {strides = array<i32>} : memref<2x4x4x1024xf32, #tpu.memory_space<vmem>>, vector<1x1x1x16xf32>,
        %swap3A_703 = vector.shape_cast %swap3A_702 : vector<1x1x1x16xf32> to vector<16xf32>
        %swap3A_704 = vector.shape_cast %select_n3A_692 : vector<16xf32> to vector<1x1x1x16xf32>
        tpu.vector_store %arg7[%swap3A_698, %swap3A_699, %swap3A_700, %swap3A_701], %swap3A_704 {strides = array<i32>} : memref<2x4x4x1024xf32, #tpu.memory_space<vmem>>, vector<1x1x1x16xf32>,
        %add3A_705 = arith.constant 1 : i32
        %add3A_706 = arith.addi %add3A_475, %add3A_705 : i32
        %convert_element_type3A_707 = arith.sitofp %add3A_706 : i32 to f32
        %mul3A_708 = vector.broadcast %convert_element_type3A_707 : f32 to vector<16xf32>
        %mul3A_709 = arith.mulf %mul3A_708, %get3A_557 : vector<16xf32>
        %add3A_710 = arith.addf %mul3A_709, %get3A_562 : vector<16xf32>
        %add3A_711 = arith.constant 5.000000e-01 : f32
        %add3A_712 = vector.broadcast %add3A_711 : f32 to vector<16xf32>
        %add3A_713 = arith.addf %add3A_710, %add3A_712 : vector<16xf32>
        %convert_element_type3A_714 = arith.fptosi %add3A_713 : vector<16xf32> to vector<16xi32>
        %convert_element_type3A_715 = arith.sitofp %convert_element_type3A_714 : vector<16xi32> to vector<16xf32>
        %sub3A_716 = arith.subf %add3A_710, %convert_element_type3A_715 : vector<16xf32>
        %mul3A_717 = arith.mulf %sub3A_716, %sub3A_716 : vector<16xf32>
        %mul3A_718 = arith.constant 33.1688499 : f32
        %mul3A_719 = vector.broadcast %mul3A_718 : f32 to vector<16xf32>
        %mul3A_720 = arith.mulf %mul3A_717, %mul3A_719 : vector<16xf32>
        %add3A_721 = arith.constant -74.676239 : f32
        %add3A_722 = vector.broadcast %add3A_721 : f32 to vector<16xf32>
        %add3A_723 = arith.addf %add3A_722, %mul3A_720 : vector<16xf32>
        %mul3A_724 = arith.mulf %mul3A_717, %add3A_723 : vector<16xf32>
        %add3A_725 = arith.constant 81.4001464 : f32
        %add3A_726 = vector.broadcast %add3A_725 : f32 to vector<16xf32>
        %add3A_727 = arith.addf %add3A_726, %mul3A_724 : vector<16xf32>
        %mul3A_728 = arith.mulf %mul3A_717, %add3A_727 : vector<16xf32>
        %add3A_729 = arith.constant -41.333252 : f32
        %add3A_730 = vector.broadcast %add3A_729 : f32 to vector<16xf32>
        %add3A_731 = arith.addf %add3A_730, %mul3A_728 : vector<16xf32>
        %mul3A_732 = arith.mulf %mul3A_717, %add3A_731 : vector<16xf32>
        %add3A_733 = arith.constant 6.28308868 : f32
        %add3A_734 = vector.broadcast %add3A_733 : f32 to vector<16xf32>
        %add3A_735 = arith.addf %add3A_734, %mul3A_732 : vector<16xf32>
        %mul3A_736 = arith.mulf %sub3A_716, %add3A_735 : vector<16xf32>
        %mul3A_737 = arith.constant 16 : i32
        %mul3A_738 = arith.muli %scan3A_553, %mul3A_737 : i32
        %get3A_739 = arith.constant 1 : i32
        %get3A_740 = arith.constant 0 : i32
        %get3A_741 = arith.constant 1 : i32
        %get3A_742 = arith.index_cast %get3A_739 : i32 to index
        %get3A_743 = arith.index_cast %get3A_740 : i32 to index
        %get3A_744 = arith.index_cast %get3A_741 : i32 to index
        %get3A_745 = arith.index_cast %mul3A_738 : i32 to index
        %get3A_746 = tpu.vector_load %arg6[%get3A_742, %get3A_743, %get3A_744, %get3A_745] {strides = array<i32>} : memref<2x4x4x1024xf32, #tpu.memory_space<vmem>>, vector<1x1x1x16xf32>,
        %get3A_747 = vector.shape_cast %get3A_746 : vector<1x1x1x16xf32> to vector<16xf32>
        %eq3A_748 = arith.constant 0.000000e+00 : f32
        %eq3A_749 = vector.broadcast %eq3A_748 : f32 to vector<16xf32>
        %eq3A_750 = arith.cmpf oeq, %get3A_747, %eq3A_749 : vector<16xf32>
        %jit3A_751 = arith.constant 0.000000e+00 : f32
        %broadcast_in_dim3A_752 = vector.broadcast %jit3A_751 : f32 to vector<16xf32>
        %select_n3A_753 = arith.select %eq3A_750, %broadcast_in_dim3A_752, %mul3A_736 : vector<16xi1>, vector<16xf32>
        %mul3A_754 = arith.constant 16 : i32
        %mul3A_755 = arith.muli %scan3A_553, %mul3A_754 : i32
        %swap3A_756 = arith.constant 1 : i32
        %swap3A_757 = arith.constant 0 : i32
        %swap3A_758 = arith.constant 1 : i32
        %swap3A_759 = arith.index_cast %swap3A_756 : i32 to index
        %swap3A_760 = arith.index_cast %swap3A_757 : i32 to index
        %swap3A_761 = arith.index_cast %swap3A_758 : i32 to index
        %swap3A_762 = arith.index_cast %mul3A_755 : i32 to index
        %swap3A_763 = tpu.vector_load %arg7[%swap3A_759, %swap3A_760, %swap3A_761, %swap3A_762] {strides = array<i32>} : memref<2x4x4x1024xf32, #tpu.memory_space<vmem>>, vector<1x1x1x16xf32>,
        %swap3A_764 = vector.shape_cast %swap3A_763 : vector<1x1x1x16xf32> to vector<16xf32>
        %swap3A_765 = vector.shape_cast %select_n3A_753 : vector<16xf32> to vector<1x1x1x16xf32>
        tpu.vector_store %arg7[%swap3A_759, %swap3A_760, %swap3A_761, %swap3A_762], %swap3A_765 {strides = array<i32>} : memref<2x4x4x1024xf32, #tpu.memory_space<vmem>>, vector<1x1x1x16xf32>,
        %mul3A_766 = arith.constant 16 : i32
        %mul3A_767 = arith.muli %scan3A_553, %mul3A_766 : i32
        %get3A_768 = arith.constant 1 : i32
        %get3A_769 = arith.constant 1 : i32
        %get3A_770 = arith.constant 1 : i32
        %get3A_771 = arith.index_cast %get3A_768 : i32 to index
        %get3A_772 = arith.index_cast %get3A_769 : i32 to index
        %get3A_773 = arith.index_cast %get3A_770 : i32 to index
        %get3A_774 = arith.index_cast %mul3A_767 : i32 to index
        %get3A_775 = tpu.vector_load %arg6[%get3A_771, %get3A_772, %get3A_773, %get3A_774] {strides = array<i32>} : memref<2x4x4x1024xf32, #tpu.memory_space<vmem>>, vector<1x1x1x16xf32>,
        %get3A_776 = vector.shape_cast %get3A_775 : vector<1x1x1x16xf32> to vector<16xf32>
        %eq3A_777 = arith.constant 0.000000e+00 : f32
        %eq3A_778 = vector.broadcast %eq3A_777 : f32 to vector<16xf32>
        %eq3A_779 = arith.cmpf oeq, %get3A_776, %eq3A_778 : vector<16xf32>
        %jit3A_780 = arith.constant 0.000000e+00 : f32
        %broadcast_in_dim3A_781 = vector.broadcast %jit3A_780 : f32 to vector<16xf32>
        %select_n3A_782 = arith.select %eq3A_779, %broadcast_in_dim3A_781, %mul3A_736 : vector<16xi1>, vector<16xf32>
        %mul3A_783 = arith.constant 16 : i32
        %mul3A_784 = arith.muli %scan3A_553, %mul3A_783 : i32
        %swap3A_785 = arith.constant 1 : i32
        %swap3A_786 = arith.constant 1 : i32
        %swap3A_787 = arith.constant 1 : i32
        %swap3A_788 = arith.index_cast %swap3A_785 : i32 to index
        %swap3A_789 = arith.index_cast %swap3A_786 : i32 to index
        %swap3A_790 = arith.index_cast %swap3A_787 : i32 to index
        %swap3A_791 = arith.index_cast %mul3A_784 : i32 to index
        %swap3A_792 = tpu.vector_load %arg7[%swap3A_788, %swap3A_789, %swap3A_790, %swap3A_791] {strides = array<i32>} : memref<2x4x4x1024xf32, #tpu.memory_space<vmem>>, vector<1x1x1x16xf32>,
        %swap3A_793 = vector.shape_cast %swap3A_792 : vector<1x1x1x16xf32> to vector<16xf32>
        %swap3A_794 = vector.shape_cast %select_n3A_782 : vector<16xf32> to vector<1x1x1x16xf32>
        tpu.vector_store %arg7[%swap3A_788, %swap3A_789, %swap3A_790, %swap3A_791], %swap3A_794 {strides = array<i32>} : memref<2x4x4x1024xf32, #tpu.memory_space<vmem>>, vector<1x1x1x16xf32>,
        %mul3A_795 = arith.constant 16 : i32
        %mul3A_796 = arith.muli %scan3A_553, %mul3A_795 : i32
        %get3A_797 = arith.constant 1 : i32
        %get3A_798 = arith.constant 2 : i32
        %get3A_799 = arith.constant 1 : i32
        %get3A_800 = arith.index_cast %get3A_797 : i32 to index
        %get3A_801 = arith.index_cast %get3A_798 : i32 to index
        %get3A_802 = arith.index_cast %get3A_799 : i32 to index
        %get3A_803 = arith.index_cast %mul3A_796 : i32 to index
        %get3A_804 = tpu.vector_load %arg6[%get3A_800, %get3A_801, %get3A_802, %get3A_803] {strides = array<i32>} : memref<2x4x4x1024xf32, #tpu.memory_space<vmem>>, vector<1x1x1x16xf32>,
        %get3A_805 = vector.shape_cast %get3A_804 : vector<1x1x1x16xf32> to vector<16xf32>
        %eq3A_806 = arith.constant 0.000000e+00 : f32
        %eq3A_807 = vector.broadcast %eq3A_806 : f32 to vector<16xf32>
        %eq3A_808 = arith.cmpf oeq, %get3A_805, %eq3A_807 : vector<16xf32>
        %jit3A_809 = arith.constant 0.000000e+00 : f32
        %broadcast_in_dim3A_810 = vector.broadcast %jit3A_809 : f32 to vector<16xf32>
        %select_n3A_811 = arith.select %eq3A_808, %broadcast_in_dim3A_810, %mul3A_736 : vector<16xi1>, vector<16xf32>
        %mul3A_812 = arith.constant 16 : i32
        %mul3A_813 = arith.muli %scan3A_553, %mul3A_812 : i32
        %swap3A_814 = arith.constant 1 : i32
        %swap3A_815 = arith.constant 2 : i32
        %swap3A_816 = arith.constant 1 : i32
        %swap3A_817 = arith.index_cast %swap3A_814 : i32 to index
        %swap3A_818 = arith.index_cast %swap3A_815 : i32 to index
        %swap3A_819 = arith.index_cast %swap3A_816 : i32 to index
        %swap3A_820 = arith.index_cast %mul3A_813 : i32 to index
        %swap3A_821 = tpu.vector_load %arg7[%swap3A_817, %swap3A_818, %swap3A_819, %swap3A_820] {strides = array<i32>} : memref<2x4x4x1024xf32, #tpu.memory_space<vmem>>, vector<1x1x1x16xf32>,
        %swap3A_822 = vector.shape_cast %swap3A_821 : vector<1x1x1x16xf32> to vector<16xf32>
        %swap3A_823 = vector.shape_cast %select_n3A_811 : vector<16xf32> to vector<1x1x1x16xf32>
        tpu.vector_store %arg7[%swap3A_817, %swap3A_818, %swap3A_819, %swap3A_820], %swap3A_823 {strides = array<i32>} : memref<2x4x4x1024xf32, #tpu.memory_space<vmem>>, vector<1x1x1x16xf32>,
        %mul3A_824 = arith.constant 16 : i32
        %mul3A_825 = arith.muli %scan3A_553, %mul3A_824 : i32
        %get3A_826 = arith.constant 1 : i32
        %get3A_827 = arith.constant 3 : i32
        %get3A_828 = arith.constant 1 : i32
        %get3A_829 = arith.index_cast %get3A_826 : i32 to index
        %get3A_830 = arith.index_cast %get3A_827 : i32 to index
        %get3A_831 = arith.index_cast %get3A_828 : i32 to index
        %get3A_832 = arith.index_cast %mul3A_825 : i32 to index
        %get3A_833 = tpu.vector_load %arg6[%get3A_829, %get3A_830, %get3A_831, %get3A_832] {strides = array<i32>} : memref<2x4x4x1024xf32, #tpu.memory_space<vmem>>, vector<1x1x1x16xf32>,
        %get3A_834 = vector.shape_cast %get3A_833 : vector<1x1x1x16xf32> to vector<16xf32>
        %eq3A_835 = arith.constant 0.000000e+00 : f32
        %eq3A_836 = vector.broadcast %eq3A_835 : f32 to vector<16xf32>
        %eq3A_837 = arith.cmpf oeq, %get3A_834, %eq3A_836 : vector<16xf32>
        %jit3A_838 = arith.constant 0.000000e+00 : f32
        %broadcast_in_dim3A_839 = vector.broadcast %jit3A_838 : f32 to vector<16xf32>
        %select_n3A_840 = arith.select %eq3A_837, %broadcast_in_dim3A_839, %mul3A_736 : vector<16xi1>, vector<16xf32>
        %mul3A_841 = arith.constant 16 : i32
        %mul3A_842 = arith.muli %scan3A_553, %mul3A_841 : i32
        %swap3A_843 = arith.constant 1 : i32
        %swap3A_844 = arith.constant 3 : i32
        %swap3A_845 = arith.constant 1 : i32
        %swap3A_846 = arith.index_cast %swap3A_843 : i32 to index
        %swap3A_847 = arith.index_cast %swap3A_844 : i32 to index
        %swap3A_848 = arith.index_cast %swap3A_845 : i32 to index
        %swap3A_849 = arith.index_cast %mul3A_842 : i32 to index
        %swap3A_850 = tpu.vector_load %arg7[%swap3A_846, %swap3A_847, %swap3A_848, %swap3A_849] {strides = array<i32>} : memref<2x4x4x1024xf32, #tpu.memory_space<vmem>>, vector<1x1x1x16xf32>,
        %swap3A_851 = vector.shape_cast %swap3A_850 : vector<1x1x1x16xf32> to vector<16xf32>
        %swap3A_852 = vector.shape_cast %select_n3A_840 : vector<16xf32> to vector<1x1x1x16xf32>
        tpu.vector_store %arg7[%swap3A_846, %swap3A_847, %swap3A_848, %swap3A_849], %swap3A_852 {strides = array<i32>} : memref<2x4x4x1024xf32, #tpu.memory_space<vmem>>, vector<1x1x1x16xf32>,
        %add3A_853 = arith.constant 2 : i32
        %add3A_854 = arith.addi %add3A_475, %add3A_853 : i32
        %convert_element_type3A_855 = arith.sitofp %add3A_854 : i32 to f32
        %mul3A_856 = vector.broadcast %convert_element_type3A_855 : f32 to vector<16xf32>
        %mul3A_857 = arith.mulf %mul3A_856, %get3A_557 : vector<16xf32>
        %add3A_858 = arith.addf %mul3A_857, %get3A_562 : vector<16xf32>
        %add3A_859 = arith.constant 5.000000e-01 : f32
        %add3A_860 = vector.broadcast %add3A_859 : f32 to vector<16xf32>
        %add3A_861 = arith.addf %add3A_858, %add3A_860 : vector<16xf32>
        %convert_element_type3A_862 = arith.fptosi %add3A_861 : vector<16xf32> to vector<16xi32>
        %convert_element_type3A_863 = arith.sitofp %convert_element_type3A_862 : vector<16xi32> to vector<16xf32>
        %sub3A_864 = arith.subf %add3A_858, %convert_element_type3A_863 : vector<16xf32>
        %mul3A_865 = arith.mulf %sub3A_864, %sub3A_864 : vector<16xf32>
        %mul3A_866 = arith.constant 33.1688499 : f32
        %mul3A_867 = vector.broadcast %mul3A_866 : f32 to vector<16xf32>
        %mul3A_868 = arith.mulf %mul3A_865, %mul3A_867 : vector<16xf32>
        %add3A_869 = arith.constant -74.676239 : f32
        %add3A_870 = vector.broadcast %add3A_869 : f32 to vector<16xf32>
        %add3A_871 = arith.addf %add3A_870, %mul3A_868 : vector<16xf32>
        %mul3A_872 = arith.mulf %mul3A_865, %add3A_871 : vector<16xf32>
        %add3A_873 = arith.constant 81.4001464 : f32
        %add3A_874 = vector.broadcast %add3A_873 : f32 to vector<16xf32>
        %add3A_875 = arith.addf %add3A_874, %mul3A_872 : vector<16xf32>
        %mul3A_876 = arith.mulf %mul3A_865, %add3A_875 : vector<16xf32>
        %add3A_877 = arith.constant -41.333252 : f32
        %add3A_878 = vector.broadcast %add3A_877 : f32 to vector<16xf32>
        %add3A_879 = arith.addf %add3A_878, %mul3A_876 : vector<16xf32>
        %mul3A_880 = arith.mulf %mul3A_865, %add3A_879 : vector<16xf32>
        %add3A_881 = arith.constant 6.28308868 : f32
        %add3A_882 = vector.broadcast %add3A_881 : f32 to vector<16xf32>
        %add3A_883 = arith.addf %add3A_882, %mul3A_880 : vector<16xf32>
        %mul3A_884 = arith.mulf %sub3A_864, %add3A_883 : vector<16xf32>
        %mul3A_885 = arith.constant 16 : i32
        %mul3A_886 = arith.muli %scan3A_553, %mul3A_885 : i32
        %get3A_887 = arith.constant 1 : i32
        %get3A_888 = arith.constant 0 : i32
        %get3A_889 = arith.constant 2 : i32
        %get3A_890 = arith.index_cast %get3A_887 : i32 to index
        %get3A_891 = arith.index_cast %get3A_888 : i32 to index
        %get3A_892 = arith.index_cast %get3A_889 : i32 to index
        %get3A_893 = arith.index_cast %mul3A_886 : i32 to index
        %get3A_894 = tpu.vector_load %arg6[%get3A_890, %get3A_891, %get3A_892, %get3A_893] {strides = array<i32>} : memref<2x4x4x1024xf32, #tpu.memory_space<vmem>>, vector<1x1x1x16xf32>,
        %get3A_895 = vector.shape_cast %get3A_894 : vector<1x1x1x16xf32> to vector<16xf32>
        %eq3A_896 = arith.constant 0.000000e+00 : f32
        %eq3A_897 = vector.broadcast %eq3A_896 : f32 to vector<16xf32>
        %eq3A_898 = arith.cmpf oeq, %get3A_895, %eq3A_897 : vector<16xf32>
        %jit3A_899 = arith.constant 0.000000e+00 : f32
        %broadcast_in_dim3A_900 = vector.broadcast %jit3A_899 : f32 to vector<16xf32>
        %select_n3A_901 = arith.select %eq3A_898, %broadcast_in_dim3A_900, %mul3A_884 : vector<16xi1>, vector<16xf32>
        %mul3A_902 = arith.constant 16 : i32
        %mul3A_903 = arith.muli %scan3A_553, %mul3A_902 : i32
        %swap3A_904 = arith.constant 1 : i32
        %swap3A_905 = arith.constant 0 : i32
        %swap3A_906 = arith.constant 2 : i32
        %swap3A_907 = arith.index_cast %swap3A_904 : i32 to index
        %swap3A_908 = arith.index_cast %swap3A_905 : i32 to index
        %swap3A_909 = arith.index_cast %swap3A_906 : i32 to index
        %swap3A_910 = arith.index_cast %mul3A_903 : i32 to index
        %swap3A_911 = tpu.vector_load %arg7[%swap3A_907, %swap3A_908, %swap3A_909, %swap3A_910] {strides = array<i32>} : memref<2x4x4x1024xf32, #tpu.memory_space<vmem>>, vector<1x1x1x16xf32>,
        %swap3A_912 = vector.shape_cast %swap3A_911 : vector<1x1x1x16xf32> to vector<16xf32>
        %swap3A_913 = vector.shape_cast %select_n3A_901 : vector<16xf32> to vector<1x1x1x16xf32>
        tpu.vector_store %arg7[%swap3A_907, %swap3A_908, %swap3A_909, %swap3A_910], %swap3A_913 {strides = array<i32>} : memref<2x4x4x1024xf32, #tpu.memory_space<vmem>>, vector<1x1x1x16xf32>,
        %mul3A_914 = arith.constant 16 : i32
        %mul3A_915 = arith.muli %scan3A_553, %mul3A_914 : i32
        %get3A_916 = arith.constant 1 : i32
        %get3A_917 = arith.constant 1 : i32
        %get3A_918 = arith.constant 2 : i32
        %get3A_919 = arith.index_cast %get3A_916 : i32 to index
        %get3A_920 = arith.index_cast %get3A_917 : i32 to index
        %get3A_921 = arith.index_cast %get3A_918 : i32 to index
        %get3A_922 = arith.index_cast %mul3A_915 : i32 to index
        %get3A_923 = tpu.vector_load %arg6[%get3A_919, %get3A_920, %get3A_921, %get3A_922] {strides = array<i32>} : memref<2x4x4x1024xf32, #tpu.memory_space<vmem>>, vector<1x1x1x16xf32>,
        %get3A_924 = vector.shape_cast %get3A_923 : vector<1x1x1x16xf32> to vector<16xf32>
        %eq3A_925 = arith.constant 0.000000e+00 : f32
        %eq3A_926 = vector.broadcast %eq3A_925 : f32 to vector<16xf32>
        %eq3A_927 = arith.cmpf oeq, %get3A_924, %eq3A_926 : vector<16xf32>
        %jit3A_928 = arith.constant 0.000000e+00 : f32
        %broadcast_in_dim3A_929 = vector.broadcast %jit3A_928 : f32 to vector<16xf32>
        %select_n3A_930 = arith.select %eq3A_927, %broadcast_in_dim3A_929, %mul3A_884 : vector<16xi1>, vector<16xf32>
        %mul3A_931 = arith.constant 16 : i32
        %mul3A_932 = arith.muli %scan3A_553, %mul3A_931 : i32
        %swap3A_933 = arith.constant 1 : i32
        %swap3A_934 = arith.constant 1 : i32
        %swap3A_935 = arith.constant 2 : i32
        %swap3A_936 = arith.index_cast %swap3A_933 : i32 to index
        %swap3A_937 = arith.index_cast %swap3A_934 : i32 to index
        %swap3A_938 = arith.index_cast %swap3A_935 : i32 to index
        %swap3A_939 = arith.index_cast %mul3A_932 : i32 to index
        %swap3A_940 = tpu.vector_load %arg7[%swap3A_936, %swap3A_937, %swap3A_938, %swap3A_939] {strides = array<i32>} : memref<2x4x4x1024xf32, #tpu.memory_space<vmem>>, vector<1x1x1x16xf32>,
        %swap3A_941 = vector.shape_cast %swap3A_940 : vector<1x1x1x16xf32> to vector<16xf32>
        %swap3A_942 = vector.shape_cast %select_n3A_930 : vector<16xf32> to vector<1x1x1x16xf32>
        tpu.vector_store %arg7[%swap3A_936, %swap3A_937, %swap3A_938, %swap3A_939], %swap3A_942 {strides = array<i32>} : memref<2x4x4x1024xf32, #tpu.memory_space<vmem>>, vector<1x1x1x16xf32>,
        %mul3A_943 = arith.constant 16 : i32
        %mul3A_944 = arith.muli %scan3A_553, %mul3A_943 : i32
        %get3A_945 = arith.constant 1 : i32
        %get3A_946 = arith.constant 2 : i32
        %get3A_947 = arith.constant 2 : i32
        %get3A_948 = arith.index_cast %get3A_945 : i32 to index
        %get3A_949 = arith.index_cast %get3A_946 : i32 to index
        %get3A_950 = arith.index_cast %get3A_947 : i32 to index
        %get3A_951 = arith.index_cast %mul3A_944 : i32 to index
        %get3A_952 = tpu.vector_load %arg6[%get3A_948, %get3A_949, %get3A_950, %get3A_951] {strides = array<i32>} : memref<2x4x4x1024xf32, #tpu.memory_space<vmem>>, vector<1x1x1x16xf32>,
        %get3A_953 = vector.shape_cast %get3A_952 : vector<1x1x1x16xf32> to vector<16xf32>
        %eq3A_954 = arith.constant 0.000000e+00 : f32
        %eq3A_955 = vector.broadcast %eq3A_954 : f32 to vector<16xf32>
        %eq3A_956 = arith.cmpf oeq, %get3A_953, %eq3A_955 : vector<16xf32>
        %jit3A_957 = arith.constant 0.000000e+00 : f32
        %broadcast_in_dim3A_958 = vector.broadcast %jit3A_957 : f32 to vector<16xf32>
        %select_n3A_959 = arith.select %eq3A_956, %broadcast_in_dim3A_958, %mul3A_884 : vector<16xi1>, vector<16xf32>
        %mul3A_960 = arith.constant 16 : i32
        %mul3A_961 = arith.muli %scan3A_553, %mul3A_960 : i32
        %swap3A_962 = arith.constant 1 : i32
        %swap3A_963 = arith.constant 2 : i32
        %swap3A_964 = arith.constant 2 : i32
        %swap3A_965 = arith.index_cast %swap3A_962 : i32 to index
        %swap3A_966 = arith.index_cast %swap3A_963 : i32 to index
        %swap3A_967 = arith.index_cast %swap3A_964 : i32 to index
        %swap3A_968 = arith.index_cast %mul3A_961 : i32 to index
        %swap3A_969 = tpu.vector_load %arg7[%swap3A_965, %swap3A_966, %swap3A_967, %swap3A_968] {strides = array<i32>} : memref<2x4x4x1024xf32, #tpu.memory_space<vmem>>, vector<1x1x1x16xf32>,
        %swap3A_970 = vector.shape_cast %swap3A_969 : vector<1x1x1x16xf32> to vector<16xf32>
        %swap3A_971 = vector.shape_cast %select_n3A_959 : vector<16xf32> to vector<1x1x1x16xf32>
        tpu.vector_store %arg7[%swap3A_965, %swap3A_966, %swap3A_967, %swap3A_968], %swap3A_971 {strides = array<i32>} : memref<2x4x4x1024xf32, #tpu.memory_space<vmem>>, vector<1x1x1x16xf32>,
        %mul3A_972 = arith.constant 16 : i32
        %mul3A_973 = arith.muli %scan3A_553, %mul3A_972 : i32
        %get3A_974 = arith.constant 1 : i32
        %get3A_975 = arith.constant 3 : i32
        %get3A_976 = arith.constant 2 : i32
        %get3A_977 = arith.index_cast %get3A_974 : i32 to index
        %get3A_978 = arith.index_cast %get3A_975 : i32 to index
        %get3A_979 = arith.index_cast %get3A_976 : i32 to index
        %get3A_980 = arith.index_cast %mul3A_973 : i32 to index
        %get3A_981 = tpu.vector_load %arg6[%get3A_977, %get3A_978, %get3A_979, %get3A_980] {strides = array<i32>} : memref<2x4x4x1024xf32, #tpu.memory_space<vmem>>, vector<1x1x1x16xf32>,
        %get3A_982 = vector.shape_cast %get3A_981 : vector<1x1x1x16xf32> to vector<16xf32>
        %eq3A_983 = arith.constant 0.000000e+00 : f32
        %eq3A_984 = vector.broadcast %eq3A_983 : f32 to vector<16xf32>
        %eq3A_985 = arith.cmpf oeq, %get3A_982, %eq3A_984 : vector<16xf32>
        %jit3A_986 = arith.constant 0.000000e+00 : f32
        %broadcast_in_dim3A_987 = vector.broadcast %jit3A_986 : f32 to vector<16xf32>
        %select_n3A_988 = arith.select %eq3A_985, %broadcast_in_dim3A_987, %mul3A_884 : vector<16xi1>, vector<16xf32>
        %mul3A_989 = arith.constant 16 : i32
        %mul3A_990 = arith.muli %scan3A_553, %mul3A_989 : i32
        %swap3A_991 = arith.constant 1 : i32
        %swap3A_992 = arith.constant 3 : i32
        %swap3A_993 = arith.constant 2 : i32
        %swap3A_994 = arith.index_cast %swap3A_991 : i32 to index
        %swap3A_995 = arith.index_cast %swap3A_992 : i32 to index
        %swap3A_996 = arith.index_cast %swap3A_993 : i32 to index
        %swap3A_997 = arith.index_cast %mul3A_990 : i32 to index
        %swap3A_998 = tpu.vector_load %arg7[%swap3A_994, %swap3A_995, %swap3A_996, %swap3A_997] {strides = array<i32>} : memref<2x4x4x1024xf32, #tpu.memory_space<vmem>>, vector<1x1x1x16xf32>,
        %swap3A_999 = vector.shape_cast %swap3A_998 : vector<1x1x1x16xf32> to vector<16xf32>
        %swap3A_1000 = vector.shape_cast %select_n3A_988 : vector<16xf32> to vector<1x1x1x16xf32>
        tpu.vector_store %arg7[%swap3A_994, %swap3A_995, %swap3A_996, %swap3A_997], %swap3A_1000 {strides = array<i32>} : memref<2x4x4x1024xf32, #tpu.memory_space<vmem>>, vector<1x1x1x16xf32>,
        %add3A_1001 = arith.constant 3 : i32
        %add3A_1002 = arith.addi %add3A_475, %add3A_1001 : i32
        %convert_element_type3A_1003 = arith.sitofp %add3A_1002 : i32 to f32
        %mul3A_1004 = vector.broadcast %convert_element_type3A_1003 : f32 to vector<16xf32>
        %mul3A_1005 = arith.mulf %mul3A_1004, %get3A_557 : vector<16xf32>
        %add3A_1006 = arith.addf %mul3A_1005, %get3A_562 : vector<16xf32>
        %add3A_1007 = arith.constant 5.000000e-01 : f32
        %add3A_1008 = vector.broadcast %add3A_1007 : f32 to vector<16xf32>
        %add3A_1009 = arith.addf %add3A_1006, %add3A_1008 : vector<16xf32>
        %convert_element_type3A_1010 = arith.fptosi %add3A_1009 : vector<16xf32> to vector<16xi32>
        %convert_element_type3A_1011 = arith.sitofp %convert_element_type3A_1010 : vector<16xi32> to vector<16xf32>
        %sub3A_1012 = arith.subf %add3A_1006, %convert_element_type3A_1011 : vector<16xf32>
        %mul3A_1013 = arith.mulf %sub3A_1012, %sub3A_1012 : vector<16xf32>
        %mul3A_1014 = arith.constant 33.1688499 : f32
        %mul3A_1015 = vector.broadcast %mul3A_1014 : f32 to vector<16xf32>
        %mul3A_1016 = arith.mulf %mul3A_1013, %mul3A_1015 : vector<16xf32>
        %add3A_1017 = arith.constant -74.676239 : f32
        %add3A_1018 = vector.broadcast %add3A_1017 : f32 to vector<16xf32>
        %add3A_1019 = arith.addf %add3A_1018, %mul3A_1016 : vector<16xf32>
        %mul3A_1020 = arith.mulf %mul3A_1013, %add3A_1019 : vector<16xf32>
        %add3A_1021 = arith.constant 81.4001464 : f32
        %add3A_1022 = vector.broadcast %add3A_1021 : f32 to vector<16xf32>
        %add3A_1023 = arith.addf %add3A_1022, %mul3A_1020 : vector<16xf32>
        %mul3A_1024 = arith.mulf %mul3A_1013, %add3A_1023 : vector<16xf32>
        %add3A_1025 = arith.constant -41.333252 : f32
        %add3A_1026 = vector.broadcast %add3A_1025 : f32 to vector<16xf32>
        %add3A_1027 = arith.addf %add3A_1026, %mul3A_1024 : vector<16xf32>
        %mul3A_1028 = arith.mulf %mul3A_1013, %add3A_1027 : vector<16xf32>
        %add3A_1029 = arith.constant 6.28308868 : f32
        %add3A_1030 = vector.broadcast %add3A_1029 : f32 to vector<16xf32>
        %add3A_1031 = arith.addf %add3A_1030, %mul3A_1028 : vector<16xf32>
        %mul3A_1032 = arith.mulf %sub3A_1012, %add3A_1031 : vector<16xf32>
        %mul3A_1033 = arith.constant 16 : i32
        %mul3A_1034 = arith.muli %scan3A_553, %mul3A_1033 : i32
        %get3A_1035 = arith.constant 1 : i32
        %get3A_1036 = arith.constant 0 : i32
        %get3A_1037 = arith.constant 3 : i32
        %get3A_1038 = arith.index_cast %get3A_1035 : i32 to index
        %get3A_1039 = arith.index_cast %get3A_1036 : i32 to index
        %get3A_1040 = arith.index_cast %get3A_1037 : i32 to index
        %get3A_1041 = arith.index_cast %mul3A_1034 : i32 to index
        %get3A_1042 = tpu.vector_load %arg6[%get3A_1038, %get3A_1039, %get3A_1040, %get3A_1041] {strides = array<i32>} : memref<2x4x4x1024xf32, #tpu.memory_space<vmem>>, vector<1x1x1x16xf32>,
        %get3A_1043 = vector.shape_cast %get3A_1042 : vector<1x1x1x16xf32> to vector<16xf32>
        %eq3A_1044 = arith.constant 0.000000e+00 : f32
        %eq3A_1045 = vector.broadcast %eq3A_1044 : f32 to vector<16xf32>
        %eq3A_1046 = arith.cmpf oeq, %get3A_1043, %eq3A_1045 : vector<16xf32>
        %jit3A_1047 = arith.constant 0.000000e+00 : f32
        %broadcast_in_dim3A_1048 = vector.broadcast %jit3A_1047 : f32 to vector<16xf32>
        %select_n3A_1049 = arith.select %eq3A_1046, %broadcast_in_dim3A_1048, %mul3A_1032 : vector<16xi1>, vector<16xf32>
        %mul3A_1050 = arith.constant 16 : i32
        %mul3A_1051 = arith.muli %scan3A_553, %mul3A_1050 : i32
        %swap3A_1052 = arith.constant 1 : i32
        %swap3A_1053 = arith.constant 0 : i32
        %swap3A_1054 = arith.constant 3 : i32
        %swap3A_1055 = arith.index_cast %swap3A_1052 : i32 to index
        %swap3A_1056 = arith.index_cast %swap3A_1053 : i32 to index
        %swap3A_1057 = arith.index_cast %swap3A_1054 : i32 to index
        %swap3A_1058 = arith.index_cast %mul3A_1051 : i32 to index
        %swap3A_1059 = tpu.vector_load %arg7[%swap3A_1055, %swap3A_1056, %swap3A_1057, %swap3A_1058] {strides = array<i32>} : memref<2x4x4x1024xf32, #tpu.memory_space<vmem>>, vector<1x1x1x16xf32>,
        %swap3A_1060 = vector.shape_cast %swap3A_1059 : vector<1x1x1x16xf32> to vector<16xf32>
        %swap3A_1061 = vector.shape_cast %select_n3A_1049 : vector<16xf32> to vector<1x1x1x16xf32>
        tpu.vector_store %arg7[%swap3A_1055, %swap3A_1056, %swap3A_1057, %swap3A_1058], %swap3A_1061 {strides = array<i32>} : memref<2x4x4x1024xf32, #tpu.memory_space<vmem>>, vector<1x1x1x16xf32>,
        %mul3A_1062 = arith.constant 16 : i32
        %mul3A_1063 = arith.muli %scan3A_553, %mul3A_1062 : i32
        %get3A_1064 = arith.constant 1 : i32
        %get3A_1065 = arith.constant 1 : i32
        %get3A_1066 = arith.constant 3 : i32
        %get3A_1067 = arith.index_cast %get3A_1064 : i32 to index
        %get3A_1068 = arith.index_cast %get3A_1065 : i32 to index
        %get3A_1069 = arith.index_cast %get3A_1066 : i32 to index
        %get3A_1070 = arith.index_cast %mul3A_1063 : i32 to index
        %get3A_1071 = tpu.vector_load %arg6[%get3A_1067, %get3A_1068, %get3A_1069, %get3A_1070] {strides = array<i32>} : memref<2x4x4x1024xf32, #tpu.memory_space<vmem>>, vector<1x1x1x16xf32>,
        %get3A_1072 = vector.shape_cast %get3A_1071 : vector<1x1x1x16xf32> to vector<16xf32>
        %eq3A_1073 = arith.constant 0.000000e+00 : f32
        %eq3A_1074 = vector.broadcast %eq3A_1073 : f32 to vector<16xf32>
        %eq3A_1075 = arith.cmpf oeq, %get3A_1072, %eq3A_1074 : vector<16xf32>
        %jit3A_1076 = arith.constant 0.000000e+00 : f32
        %broadcast_in_dim3A_1077 = vector.broadcast %jit3A_1076 : f32 to vector<16xf32>
        %select_n3A_1078 = arith.select %eq3A_1075, %broadcast_in_dim3A_1077, %mul3A_1032 : vector<16xi1>, vector<16xf32>
        %mul3A_1079 = arith.constant 16 : i32
        %mul3A_1080 = arith.muli %scan3A_553, %mul3A_1079 : i32
        %swap3A_1081 = arith.constant 1 : i32
        %swap3A_1082 = arith.constant 1 : i32
        %swap3A_1083 = arith.constant 3 : i32
        %swap3A_1084 = arith.index_cast %swap3A_1081 : i32 to index
        %swap3A_1085 = arith.index_cast %swap3A_1082 : i32 to index
        %swap3A_1086 = arith.index_cast %swap3A_1083 : i32 to index
        %swap3A_1087 = arith.index_cast %mul3A_1080 : i32 to index
        %swap3A_1088 = tpu.vector_load %arg7[%swap3A_1084, %swap3A_1085, %swap3A_1086, %swap3A_1087] {strides = array<i32>} : memref<2x4x4x1024xf32, #tpu.memory_space<vmem>>, vector<1x1x1x16xf32>,
        %swap3A_1089 = vector.shape_cast %swap3A_1088 : vector<1x1x1x16xf32> to vector<16xf32>
        %swap3A_1090 = vector.shape_cast %select_n3A_1078 : vector<16xf32> to vector<1x1x1x16xf32>
        tpu.vector_store %arg7[%swap3A_1084, %swap3A_1085, %swap3A_1086, %swap3A_1087], %swap3A_1090 {strides = array<i32>} : memref<2x4x4x1024xf32, #tpu.memory_space<vmem>>, vector<1x1x1x16xf32>,
        %mul3A_1091 = arith.constant 16 : i32
        %mul3A_1092 = arith.muli %scan3A_553, %mul3A_1091 : i32
        %get3A_1093 = arith.constant 1 : i32
        %get3A_1094 = arith.constant 2 : i32
        %get3A_1095 = arith.constant 3 : i32
        %get3A_1096 = arith.index_cast %get3A_1093 : i32 to index
        %get3A_1097 = arith.index_cast %get3A_1094 : i32 to index
        %get3A_1098 = arith.index_cast %get3A_1095 : i32 to index
        %get3A_1099 = arith.index_cast %mul3A_1092 : i32 to index
        %get3A_1100 = tpu.vector_load %arg6[%get3A_1096, %get3A_1097, %get3A_1098, %get3A_1099] {strides = array<i32>} : memref<2x4x4x1024xf32, #tpu.memory_space<vmem>>, vector<1x1x1x16xf32>,
        %get3A_1101 = vector.shape_cast %get3A_1100 : vector<1x1x1x16xf32> to vector<16xf32>
        %eq3A_1102 = arith.constant 0.000000e+00 : f32
        %eq3A_1103 = vector.broadcast %eq3A_1102 : f32 to vector<16xf32>
        %eq3A_1104 = arith.cmpf oeq, %get3A_1101, %eq3A_1103 : vector<16xf32>
        %jit3A_1105 = arith.constant 0.000000e+00 : f32
        %broadcast_in_dim3A_1106 = vector.broadcast %jit3A_1105 : f32 to vector<16xf32>
        %select_n3A_1107 = arith.select %eq3A_1104, %broadcast_in_dim3A_1106, %mul3A_1032 : vector<16xi1>, vector<16xf32>
        %mul3A_1108 = arith.constant 16 : i32
        %mul3A_1109 = arith.muli %scan3A_553, %mul3A_1108 : i32
        %swap3A_1110 = arith.constant 1 : i32
        %swap3A_1111 = arith.constant 2 : i32
        %swap3A_1112 = arith.constant 3 : i32
        %swap3A_1113 = arith.index_cast %swap3A_1110 : i32 to index
        %swap3A_1114 = arith.index_cast %swap3A_1111 : i32 to index
        %swap3A_1115 = arith.index_cast %swap3A_1112 : i32 to index
        %swap3A_1116 = arith.index_cast %mul3A_1109 : i32 to index
        %swap3A_1117 = tpu.vector_load %arg7[%swap3A_1113, %swap3A_1114, %swap3A_1115, %swap3A_1116] {strides = array<i32>} : memref<2x4x4x1024xf32, #tpu.memory_space<vmem>>, vector<1x1x1x16xf32>,
        %swap3A_1118 = vector.shape_cast %swap3A_1117 : vector<1x1x1x16xf32> to vector<16xf32>
        %swap3A_1119 = vector.shape_cast %select_n3A_1107 : vector<16xf32> to vector<1x1x1x16xf32>
        tpu.vector_store %arg7[%swap3A_1113, %swap3A_1114, %swap3A_1115, %swap3A_1116], %swap3A_1119 {strides = array<i32>} : memref<2x4x4x1024xf32, #tpu.memory_space<vmem>>, vector<1x1x1x16xf32>,
        %mul3A_1120 = arith.constant 16 : i32
        %mul3A_1121 = arith.muli %scan3A_553, %mul3A_1120 : i32
        %get3A_1122 = arith.constant 1 : i32
        %get3A_1123 = arith.constant 3 : i32
        %get3A_1124 = arith.constant 3 : i32
        %get3A_1125 = arith.index_cast %get3A_1122 : i32 to index
        %get3A_1126 = arith.index_cast %get3A_1123 : i32 to index
        %get3A_1127 = arith.index_cast %get3A_1124 : i32 to index
        %get3A_1128 = arith.index_cast %mul3A_1121 : i32 to index
        %get3A_1129 = tpu.vector_load %arg6[%get3A_1125, %get3A_1126, %get3A_1127, %get3A_1128] {strides = array<i32>} : memref<2x4x4x1024xf32, #tpu.memory_space<vmem>>, vector<1x1x1x16xf32>,
        %get3A_1130 = vector.shape_cast %get3A_1129 : vector<1x1x1x16xf32> to vector<16xf32>
        %eq3A_1131 = arith.constant 0.000000e+00 : f32
        %eq3A_1132 = vector.broadcast %eq3A_1131 : f32 to vector<16xf32>
        %eq3A_1133 = arith.cmpf oeq, %get3A_1130, %eq3A_1132 : vector<16xf32>
        %jit3A_1134 = arith.constant 0.000000e+00 : f32
        %broadcast_in_dim3A_1135 = vector.broadcast %jit3A_1134 : f32 to vector<16xf32>
        %select_n3A_1136 = arith.select %eq3A_1133, %broadcast_in_dim3A_1135, %mul3A_1032 : vector<16xi1>, vector<16xf32>
        %mul3A_1137 = arith.constant 16 : i32
        %mul3A_1138 = arith.muli %scan3A_553, %mul3A_1137 : i32
        %swap3A_1139 = arith.constant 1 : i32
        %swap3A_1140 = arith.constant 3 : i32
        %swap3A_1141 = arith.constant 3 : i32
        %swap3A_1142 = arith.index_cast %swap3A_1139 : i32 to index
        %swap3A_1143 = arith.index_cast %swap3A_1140 : i32 to index
        %swap3A_1144 = arith.index_cast %swap3A_1141 : i32 to index
        %swap3A_1145 = arith.index_cast %mul3A_1138 : i32 to index
        %swap3A_1146 = tpu.vector_load %arg7[%swap3A_1142, %swap3A_1143, %swap3A_1144, %swap3A_1145] {strides = array<i32>} : memref<2x4x4x1024xf32, #tpu.memory_space<vmem>>, vector<1x1x1x16xf32>,
        %swap3A_1147 = vector.shape_cast %swap3A_1146 : vector<1x1x1x16xf32> to vector<16xf32>
        %swap3A_1148 = vector.shape_cast %select_n3A_1136 : vector<16xf32> to vector<1x1x1x16xf32>
        tpu.vector_store %arg7[%swap3A_1142, %swap3A_1143, %swap3A_1144, %swap3A_1145], %swap3A_1148 {strides = array<i32>} : memref<2x4x4x1024xf32, #tpu.memory_space<vmem>>, vector<1x1x1x16xf32>,
      }
      %scan3A_481 = arith.constant 64 : i32
      %mul3A_482 = arith.constant 4 : i32
      %mul3A_483 = arith.muli %add3A_389, %mul3A_482 : i32
      %add3A_484 = arith.addi %mul3A_7, %mul3A_483 : i32
      %dma_start3A_485 = arith.constant 1 : i32
      %dma_start3A_486 = arith.constant 0 : i32
      %dma_start3A_487 = arith.constant 0 : i32
      %dma_start3A_488 = arith.constant 0 : i32
      %dma_start3A_489 = arith.constant 0 : i32
      %dma_start3A_490 = tpu.memref_slice %arg7[%dma_start3A_485, %dma_start3A_486, %dma_start3A_488, %dma_start3A_489] : memref<2x4x4x1024xf32, #tpu.memory_space<vmem>> -> memref<1x1x4x1024xf32, #tpu.memory_space<vmem>>
      %dma_start3A_491 = tpu.memref_squeeze %dma_start3A_490 : memref<1x1x4x1024xf32, #tpu.memory_space<vmem>> -> memref<4x1024xf32, #tpu.memory_space<vmem>>
      %dma_start3A_492 = arith.constant 0 : i32
      %dma_start3A_493 = tpu.memref_slice %arg3[%dma_start3A_487, %add3A_484, %dma_start3A_492] : memref<4x4096x1024xf32, #tpu.memory_space<hbm>> -> memref<1x4x1024xf32, #tpu.memory_space<hbm>>
      %dma_start3A_494 = tpu.memref_squeeze %dma_start3A_493 : memref<1x4x1024xf32, #tpu.memory_space<hbm>> -> memref<4x1024xf32, #tpu.memory_space<hbm>>
      %dma_start3A_495 = arith.constant 0 : i32
      %dma_start3A_496 = tpu.memref_slice %arg3[%dma_start3A_487, %add3A_484, %dma_start3A_495] : memref<4x4096x1024xf32, #tpu.memory_space<hbm>> -> memref<1x4x1024xf32, #tpu.memory_space<hbm>>
      %dma_start3A_497 = tpu.memref_squeeze %dma_start3A_496 : memref<1x4x1024xf32, #tpu.memory_space<hbm>> -> memref<4x1024xf32, #tpu.memory_space<hbm>>
      %dma_start3A_498 = arith.constant 0 : i32
      %dma_start3A_499 = arith.constant 0 : i32
      %dma_start3A_500 = tpu.memref_slice %arg7[%dma_start3A_485, %dma_start3A_486, %dma_start3A_498, %dma_start3A_499] : memref<2x4x4x1024xf32, #tpu.memory_space<vmem>> -> memref<1x1x4x1024xf32, #tpu.memory_space<vmem>>
      %dma_start3A_501 = tpu.memref_squeeze %dma_start3A_500 : memref<1x1x4x1024xf32, #tpu.memory_space<vmem>> -> memref<4x1024xf32, #tpu.memory_space<vmem>>
      tpu.enqueue_dma source(%dma_start3A_501 : memref<4x1024xf32, #tpu.memory_space<vmem>>) target(%dma_start3A_497 : memref<4x1024xf32, #tpu.memory_space<hbm>>) target_semaphore(%arg9 : memref<!tpu.dma_semaphore, #tpu.memory_space<semaphore_mem>>)
      %dma_start3A_502 = arith.constant 1 : i32
      %dma_start3A_503 = arith.constant 1 : i32
      %dma_start3A_504 = arith.constant 1 : i32
      %dma_start3A_505 = arith.constant 0 : i32
      %dma_start3A_506 = arith.constant 0 : i32
      %dma_start3A_507 = tpu.memref_slice %arg7[%dma_start3A_502, %dma_start3A_503, %dma_start3A_505, %dma_start3A_506] : memref<2x4x4x1024xf32, #tpu.memory_space<vmem>> -> memref<1x1x4x1024xf32, #tpu.memory_space<vmem>>
      %dma_start3A_508 = tpu.memref_squeeze %dma_start3A_507 : memref<1x1x4x1024xf32, #tpu.memory_space<vmem>> -> memref<4x1024xf32, #tpu.memory_space<vmem>>
      %dma_start3A_509 = arith.constant 0 : i32
      %dma_start3A_510 = tpu.memref_slice %arg3[%dma_start3A_504, %add3A_484, %dma_start3A_509] : memref<4x4096x1024xf32, #tpu.memory_space<hbm>> -> memref<1x4x1024xf32, #tpu.memory_space<hbm>>
      %dma_start3A_511 = tpu.memref_squeeze %dma_start3A_510 : memref<1x4x1024xf32, #tpu.memory_space<hbm>> -> memref<4x1024xf32, #tpu.memory_space<hbm>>
      %dma_start3A_512 = arith.constant 0 : i32
      %dma_start3A_513 = tpu.memref_slice %arg3[%dma_start3A_504, %add3A_484, %dma_start3A_512] : memref<4x4096x1024xf32, #tpu.memory_space<hbm>> -> memref<1x4x1024xf32, #tpu.memory_space<hbm>>
      %dma_start3A_514 = tpu.memref_squeeze %dma_start3A_513 : memref<1x4x1024xf32, #tpu.memory_space<hbm>> -> memref<4x1024xf32, #tpu.memory_space<hbm>>
      %dma_start3A_515 = arith.constant 0 : i32
      %dma_start3A_516 = arith.constant 0 : i32
      %dma_start3A_517 = tpu.memref_slice %arg7[%dma_start3A_502, %dma_start3A_503, %dma_start3A_515, %dma_start3A_516] : memref<2x4x4x1024xf32, #tpu.memory_space<vmem>> -> memref<1x1x4x1024xf32, #tpu.memory_space<vmem>>
      %dma_start3A_518 = tpu.memref_squeeze %dma_start3A_517 : memref<1x1x4x1024xf32, #tpu.memory_space<vmem>> -> memref<4x1024xf32, #tpu.memory_space<vmem>>
      tpu.enqueue_dma source(%dma_start3A_518 : memref<4x1024xf32, #tpu.memory_space<vmem>>) target(%dma_start3A_514 : memref<4x1024xf32, #tpu.memory_space<hbm>>) target_semaphore(%arg9 : memref<!tpu.dma_semaphore, #tpu.memory_space<semaphore_mem>>)
      %dma_start3A_519 = arith.constant 1 : i32
      %dma_start3A_520 = arith.constant 2 : i32
      %dma_start3A_521 = arith.constant 2 : i32
      %dma_start3A_522 = arith.constant 0 : i32
      %dma_start3A_523 = arith.constant 0 : i32
      %dma_start3A_524 = tpu.memref_slice %arg7[%dma_start3A_519, %dma_start3A_520, %dma_start3A_522, %dma_start3A_523] : memref<2x4x4x1024xf32, #tpu.memory_space<vmem>> -> memref<1x1x4x1024xf32, #tpu.memory_space<vmem>>
      %dma_start3A_525 = tpu.memref_squeeze %dma_start3A_524 : memref<1x1x4x1024xf32, #tpu.memory_space<vmem>> -> memref<4x1024xf32, #tpu.memory_space<vmem>>
      %dma_start3A_526 = arith.constant 0 : i32
      %dma_start3A_527 = tpu.memref_slice %arg3[%dma_start3A_521, %add3A_484, %dma_start3A_526] : memref<4x4096x1024xf32, #tpu.memory_space<hbm>> -> memref<1x4x1024xf32, #tpu.memory_space<hbm>>
      %dma_start3A_528 = tpu.memref_squeeze %dma_start3A_527 : memref<1x4x1024xf32, #tpu.memory_space<hbm>> -> memref<4x1024xf32, #tpu.memory_space<hbm>>
      %dma_start3A_529 = arith.constant 0 : i32
      %dma_start3A_530 = tpu.memref_slice %arg3[%dma_start3A_521, %add3A_484, %dma_start3A_529] : memref<4x4096x1024xf32, #tpu.memory_space<hbm>> -> memref<1x4x1024xf32, #tpu.memory_space<hbm>>
      %dma_start3A_531 = tpu.memref_squeeze %dma_start3A_530 : memref<1x4x1024xf32, #tpu.memory_space<hbm>> -> memref<4x1024xf32, #tpu.memory_space<hbm>>
      %dma_start3A_532 = arith.constant 0 : i32
      %dma_start3A_533 = arith.constant 0 : i32
      %dma_start3A_534 = tpu.memref_slice %arg7[%dma_start3A_519, %dma_start3A_520, %dma_start3A_532, %dma_start3A_533] : memref<2x4x4x1024xf32, #tpu.memory_space<vmem>> -> memref<1x1x4x1024xf32, #tpu.memory_space<vmem>>
      %dma_start3A_535 = tpu.memref_squeeze %dma_start3A_534 : memref<1x1x4x1024xf32, #tpu.memory_space<vmem>> -> memref<4x1024xf32, #tpu.memory_space<vmem>>
      tpu.enqueue_dma source(%dma_start3A_535 : memref<4x1024xf32, #tpu.memory_space<vmem>>) target(%dma_start3A_531 : memref<4x1024xf32, #tpu.memory_space<hbm>>) target_semaphore(%arg9 : memref<!tpu.dma_semaphore, #tpu.memory_space<semaphore_mem>>)
      %dma_start3A_536 = arith.constant 1 : i32
      %dma_start3A_537 = arith.constant 3 : i32
      %dma_start3A_538 = arith.constant 3 : i32
      %dma_start3A_539 = arith.constant 0 : i32
      %dma_start3A_540 = arith.constant 0 : i32
      %dma_start3A_541 = tpu.memref_slice %arg7[%dma_start3A_536, %dma_start3A_537, %dma_start3A_539, %dma_start3A_540] : memref<2x4x4x1024xf32, #tpu.memory_space<vmem>> -> memref<1x1x4x1024xf32, #tpu.memory_space<vmem>>
      %dma_start3A_542 = tpu.memref_squeeze %dma_start3A_541 : memref<1x1x4x1024xf32, #tpu.memory_space<vmem>> -> memref<4x1024xf32, #tpu.memory_space<vmem>>
      %dma_start3A_543 = arith.constant 0 : i32
      %dma_start3A_544 = tpu.memref_slice %arg3[%dma_start3A_538, %add3A_484, %dma_start3A_543] : memref<4x4096x1024xf32, #tpu.memory_space<hbm>> -> memref<1x4x1024xf32, #tpu.memory_space<hbm>>
      %dma_start3A_545 = tpu.memref_squeeze %dma_start3A_544 : memref<1x4x1024xf32, #tpu.memory_space<hbm>> -> memref<4x1024xf32, #tpu.memory_space<hbm>>
      %dma_start3A_546 = arith.constant 0 : i32
      %dma_start3A_547 = tpu.memref_slice %arg3[%dma_start3A_538, %add3A_484, %dma_start3A_546] : memref<4x4096x1024xf32, #tpu.memory_space<hbm>> -> memref<1x4x1024xf32, #tpu.memory_space<hbm>>
      %dma_start3A_548 = tpu.memref_squeeze %dma_start3A_547 : memref<1x4x1024xf32, #tpu.memory_space<hbm>> -> memref<4x1024xf32, #tpu.memory_space<hbm>>
      %dma_start3A_549 = arith.constant 0 : i32
      %dma_start3A_550 = arith.constant 0 : i32
      %dma_start3A_551 = tpu.memref_slice %arg7[%dma_start3A_536, %dma_start3A_537, %dma_start3A_549, %dma_start3A_550] : memref<2x4x4x1024xf32, #tpu.memory_space<vmem>> -> memref<1x1x4x1024xf32, #tpu.memory_space<vmem>>
      %dma_start3A_552 = tpu.memref_squeeze %dma_start3A_551 : memref<1x1x4x1024xf32, #tpu.memory_space<vmem>> -> memref<4x1024xf32, #tpu.memory_space<vmem>>
      tpu.enqueue_dma source(%dma_start3A_552 : memref<4x1024xf32, #tpu.memory_space<vmem>>) target(%dma_start3A_548 : memref<4x1024xf32, #tpu.memory_space<hbm>>) target_semaphore(%arg9 : memref<!tpu.dma_semaphore, #tpu.memory_space<semaphore_mem>>)
    }
    %scan3A_82 = arith.constant 16 : i32
    %add3A_83 = arith.constant 120 : i32
    %add3A_84 = arith.addi %mul3A_7, %add3A_83 : i32
    %dma_wait3A = arith.constant 0 : i32
    %dma_wait3A_85 = arith.constant 0 : i32
    %dma_wait3A_86 = arith.constant 0 : i32
    %dma_wait3A_87 = arith.constant 0 : i32
    %dma_wait3A_88 = arith.constant 0 : i32
    %dma_wait3A_89 = tpu.memref_slice %arg7[%dma_wait3A, %dma_wait3A_85, %dma_wait3A_87, %dma_wait3A_88] : memref<2x4x4x1024xf32, #tpu.memory_space<vmem>> -> memref<1x1x4x1024xf32, #tpu.memory_space<vmem>>
    %dma_wait3A_90 = tpu.memref_squeeze %dma_wait3A_89 : memref<1x1x4x1024xf32, #tpu.memory_space<vmem>> -> memref<4x1024xf32, #tpu.memory_space<vmem>>
    %dma_wait3A_91 = arith.constant 0 : i32
    %dma_wait3A_92 = tpu.memref_slice %arg3[%dma_wait3A_86, %add3A_84, %dma_wait3A_91] : memref<4x4096x1024xf32, #tpu.memory_space<hbm>> -> memref<1x4x1024xf32, #tpu.memory_space<hbm>>
    %dma_wait3A_93 = tpu.memref_squeeze %dma_wait3A_92 : memref<1x4x1024xf32, #tpu.memory_space<hbm>> -> memref<4x1024xf32, #tpu.memory_space<hbm>>
    %dma_wait3A_94 = arith.constant 0 : i32
    %dma_wait3A_95 = tpu.memref_slice %arg3[%dma_wait3A_86, %add3A_84, %dma_wait3A_94] : memref<4x4096x1024xf32, #tpu.memory_space<hbm>> -> memref<1x4x1024xf32, #tpu.memory_space<hbm>>
    %dma_wait3A_96 = tpu.memref_squeeze %dma_wait3A_95 : memref<1x4x1024xf32, #tpu.memory_space<hbm>> -> memref<4x1024xf32, #tpu.memory_space<hbm>>
    %dma_wait3A_97 = arith.constant 0 : i32
    %dma_wait3A_98 = arith.constant 0 : i32
    %dma_wait3A_99 = tpu.memref_slice %arg7[%dma_wait3A, %dma_wait3A_85, %dma_wait3A_97, %dma_wait3A_98] : memref<2x4x4x1024xf32, #tpu.memory_space<vmem>> -> memref<1x1x4x1024xf32, #tpu.memory_space<vmem>>
    %dma_wait3A_100 = tpu.memref_squeeze %dma_wait3A_99 : memref<1x1x4x1024xf32, #tpu.memory_space<vmem>> -> memref<4x1024xf32, #tpu.memory_space<vmem>>
    tpu.wait_dma2 semaphore(%arg9 : memref<!tpu.dma_semaphore, #tpu.memory_space<semaphore_mem>>) src(%dma_wait3A_100 : memref<4x1024xf32, #tpu.memory_space<vmem>>) dst(%dma_wait3A_96 : memref<4x1024xf32, #tpu.memory_space<hbm>>)
    %dma_wait3A_101 = arith.constant 0 : i32
    %dma_wait3A_102 = arith.constant 1 : i32
    %dma_wait3A_103 = arith.constant 1 : i32
    %dma_wait3A_104 = arith.constant 0 : i32
    %dma_wait3A_105 = arith.constant 0 : i32
    %dma_wait3A_106 = tpu.memref_slice %arg7[%dma_wait3A_101, %dma_wait3A_102, %dma_wait3A_104, %dma_wait3A_105] : memref<2x4x4x1024xf32, #tpu.memory_space<vmem>> -> memref<1x1x4x1024xf32, #tpu.memory_space<vmem>>
    %dma_wait3A_107 = tpu.memref_squeeze %dma_wait3A_106 : memref<1x1x4x1024xf32, #tpu.memory_space<vmem>> -> memref<4x1024xf32, #tpu.memory_space<vmem>>
    %dma_wait3A_108 = arith.constant 0 : i32
    %dma_wait3A_109 = tpu.memref_slice %arg3[%dma_wait3A_103, %add3A_84, %dma_wait3A_108] : memref<4x4096x1024xf32, #tpu.memory_space<hbm>> -> memref<1x4x1024xf32, #tpu.memory_space<hbm>>
    %dma_wait3A_110 = tpu.memref_squeeze %dma_wait3A_109 : memref<1x4x1024xf32, #tpu.memory_space<hbm>> -> memref<4x1024xf32, #tpu.memory_space<hbm>>
    %dma_wait3A_111 = arith.constant 0 : i32
    %dma_wait3A_112 = tpu.memref_slice %arg3[%dma_wait3A_103, %add3A_84, %dma_wait3A_111] : memref<4x4096x1024xf32, #tpu.memory_space<hbm>> -> memref<1x4x1024xf32, #tpu.memory_space<hbm>>
    %dma_wait3A_113 = tpu.memref_squeeze %dma_wait3A_112 : memref<1x4x1024xf32, #tpu.memory_space<hbm>> -> memref<4x1024xf32, #tpu.memory_space<hbm>>
    %dma_wait3A_114 = arith.constant 0 : i32
    %dma_wait3A_115 = arith.constant 0 : i32
    %dma_wait3A_116 = tpu.memref_slice %arg7[%dma_wait3A_101, %dma_wait3A_102, %dma_wait3A_114, %dma_wait3A_115] : memref<2x4x4x1024xf32, #tpu.memory_space<vmem>> -> memref<1x1x4x1024xf32, #tpu.memory_space<vmem>>
    %dma_wait3A_117 = tpu.memref_squeeze %dma_wait3A_116 : memref<1x1x4x1024xf32, #tpu.memory_space<vmem>> -> memref<4x1024xf32, #tpu.memory_space<vmem>>
    tpu.wait_dma2 semaphore(%arg9 : memref<!tpu.dma_semaphore, #tpu.memory_space<semaphore_mem>>) src(%dma_wait3A_117 : memref<4x1024xf32, #tpu.memory_space<vmem>>) dst(%dma_wait3A_113 : memref<4x1024xf32, #tpu.memory_space<hbm>>)
    %dma_wait3A_118 = arith.constant 0 : i32
    %dma_wait3A_119 = arith.constant 2 : i32
    %dma_wait3A_120 = arith.constant 2 : i32
    %dma_wait3A_121 = arith.constant 0 : i32
    %dma_wait3A_122 = arith.constant 0 : i32
    %dma_wait3A_123 = tpu.memref_slice %arg7[%dma_wait3A_118, %dma_wait3A_119, %dma_wait3A_121, %dma_wait3A_122] : memref<2x4x4x1024xf32, #tpu.memory_space<vmem>> -> memref<1x1x4x1024xf32, #tpu.memory_space<vmem>>
    %dma_wait3A_124 = tpu.memref_squeeze %dma_wait3A_123 : memref<1x1x4x1024xf32, #tpu.memory_space<vmem>> -> memref<4x1024xf32, #tpu.memory_space<vmem>>
    %dma_wait3A_125 = arith.constant 0 : i32
    %dma_wait3A_126 = tpu.memref_slice %arg3[%dma_wait3A_120, %add3A_84, %dma_wait3A_125] : memref<4x4096x1024xf32, #tpu.memory_space<hbm>> -> memref<1x4x1024xf32, #tpu.memory_space<hbm>>
    %dma_wait3A_127 = tpu.memref_squeeze %dma_wait3A_126 : memref<1x4x1024xf32, #tpu.memory_space<hbm>> -> memref<4x1024xf32, #tpu.memory_space<hbm>>
    %dma_wait3A_128 = arith.constant 0 : i32
    %dma_wait3A_129 = tpu.memref_slice %arg3[%dma_wait3A_120, %add3A_84, %dma_wait3A_128] : memref<4x4096x1024xf32, #tpu.memory_space<hbm>> -> memref<1x4x1024xf32, #tpu.memory_space<hbm>>
    %dma_wait3A_130 = tpu.memref_squeeze %dma_wait3A_129 : memref<1x4x1024xf32, #tpu.memory_space<hbm>> -> memref<4x1024xf32, #tpu.memory_space<hbm>>
    %dma_wait3A_131 = arith.constant 0 : i32
    %dma_wait3A_132 = arith.constant 0 : i32
    %dma_wait3A_133 = tpu.memref_slice %arg7[%dma_wait3A_118, %dma_wait3A_119, %dma_wait3A_131, %dma_wait3A_132] : memref<2x4x4x1024xf32, #tpu.memory_space<vmem>> -> memref<1x1x4x1024xf32, #tpu.memory_space<vmem>>
    %dma_wait3A_134 = tpu.memref_squeeze %dma_wait3A_133 : memref<1x1x4x1024xf32, #tpu.memory_space<vmem>> -> memref<4x1024xf32, #tpu.memory_space<vmem>>
    tpu.wait_dma2 semaphore(%arg9 : memref<!tpu.dma_semaphore, #tpu.memory_space<semaphore_mem>>) src(%dma_wait3A_134 : memref<4x1024xf32, #tpu.memory_space<vmem>>) dst(%dma_wait3A_130 : memref<4x1024xf32, #tpu.memory_space<hbm>>)
    %dma_wait3A_135 = arith.constant 0 : i32
    %dma_wait3A_136 = arith.constant 3 : i32
    %dma_wait3A_137 = arith.constant 3 : i32
    %dma_wait3A_138 = arith.constant 0 : i32
    %dma_wait3A_139 = arith.constant 0 : i32
    %dma_wait3A_140 = tpu.memref_slice %arg7[%dma_wait3A_135, %dma_wait3A_136, %dma_wait3A_138, %dma_wait3A_139] : memref<2x4x4x1024xf32, #tpu.memory_space<vmem>> -> memref<1x1x4x1024xf32, #tpu.memory_space<vmem>>
    %dma_wait3A_141 = tpu.memref_squeeze %dma_wait3A_140 : memref<1x1x4x1024xf32, #tpu.memory_space<vmem>> -> memref<4x1024xf32, #tpu.memory_space<vmem>>
    %dma_wait3A_142 = arith.constant 0 : i32
    %dma_wait3A_143 = tpu.memref_slice %arg3[%dma_wait3A_137, %add3A_84, %dma_wait3A_142] : memref<4x4096x1024xf32, #tpu.memory_space<hbm>> -> memref<1x4x1024xf32, #tpu.memory_space<hbm>>
    %dma_wait3A_144 = tpu.memref_squeeze %dma_wait3A_143 : memref<1x4x1024xf32, #tpu.memory_space<hbm>> -> memref<4x1024xf32, #tpu.memory_space<hbm>>
    %dma_wait3A_145 = arith.constant 0 : i32
    %dma_wait3A_146 = tpu.memref_slice %arg3[%dma_wait3A_137, %add3A_84, %dma_wait3A_145] : memref<4x4096x1024xf32, #tpu.memory_space<hbm>> -> memref<1x4x1024xf32, #tpu.memory_space<hbm>>
    %dma_wait3A_147 = tpu.memref_squeeze %dma_wait3A_146 : memref<1x4x1024xf32, #tpu.memory_space<hbm>> -> memref<4x1024xf32, #tpu.memory_space<hbm>>
    %dma_wait3A_148 = arith.constant 0 : i32
    %dma_wait3A_149 = arith.constant 0 : i32
    %dma_wait3A_150 = tpu.memref_slice %arg7[%dma_wait3A_135, %dma_wait3A_136, %dma_wait3A_148, %dma_wait3A_149] : memref<2x4x4x1024xf32, #tpu.memory_space<vmem>> -> memref<1x1x4x1024xf32, #tpu.memory_space<vmem>>
    %dma_wait3A_151 = tpu.memref_squeeze %dma_wait3A_150 : memref<1x1x4x1024xf32, #tpu.memory_space<vmem>> -> memref<4x1024xf32, #tpu.memory_space<vmem>>
    tpu.wait_dma2 semaphore(%arg9 : memref<!tpu.dma_semaphore, #tpu.memory_space<semaphore_mem>>) src(%dma_wait3A_151 : memref<4x1024xf32, #tpu.memory_space<vmem>>) dst(%dma_wait3A_147 : memref<4x1024xf32, #tpu.memory_space<hbm>>)
    %add3A_152 = arith.constant 124 : i32
    %add3A_153 = arith.addi %mul3A_7, %add3A_152 : i32
    %dma_wait3A_154 = arith.constant 1 : i32
    %dma_wait3A_155 = arith.constant 0 : i32
    %dma_wait3A_156 = arith.constant 0 : i32
    %dma_wait3A_157 = arith.constant 0 : i32
    %dma_wait3A_158 = arith.constant 0 : i32
    %dma_wait3A_159 = tpu.memref_slice %arg7[%dma_wait3A_154, %dma_wait3A_155, %dma_wait3A_157, %dma_wait3A_158] : memref<2x4x4x1024xf32, #tpu.memory_space<vmem>> -> memref<1x1x4x1024xf32, #tpu.memory_space<vmem>>
    %dma_wait3A_160 = tpu.memref_squeeze %dma_wait3A_159 : memref<1x1x4x1024xf32, #tpu.memory_space<vmem>> -> memref<4x1024xf32, #tpu.memory_space<vmem>>
    %dma_wait3A_161 = arith.constant 0 : i32
    %dma_wait3A_162 = tpu.memref_slice %arg3[%dma_wait3A_156, %add3A_153, %dma_wait3A_161] : memref<4x4096x1024xf32, #tpu.memory_space<hbm>> -> memref<1x4x1024xf32, #tpu.memory_space<hbm>>
    %dma_wait3A_163 = tpu.memref_squeeze %dma_wait3A_162 : memref<1x4x1024xf32, #tpu.memory_space<hbm>> -> memref<4x1024xf32, #tpu.memory_space<hbm>>
    %dma_wait3A_164 = arith.constant 0 : i32
    %dma_wait3A_165 = tpu.memref_slice %arg3[%dma_wait3A_156, %add3A_153, %dma_wait3A_164] : memref<4x4096x1024xf32, #tpu.memory_space<hbm>> -> memref<1x4x1024xf32, #tpu.memory_space<hbm>>
    %dma_wait3A_166 = tpu.memref_squeeze %dma_wait3A_165 : memref<1x4x1024xf32, #tpu.memory_space<hbm>> -> memref<4x1024xf32, #tpu.memory_space<hbm>>
    %dma_wait3A_167 = arith.constant 0 : i32
    %dma_wait3A_168 = arith.constant 0 : i32
    %dma_wait3A_169 = tpu.memref_slice %arg7[%dma_wait3A_154, %dma_wait3A_155, %dma_wait3A_167, %dma_wait3A_168] : memref<2x4x4x1024xf32, #tpu.memory_space<vmem>> -> memref<1x1x4x1024xf32, #tpu.memory_space<vmem>>
    %dma_wait3A_170 = tpu.memref_squeeze %dma_wait3A_169 : memref<1x1x4x1024xf32, #tpu.memory_space<vmem>> -> memref<4x1024xf32, #tpu.memory_space<vmem>>
    tpu.wait_dma2 semaphore(%arg9 : memref<!tpu.dma_semaphore, #tpu.memory_space<semaphore_mem>>) src(%dma_wait3A_170 : memref<4x1024xf32, #tpu.memory_space<vmem>>) dst(%dma_wait3A_166 : memref<4x1024xf32, #tpu.memory_space<hbm>>)
    %dma_wait3A_171 = arith.constant 1 : i32
    %dma_wait3A_172 = arith.constant 1 : i32
    %dma_wait3A_173 = arith.constant 1 : i32
    %dma_wait3A_174 = arith.constant 0 : i32
    %dma_wait3A_175 = arith.constant 0 : i32
    %dma_wait3A_176 = tpu.memref_slice %arg7[%dma_wait3A_171, %dma_wait3A_172, %dma_wait3A_174, %dma_wait3A_175] : memref<2x4x4x1024xf32, #tpu.memory_space<vmem>> -> memref<1x1x4x1024xf32, #tpu.memory_space<vmem>>
    %dma_wait3A_177 = tpu.memref_squeeze %dma_wait3A_176 : memref<1x1x4x1024xf32, #tpu.memory_space<vmem>> -> memref<4x1024xf32, #tpu.memory_space<vmem>>
    %dma_wait3A_178 = arith.constant 0 : i32
    %dma_wait3A_179 = tpu.memref_slice %arg3[%dma_wait3A_173, %add3A_153, %dma_wait3A_178] : memref<4x4096x1024xf32, #tpu.memory_space<hbm>> -> memref<1x4x1024xf32, #tpu.memory_space<hbm>>
    %dma_wait3A_180 = tpu.memref_squeeze %dma_wait3A_179 : memref<1x4x1024xf32, #tpu.memory_space<hbm>> -> memref<4x1024xf32, #tpu.memory_space<hbm>>
    %dma_wait3A_181 = arith.constant 0 : i32
    %dma_wait3A_182 = tpu.memref_slice %arg3[%dma_wait3A_173, %add3A_153, %dma_wait3A_181] : memref<4x4096x1024xf32, #tpu.memory_space<hbm>> -> memref<1x4x1024xf32, #tpu.memory_space<hbm>>
    %dma_wait3A_183 = tpu.memref_squeeze %dma_wait3A_182 : memref<1x4x1024xf32, #tpu.memory_space<hbm>> -> memref<4x1024xf32, #tpu.memory_space<hbm>>
    %dma_wait3A_184 = arith.constant 0 : i32
    %dma_wait3A_185 = arith.constant 0 : i32
    %dma_wait3A_186 = tpu.memref_slice %arg7[%dma_wait3A_171, %dma_wait3A_172, %dma_wait3A_184, %dma_wait3A_185] : memref<2x4x4x1024xf32, #tpu.memory_space<vmem>> -> memref<1x1x4x1024xf32, #tpu.memory_space<vmem>>
    %dma_wait3A_187 = tpu.memref_squeeze %dma_wait3A_186 : memref<1x1x4x1024xf32, #tpu.memory_space<vmem>> -> memref<4x1024xf32, #tpu.memory_space<vmem>>
    tpu.wait_dma2 semaphore(%arg9 : memref<!tpu.dma_semaphore, #tpu.memory_space<semaphore_mem>>) src(%dma_wait3A_187 : memref<4x1024xf32, #tpu.memory_space<vmem>>) dst(%dma_wait3A_183 : memref<4x1024xf32, #tpu.memory_space<hbm>>)
    %dma_wait3A_188 = arith.constant 1 : i32
    %dma_wait3A_189 = arith.constant 2 : i32
    %dma_wait3A_190 = arith.constant 2 : i32
    %dma_wait3A_191 = arith.constant 0 : i32
    %dma_wait3A_192 = arith.constant 0 : i32
    %dma_wait3A_193 = tpu.memref_slice %arg7[%dma_wait3A_188, %dma_wait3A_189, %dma_wait3A_191, %dma_wait3A_192] : memref<2x4x4x1024xf32, #tpu.memory_space<vmem>> -> memref<1x1x4x1024xf32, #tpu.memory_space<vmem>>
    %dma_wait3A_194 = tpu.memref_squeeze %dma_wait3A_193 : memref<1x1x4x1024xf32, #tpu.memory_space<vmem>> -> memref<4x1024xf32, #tpu.memory_space<vmem>>
    %dma_wait3A_195 = arith.constant 0 : i32
    %dma_wait3A_196 = tpu.memref_slice %arg3[%dma_wait3A_190, %add3A_153, %dma_wait3A_195] : memref<4x4096x1024xf32, #tpu.memory_space<hbm>> -> memref<1x4x1024xf32, #tpu.memory_space<hbm>>
    %dma_wait3A_197 = tpu.memref_squeeze %dma_wait3A_196 : memref<1x4x1024xf32, #tpu.memory_space<hbm>> -> memref<4x1024xf32, #tpu.memory_space<hbm>>
    %dma_wait3A_198 = arith.constant 0 : i32
    %dma_wait3A_199 = tpu.memref_slice %arg3[%dma_wait3A_190, %add3A_153, %dma_wait3A_198] : memref<4x4096x1024xf32, #tpu.memory_space<hbm>> -> memref<1x4x1024xf32, #tpu.memory_space<hbm>>
    %dma_wait3A_200 = tpu.memref_squeeze %dma_wait3A_199 : memref<1x4x1024xf32, #tpu.memory_space<hbm>> -> memref<4x1024xf32, #tpu.memory_space<hbm>>
    %dma_wait3A_201 = arith.constant 0 : i32
    %dma_wait3A_202 = arith.constant 0 : i32
    %dma_wait3A_203 = tpu.memref_slice %arg7[%dma_wait3A_188, %dma_wait3A_189, %dma_wait3A_201, %dma_wait3A_202] : memref<2x4x4x1024xf32, #tpu.memory_space<vmem>> -> memref<1x1x4x1024xf32, #tpu.memory_space<vmem>>
    %dma_wait3A_204 = tpu.memref_squeeze %dma_wait3A_203 : memref<1x1x4x1024xf32, #tpu.memory_space<vmem>> -> memref<4x1024xf32, #tpu.memory_space<vmem>>
    tpu.wait_dma2 semaphore(%arg9 : memref<!tpu.dma_semaphore, #tpu.memory_space<semaphore_mem>>) src(%dma_wait3A_204 : memref<4x1024xf32, #tpu.memory_space<vmem>>) dst(%dma_wait3A_200 : memref<4x1024xf32, #tpu.memory_space<hbm>>)
    %dma_wait3A_205 = arith.constant 1 : i32
    %dma_wait3A_206 = arith.constant 3 : i32
    %dma_wait3A_207 = arith.constant 3 : i32
    %dma_wait3A_208 = arith.constant 0 : i32
    %dma_wait3A_209 = arith.constant 0 : i32
    %dma_wait3A_210 = tpu.memref_slice %arg7[%dma_wait3A_205, %dma_wait3A_206, %dma_wait3A_208, %dma_wait3A_209] : memref<2x4x4x1024xf32, #tpu.memory_space<vmem>> -> memref<1x1x4x1024xf32, #tpu.memory_space<vmem>>
    %dma_wait3A_211 = tpu.memref_squeeze %dma_wait3A_210 : memref<1x1x4x1024xf32, #tpu.memory_space<vmem>> -> memref<4x1024xf32, #tpu.memory_space<vmem>>
    %dma_wait3A_212 = arith.constant 0 : i32
    %dma_wait3A_213 = tpu.memref_slice %arg3[%dma_wait3A_207, %add3A_153, %dma_wait3A_212] : memref<4x4096x1024xf32, #tpu.memory_space<hbm>> -> memref<1x4x1024xf32, #tpu.memory_space<hbm>>
    %dma_wait3A_214 = tpu.memref_squeeze %dma_wait3A_213 : memref<1x4x1024xf32, #tpu.memory_space<hbm>> -> memref<4x1024xf32, #tpu.memory_space<hbm>>
    %dma_wait3A_215 = arith.constant 0 : i32
    %dma_wait3A_216 = tpu.memref_slice %arg3[%dma_wait3A_207, %add3A_153, %dma_wait3A_215] : memref<4x4096x1024xf32, #tpu.memory_space<hbm>> -> memref<1x4x1024xf32, #tpu.memory_space<hbm>>
    %dma_wait3A_217 = tpu.memref_squeeze %dma_wait3A_216 : memref<1x4x1024xf32, #tpu.memory_space<hbm>> -> memref<4x1024xf32, #tpu.memory_space<hbm>>
    %dma_wait3A_218 = arith.constant 0 : i32
    %dma_wait3A_219 = arith.constant 0 : i32
    %dma_wait3A_220 = tpu.memref_slice %arg7[%dma_wait3A_205, %dma_wait3A_206, %dma_wait3A_218, %dma_wait3A_219] : memref<2x4x4x1024xf32, #tpu.memory_space<vmem>> -> memref<1x1x4x1024xf32, #tpu.memory_space<vmem>>
    %dma_wait3A_221 = tpu.memref_squeeze %dma_wait3A_220 : memref<1x1x4x1024xf32, #tpu.memory_space<vmem>> -> memref<4x1024xf32, #tpu.memory_space<vmem>>
    tpu.wait_dma2 semaphore(%arg9 : memref<!tpu.dma_semaphore, #tpu.memory_space<semaphore_mem>>) src(%dma_wait3A_221 : memref<4x1024xf32, #tpu.memory_space<vmem>>) dst(%dma_wait3A_217 : memref<4x1024xf32, #tpu.memory_space<hbm>>)
    return
  }
}

</mosaic_0001>

<sc_bundles>
// kernel: kernel.3.cloned.1.call-start
scs
__scs_entry_jumppad:
0x0: {  	(pc) =	sbr.rel $0x88, $3  }
0x1: {  	(tag) =	ssettag $0x0;
	lr =	simm.s32 $0x1  }
0x2: {  	[smem:$0x3FA0] =	sst lr;
	_ =	strace $0xD0000000  }
0x3: {  	_ = 	snop  }
0x4: {  	_ = 	snop  }
0x5: {  	_ = 	snop  }
0x6: {  	_ = 	snop  }
0x7: {  	_ = 	snop  }
__scs_overlays_trampoline_lowered:
0x8: {  	[smem:$0x3FAF] =	sst s0  }
0x9: {  	[smem:$0x3FB0] =	sst s1  }
0xa: {  	[smem:$0x3FB1] =	sst s2  }
0xb: {  	[smem:$0x3FB2] =	sst s3  }
0xc: {  	[smem:$0x3FB3] =	sst s4  }
0xd: {  	[smem:$0x3FB4] =	sst s5  }
0xe: {  	[smem:$0x3FB5] =	sst s6  }
0xf: {  	[smem:$0x3FB6] =	sst s7  }
0x10: {  	[smem:$0x3FB7] =	sst s8  }
0x11: {  	[smem:$0x3FB8] =	sst s9;
	s0 =	simm.s32 @!p0 $0x0  }
0x12: {  	s1 =	sld [smem:$0x3F9E];
	s0 =	simm.s32 @p0 $0x1  }
0x13: {  	[smem:$0x3FB9] =	sst s0;
	s0 =	simm.s32 @!p1 $0x0  }
0x14: {  	s2 =	sld [smem:$0x3F9D];
	s0 =	simm.s32 @p1 $0x1  }
0x15: {  	[smem:$0x3FBA] =	sst s0;
	s0 =	simm.s32 @!p2 $0x0  }
0x16: {  	s3 =	sld [smem:$0x3FDB];
	s0 =	simm.s32 @p2 $0x1  }
0x17: {  	s4 =	simm.s32 $0x1BF5;
	[smem:$0x3FBC] =	sst s0  }
0x18: {  	s0 =	sld [smem:$0x3F9F];
	_ =	swait.ge [sflag:s4], $0x0  }
0x19: {  	s7 =	sld [smem:$0x3FA0]  }
0x1a: {  	s8 =	sadd.s32 $0xFFFFE003, lr  }
0x1b: {  	s9 =	sadd.s32 $0xFFFFFEF7, lr;
	s5 =	simm.s32 $0xFFFFFFFF;
	p2 =	slt.u32 s8, $0xFFFFF086  }
0x1c: {  	p1 =	slt.u32 s9, $0xF7A;
	s5 =	simm.s32 @!p2 $0x0  }
0x1d: {  	s5 =	simm.s32 @p1 $0x1;
	p0 =	seq.s32 s7, s2  }
0x1e: {  	s7 =	smul.u32 @!p0 $0xF7A, s2;
	p2 =	seq.s32 @!p0 s5, $0x0  }
0x1f: {  	s9 =	smul.u32 $0xF7A, s1;
	s8 =	simm.s32 @!p0 $0x1BF5;
	p2 =	por !p2, p0  }
0x20: {  	[sflag:s8] =	ssyncset.s32 @!p0 $0xFFFFF086;
	s6 =	sadd.s32 @!p0 s3, s7;
	s7 =	simm.s32 @!p0 $0x108  }
0x21: {  	s3 =	sadd.s32 s3, s9;
	s6 =	sadd.s32 @!p0 $0x88, s6;
	s7 =	simm.s32 @p2 $0x1082  }
0x22: {  	[simem:s7], [sflag:s8] =	dma.local @!p0 [hbm:s6], $0xF7A  }
0x23: {  	s9 =	sor.u32 $0xD0000000, s2;
	s6 =	simm.s32 $0x108;
	_ =	swait.ge @!p0 [sflag:s8], $0x0  }
0x24: {  	s3 =	sadd.s32 $0x88, s3;
	s6 =	simm.s32 @!p1 $0x1082;
	[sflag:s4] =	ssyncset.s32 $0xFFFFF086  }
0x25: {  	[simem:s6], [sflag:s4] =	dma.local [hbm:s3], $0xF7A  }
0x26: {  	[smem:$0x3FA0] =	sst s1;
	(tag) =	ssettag s2;
	_ =	strace s9  }
0x27: {  	s1 =	sld [smem:$0x3FB0]  }
0x28: {  	s2 =	sld [smem:$0x3FB1]  }
0x29: {  	s4 =	sld [smem:$0x3FB3]  }
0x2a: {  	p0 =	seq.s32 s5, $0x0;
	s5 =	sld [smem:$0x3FB4]  }
0x2b: {  	s6 =	sld [smem:$0x3FB5]  }
0x2c: {  	s7 =	sld [smem:$0x3FB6]  }
0x2d: {  	s3 =	simm.s32 $0x108;
	s8 =	sld [smem:$0x3FB7]  }
0x2e: {  	s3 =	simm.s32 @!p0 $0x1082;
	s9 =	sld [smem:$0x3FB8]  }
0x2f: {  	lr =	sadd.s32 s0, s3;
	s0 =	sld [smem:$0x3FAF]  }
0x30: {  	s3 =	sld [smem:$0x3FB2]  }
0x31: {  	[smem:$0x3FBB] =	sst s10  }
0x32: {  	s10 =	sld [smem:$0x3FB9];
	_ =	sdelay $0x3  }
0x33: {  	p0 =	seq.s32 s10, $0x1;
	s10 =	sld [smem:$0x3FBB];
	_ =	sdelay $0x3  }
0x34: {  	[smem:$0x3FBB] =	sst s10  }
0x35: {  	s10 =	sld [smem:$0x3FBA];
	_ =	sdelay $0x3  }
0x36: {  	p1 =	seq.s32 s10, $0x1;
	s10 =	sld [smem:$0x3FBB];
	_ =	sdelay $0x3  }
0x37: {  	[smem:$0x3FBB] =	sst s10  }
0x38: {  	s10 =	sld [smem:$0x3FBC]  }
0x39: {  	_ = 	snop;
	(pc) =	sbr.ind lr, $3  }
0x3a: {  	_ = 	snop  }
0x3b: {  	_ = 	snop  }
0x3c: {  	p2 =	seq.s32 s10, $0x1;
	s10 =	sld [smem:$0x3FBB]  }
0x3d: {  	_ =	shalt  }
0x3e: {  	_ =	shalt  }
0x3f: {  	_ =	shalt  }
0x40: {  	_ =	shalt  }
0x41: {  	_ =	shalt  }
0x42: {  	_ =	shalt  }
0x43: {  	_ =	shalt  }
0x44: {  	_ =	shalt  }
0x45: {  	_ =	shalt  }
0x46: {  	_ =	shalt  }
0x47: {  	_ =	shalt  }
0x48: {  	_ =	shalt  }
0x49: {  	_ =	shalt  }
0x4a: {  	_ =	shalt  }
0x4b: {  	_ =	shalt  }
0x4c: {  	_ =	shalt  }
0x4d: {  	_ =	shalt  }
0x4e: {  	_ =	shalt  }
0x4f: {  	_ =	shalt  }
0x50: {  	_ =	shalt  }
0x51: {  	_ =	shalt  }
0x52: {  	_ =	shalt  }
0x53: {  	_ =	shalt  }
0x54: {  	_ =	shalt  }
0x55: {  	_ =	shalt  }
0x56: {  	_ =	shalt  }
0x57: {  	_ =	shalt  }
0x58: {  	_ =	shalt  }
0x59: {  	_ =	shalt  }
0x5a: {  	_ =	shalt  }
0x5b: {  	_ =	shalt  }
0x5c: {  	_ =	shalt  }
0x5d: {  	_ =	shalt  }
0x5e: {  	_ =	shalt  }
0x5f: {  	_ =	shalt  }
0x60: {  	_ =	shalt  }
0x61: {  	_ =	shalt  }
0x62: {  	_ =	shalt  }
0x63: {  	_ =	shalt  }
0x64: {  	_ =	shalt  }
0x65: {  	_ =	shalt  }
0x66: {  	_ =	shalt  }
0x67: {  	_ =	shalt  }
0x68: {  	_ =	shalt  }
0x69: {  	_ =	shalt  }
0x6a: {  	_ =	shalt  }
0x6b: {  	_ =	shalt  }
0x6c: {  	_ =	shalt  }
0x6d: {  	_ =	shalt  }
0x6e: {  	_ =	shalt  }
0x6f: {  	_ =	shalt  }
0x70: {  	_ =	shalt  }
0x71: {  	_ =	shalt  }
0x72: {  	_ =	shalt  }
0x73: {  	_ =	shalt  }
0x74: {  	_ =	shalt  }
0x75: {  	_ =	shalt  }
0x76: {  	_ =	shalt  }
0x77: {  	_ =	shalt  }
0x78: {  	_ =	shalt  }
0x79: {  	_ =	shalt  }
0x7a: {  	_ =	shalt  }
0x7b: {  	_ =	shalt  }
0x7c: {  	_ =	shalt  }
0x7d: {  	_ =	shalt  }
0x7e: {  	_ =	shalt  }
0x7f: {  	_ =	shalt  }
0x80: {  	_ =	shalt  }
0x81: {  	_ =	shalt  }
0x82: {  	_ =	shalt  }
0x83: {  	_ =	shalt  }
0x84: {  	_ =	shalt  }
0x85: {  	_ =	shalt  }
0x86: {  	_ =	shalt  }
0x87: {  	_ =	shalt  }
.Lfunc_end0:
.L_simem_size_0:
called_computation_lowered:
.L_overlay_start_0:
0x88: {  	s2 =	sld [smem:$0x3FD9]  }
0x89: {  	s3 =	sld [smem:$0x3FFE];
	_ =	sdelay $0x1  }
0x8a: {  	s1 =	srdreg.scid  }
0x8b: {  	s0 =	sand.u32 $0x1, s1  }
0x8c: {  	s18 =	sshll.u32 s0, $0xA;
	s2 =	sadd.s32 s3, s2  }
0x8d: {  	s2 =	sadd.s32 s2, s18  }
0x8e: {  	[smem:$0x3FC7] =	sst s2  }
0x8f: {  	_ = 	snop  }
0x90: {  	s2 =	sld [smem:$0x3FC9]  }
0x91: {  	s19 =	sld [smem:$0x3FD0];
	(tm) =	ssettm $0x1  }
0x92: {  	s4 =	sld [smem:$0x3FFB];
	_ =	sdelay $0x3  }
0x93: {  	_ =	strace s4  }
0x94: {  	s4 =	sld [smem:$0x3FFC];
	_ =	sdelay $0x3  }
0x95: {  	_ =	strace s4  }
0x96: {  	s4 =	sld [smem:$0x3FFD];
	_ =	sdelay $0x3  }
0x97: {  	_ =	strace s4  }
0x98: {  	_ =	strace $0x8FFFFFFF  }
0x99: {  	s20 =	sld [smem:$0x3FDB];
	_ =	sdelay $0x1  }
0x9a: {  	s5 =	simm.s32 $_scs_section_size  }
0x9b: {  	s6 =	simm.s32 $_size__tile_overlayer_lowered;
	s7 =	simm.s32 $_tile_overlayer_lowered  }
0x9c: {  	s23 =	simm.s32 $0x1BFF;
	s22 =	sshll.u32 s7, $0x1;
	s4 =	sadd.s32 s5, s20  }
0x9d: {  	s8 =	simm.s32 $0x0;
	s21 =	sshll.u32 s6, $0x1;
	s6 =	sadd.s32 s22, s4  }
0x9e: {  	[timem:s8], [sflag:s23] =	dma.local [hbm:s6], s21  }
0x9f: {  	_ =	swait.ge [sflag:s23], s21  }
0xa0: {  	s5 =	ssub.s32 $0x0, s21;
	[sflag:s23] =	ssyncset.done $0x0  }
0xa1: {  	[sflag:s23] =	ssyncadd.s32 s5;
	_ =	sdelay $0x1  }
0xa2: {  	s24 =	simm.s32 $0x1B8B  }
0xa3: {  	_ =	swait.ge [sflag:s24], $0x1  }
0xa4: {  	[sflag:s24] =	ssyncset.done $0x0  }
0xa5: {  	s25 =	simm.s32 $0x1B8E;
	[sflag:s24] =	ssyncadd.s32 $0xFFFFFFFF  }
0xa6: {  	s26 =	simm.s32 $execute0_lowered;
	[smem:$0x3FD2] =	sst s25  }
0xa7: {  	s5 =	sshll.u32 s26, $0x1;
	_ =	strace $0x80000046;
	[dreg:$0x1] =	wrdreg $0xFFFFFFFF  }
0xa8: {  	s28 =	simm.s32 $_size_execute0_lowered;
	s4 =	sadd.s32 s4, s5;
	[dreg:$0x0] =	wrdreg $0x0  }
0xa9: {  	s5 =	sshll.u32 s28, $0x1;
	[dreg:$0x2] =	wrdreg s4  }
0xaa: {  	[dreg:$0x3] =	wrdreg s5  }
0xab: {  	[dreg:$0x4] =	wrdreg $0xC0  }
0xac: {  	_ =	task [dreg:s8], $0x5FFFF  }
0xad: {  	[dreg:$0x1] =	wrdreg $0xFFFFFFFF  }
0xae: {  	[dreg:$0x0] =	wrdreg $0x60  }
0xaf: {  	[dreg:$0x2] =	wrdreg s2  }
0xb0: {  	[dreg:$0x3] =	wrdreg s19  }
0xb1: {  	[dreg:$0x4] =	wrdreg $0x9  }
0xb2: {  	_ =	task.clear_ibuf [dreg:s8], $0x5FFFF;
	_ =	strace $0x90000046  }
0xb3: {  	s29 =	simm.s32 $0x9;
	_ =	strace $0x80000048  }
0xb4: {  	_ =	swait.ge [sflag:s29], $0x1  }
0xb5: {  	[sflag:s29] =	ssyncadd.s32 $0xFFFFFFFF  }
0xb6: {  	_ =	strace $0x90000048  }
0xb7: {  	_ =	sfence  }
0xb8: {  	s30 =	sld [smem:$0x0];
	_ =	sdelay $0x2  }
0xb9: {  	s31 =	sshll.u32 s1, $0xD;
	s1 =	sshrl.u32 s1, $0x2  }
0xba: {  	s3 =	sand.u32 $0x4000, s31;
	s1 =	sadd.s32 s1, s30  }
0xbb: {  	s0 =	sor.u32 s3, s0;
	s1 =	sshll.u32 s1, $0x11  }
0xbc: {  	s0 =	sor.u32 s1, s0  }
0xbd: {  	s0 =	sadd.s32 $0x8F2B, s0  }
0xbe: {  	[sflag:s0] =	ssyncadd.remote.s32 $0x1  }
0xbf: {  	_ =	sfence.sel $0xFFFF  }
0xc0: {  	[dreg:$0x0] =	wrdreg $0xFFFFFFFF;
	(pc) =	sbr.abs _section_cstart, $3  }
0xc1: {  	[dreg:$0x1] =	wrdreg $0xFFFFFFFF  }
0xc2: {  	_ =	task.clear_ibuf [dreg:s8], $0x2FFFF;
	_ =	strace $0x9FFFFFFF  }
0xc3: {  	(tm) =	ssettm $0x7FFFFFFF  }
tec
execute0_lowered:
.L_overlay_start_1:
0x0: {  	(tag) =	ssettag $0x1  }
0x1: {  	s0 =	srdreg.scid;
	s2 =	rddreg [dreg:$0x0]  }
0x2: {  	s1 =	stileid.u32;
	s4 =	rddreg [dreg:$0x1]  }
0x3: {  	s6 =	simm.s32 $0x0;
	s21 =	simm.s32 $0x200;
	s22 =	simm.s32 $0x400  }
0x4: {  	s23 =	simm.s32 $0x9800;
	s24 =	simm.s32 $0xA800;
	s25 =	simm.s32 $0xB800  }
0x5: {  	s26 =	simm.s32 $0xC800;
	s8 =	simm.s32 $0xE800;
	[smem:$0x7FF] =	sst s6  }
0x6: {  	v0 =	vimm.f32 $2.000000000e+00;
	s9 =	simm.s32 $0xF800;
	s0 =	sand.u32 $0x1, s0;
	_ =	strace $0x80000047  }
0x7: {  	vm0 =	vcmask $0x300;
	s1 =	sshll.u32 s1, $0x8;
	s11 =	sadd.s32 $0x40, s2;
	s12 =	sadd.s32 $0x80000, s4;
	(erf) = vrcp.f32 v0;
	v0 =	vimm.f32 $2.500000000e-01  }
0x8: {  	vm9 =	vcmask $0xB08;
	s13 =	sadd.s32 $0x100000, s4;
	s14 =	sadd.s32 $0x180000, s4;
	s3 =	sshll.u32 s0, $0x7;
	v0 =	vsel vm0, $0x0, v0  }
0x9: {  	vm10 =	vcmask $0x1310;
	s16 =	sadd.s32 $0x40, s4;
	s0 =	ssub.s32 $0x2, s0;
	s5 =	sor.u32 s3, s1;
	v0 =	vsel vm9, $0x0, v0  }
0xa: {  	vm11 =	vcmask $0x1B18;
	s17 =	sadd.s32 $0x80040, s4;
	s29 =	sshrl.u32 s0, $0x1;
	s1 =	sshll.u32 s5, $0x7;
	v0 =	vsel vm10, $0x0, v0  }
0xb: {  	vm12 =	vcmask $0x2320;
	s18 =	sadd.s32 $0x100040, s4;
	s0 =	ssub.s32 s0, s29;
	s1 =	sadd.s32 s2, s1;
	v0 =	vsel vm11, $0x0, v0  }
0xc: {  	vm13 =	vcmask $0x2B28;
	s19 =	sadd.s32 $0x180040, s4;
	s0 =	smax.u32 s0, $0x1;
	[dreg:$0x3] =	wrdreg s1;
	v0 =	vsel vm12, $0x0, v0  }
0xd: {  	s4 =	simm.s32 $0xD800;
	s30 =	sadd.s32 $0x80000, s1;
	[dreg:$0x7] =	wrdreg s0;
	v0 =	vsel vm13, $0x0, v0  }
0xe: {  	vm14 =	vcmask $0x3330;
	s6 =	simm.s32 $0x0;
	s31 =	sadd.s32 $0x100000, s1;
	[dreg:$0x4] =	wrdreg s30  }
0xf: {  	vm15 =	vcmask $0x3B38;
	s7 =	sshll.u32 s5, $0xA;
	s1 =	sadd.s32 $0x180000, s1;
	[dreg:$0x5] =	wrdreg s31;
	v2 =	vsel vm14, $0x0, v0  }
0x10: {  	v1 =	vlaneseq.u32;
	s15 =	sor.u32 $0x2000, s7;
	[dreg:$0x6] =	wrdreg s1;
	s1 =	simm.s32 $0x1;
	v2 =	vsel vm15, $0x0, v2;
	v0 =	vpop (erf)  }
.LBB2_1:
0x11: {  	s3 =	simm.s32 $0x0  }
0x12: {  	v3 =	vor.u32 s3, v1  }
0x13: {  	v3 =	vcvt.s32.f32 v3;
	_ =	sdelay $0x1  }
0x14: {  	v4 =	vmul.f32 v3, v0;
	_ =	sdelay $0x1  }
0x15: {  	v4 =	vfloor.f32 v4  }
0x16: {  	v4 =	vadd.f32 v4, v4  }
0x17: {  	s0 =	simm.s32 $0x10  }
0x18: {  	v5 =	vor.u32 s0, v1;
	v4 =	vsub.f32 v3, v4  }
0x19: {  	v5 =	vcvt.s32.f32 v5  }
0x1a: {  	s28 =	simm.s32 $0x20;
	vm0 =	veq.f32 v4, $2.000000000e+00;
	v4 =	vand.u32 $0x7FFFFFFF, v4  }
0x1b: {  	v7 =	vor.u32 s28, v1;
	v6 =	vmul.f32 v5, v0;
	v4 =	vsel vm0, $0x0, v4  }
0x1c: {  	v7 =	vcvt.s32.f32 v7;
	v3 =	vsub.f32 v3, v4  }
0x1d: {  	v6 =	vfloor.f32 v6  }
0x1e: {  	s29 =	simm.s32 $0x30;
	v4 =	vadd.f32 v6, v6;
	v6 =	vmul.f32 v7, v0;
	v3 =	vmul.f32 $9.765625000e-04, v3  }
0x1f: {  	v8 =	vor.u32 s29, v1  }
0x20: {  	v4 =	vsub.f32 v5, v4;
	v6 =	vfloor.f32 v6;
	v3 =	vmul.f32 $-9.210340490e+00, v3  }
0x21: {  	v8 =	vcvt.s32.f32 v8;
	v6 =	vadd.f32 v6, v6  }
0x22: {  	vm13 =	veq.f32 v4, $2.000000000e+00;
	v4 =	vand.u32 $0x7FFFFFFF, v4;
	v3 =	vmul.f32 $1.442695020e+00, v3  }
0x23: {  	v4 =	vsel vm13, $0x0, v4;
	v6 =	vsub.f32 v7, v6  }
0x24: {  	v4 =	vsub.f32 v5, v4;
	v5 =	vmul.f32 v8, v0;
	(erf) = vpow2.f32 v3  }
0x25: {  	vm14 =	veq.f32 v6, $2.000000000e+00  }
0x26: {  	v3 =	vmul.f32 $9.765625000e-04, v4;
	v4 =	vfloor.f32 v5;
	v5 =	vand.u32 $0x7FFFFFFF, v6  }
0x27: {  	v5 =	vsel vm14, $0x0, v5  }
0x28: {  	v5 =	vsub.f32 v7, v5  }
0x29: {  	s30 =	simm.s32 $0x40;
	v9 =	vmul.f32 $-9.210340490e+00, v3  }
0x2a: {  	v6 =	vor.u32 s30, v1;
	v4 =	vadd.f32 v4, v4;
	v5 =	vmul.f32 $9.765625000e-04, v5  }
0x2b: {  	v3 =	vcvt.s32.f32 v6;
	v6 =	vmul.f32 $1.442695020e+00, v9  }
0x2c: {  	v4 =	vsub.f32 v8, v4;
	v5 =	vmul.f32 $-9.210340490e+00, v5  }
0x2d: {  	v7 =	vmul.f32 v3, v0;
	v63 =	vpop (erf);
	(erf) = vpow2.f32 v6  }
0x2e: {  	s31 =	simm.s32 $0x50;
	vm15 =	veq.f32 v4, $2.000000000e+00;
	v4 =	vand.u32 $0x7FFFFFFF, v4;
	v10 =	vmul.f32 $1.442695020e+00, v5  }
0x2f: {  	v62 =	vsel vm15, $0x0, v4;
	v4 =	vor.u32 s31, v1;
	v7 =	vfloor.f32 v7  }
0x30: {  	v4 =	vcvt.s32.f32 v4;
	(erf) = vpow2.f32 v10  }
0x31: {  	v8 =	vsub.f32 v8, v62;
	v7 =	vadd.f32 v7, v7;
	v9 =	vmul.f32 $1.591549370e-01, v63  }
0x32: {  	[dreg:$0x8] =	wrdreg s6;
	v6 =	vmul.f32 v4, v0  }
0x33: {  	s10 =	simm.s32 $0x60;
	s6 =	simm.s32 $0x0;
	v7 =	vsub.f32 v3, v7;
	v5 =	vmul.f32 $9.765625000e-04, v8;
	[tilespmem:s3+$0x0] =	vst v9;
	s3 =	simm.s32 $0x400  }
.LBB2_2:
0x34: {  	v8 =	vor.u32 s10, v1;
	v6 =	vfloor.f32 v6;
	[tilespmem:s3+$0x0] =	vst v2;
	p0 =	sne.s32 s10, $0x3F0  }
.Ltmp0:
0x35: {  	vm0 =	veq.f32 v7, $2.000000000e+00;
	v10 =	vand.u32 $0x7FFFFFFF, v7;
	v5 =	vmul.f32 $-9.210340490e+00, v5;
	(pc) =	sbr.rel @p0 .LBB2_2-.Ltmp0, $4  }
0x36: {  	v8 =	vcvt.s32.f32 v8;
	v9 =	vadd.f32 v6, v6;
	v6 =	vsel vm0, $0x0, v10;
	v7 =	vpop (erf)  }
0x37: {  	v10 =	vsub.f32 v3, v6;
	v11 =	vmul.f32 $1.442695020e+00, v5;
	v12 =	vmul.f32 $1.591549370e-01, v7;
	v3 =	vmovc v4  }
0x38: {  	s10 =	sadd.s32 $0x10, s10;
	s6 =	sadd.s32 $0x10, s6;
	v6 =	vmul.f32 v8, v0;
	v4 =	vmov v8  }
0x39: {  	s3 =	sadd.s32 $0x10, s3;
	v7 =	vsub.f32 v3, v9;
	v5 =	vmul.f32 $9.765625000e-04, v10;
	(erf) = vpow2.f32 v11;
	[tilespmem:s6+$0x0] =	vst v12  }
0x3a: {  	v6 =	vfloor.f32 v6  }
0x3b: {  	v6 =	vadd.f32 v6, v6;
	_ =	sdelay $0x1  }
0x3c: {  	vm0 =	veq.f32 v7, $2.000000000e+00;
	v58 =	vand.u32 $0x7FFFFFFF, v7;
	v6 =	vsub.f32 v4, v6  }
0x3d: {  	v7 =	vsel vm0, $0x0, v58  }
0x3e: {  	v3 =	vsub.f32 v3, v7;
	vm15 =	veq.f32 v6, $2.000000000e+00;
	v6 =	vand.u32 $0x7FFFFFFF, v6  }
0x3f: {  	v6 =	vsel vm15, $0x0, v6  }
0x40: {  	v3 =	vmul.f32 $9.765625000e-04, v3;
	v59 =	vsub.f32 v4, v6  }
0x41: {  	v5 =	vmul.f32 $-9.210340490e+00, v5  }
0x42: {  	v3 =	vmul.f32 $-9.210340490e+00, v3;
	v4 =	vmul.f32 $9.765625000e-04, v59  }
0x43: {  	v5 =	vmul.f32 $1.442695020e+00, v5  }
0x44: {  	v3 =	vmul.f32 $1.442695020e+00, v3;
	v4 =	vmul.f32 $-9.210340490e+00, v4  }
0x45: {  	(erf) = vpow2.f32 v5  }
0x46: {  	(erf) = vpow2.f32 v3;
	v3 =	vmul.f32 $1.442695020e+00, v4;
	_ =	sdelay $0x2  }
0x47: {  	(erf) = vpow2.f32 v3  }
0x48: {  	v3 =	vpop (erf)  }
0x49: {  	v3 =	vmul.f32 $1.591549370e-01, v3  }
0x4a: {  	[tilespmem:s3+$0x0] =	vst v2;
	s0 =	sadd.s32 $0x10, s6;
	v60 =	vpop (erf)  }
0x4b: {  	s30 =	sadd.s32 $0x10, s3;
	[tilespmem:s0+$0x0] =	vst v3;
	v3 =	vmul.f32 $1.591549370e-01, v60  }
0x4c: {  	v61 =	vpop (erf);
	s0 =	sadd.s32 $0x10, s0;
	[tilespmem:s30+$0x0] =	vst v2  }
0x4d: {  	s3 =	sadd.s32 $0x10, s30;
	[tilespmem:s0+$0x0] =	vst v3;
	v3 =	vmul.f32 $1.591549370e-01, v61  }
0x4e: {  	v62 =	vpop (erf);
	s0 =	sadd.s32 $0x10, s0;
	[tilespmem:s3+$0x0] =	vst v2  }
0x4f: {  	s3 =	sadd.s32 $0x10, s3;
	[tilespmem:s0+$0x0] =	vst v3;
	v3 =	vmul.f32 $1.591549370e-01, v62  }
0x50: {  	s0 =	sadd.s32 $0x10, s0;
	v63 =	vpop (erf);
	[tilespmem:s3+$0x0] =	vst v2  }
0x51: {  	s3 =	sadd.s32 $0x10, s3;
	[tilespmem:s0+$0x0] =	vst v3;
	v3 =	vmul.f32 $1.591549370e-01, v63  }
0x52: {  	s0 =	sadd.s32 $0x10, s0;
	[tilespmem:s3+$0x0] =	vst v2  }
0x53: {  	s31 =	sadd.s32 $0x10, s3;
	[tilespmem:s0+$0x0] =	vst v3  }
0x54: {  	s6 =	simm.s32 $0x800;
	s3 =	rddreg [dreg:$0x3];
	[tilespmem:s31+$0x0] =	vst v2  }
0x55: {  	[tilespmem:s6], [sflag:$0x1] =	stream.strided.gather [hbm4b:s3+s21], $0x1000, s22, s21, $0x38;
	[tilespmem:$0x10800] =	vst v63  }
0x56: {  	s10 =	rddreg [dreg:$0x4];
	s20 =	simm.s32 $0x1800  }
0x57: {  	[tilespmem:s20], [sflag:$0x1] =	stream.strided.gather [hbm4b:s10+s21], $0x1000, s22, s21, $0x38;
	[tilespmem:$0x10800] =	vst v63  }
0x58: {  	s28 =	rddreg [dreg:$0x5];
	s29 =	simm.s32 $0x2800  }
0x59: {  	[tilespmem:s29], [sflag:$0x1] =	stream.strided.gather [hbm4b:s28+s21], $0x1000, s22, s21, $0x38;
	[tilespmem:$0x10800] =	vst v63  }
0x5a: {  	s30 =	rddreg [dreg:$0x6];
	s31 =	simm.s32 $0x3800;
	s6 =	simm.s32 $0x0  }
0x5b: {  	[tilespmem:s31], [sflag:$0x1] =	stream.strided.gather [hbm4b:s30+s21], $0x1000, s22, s21, $0x38;
	[tilespmem:$0x10800] =	vst v63  }
.LBB2_4:
0x5c: {  	s3 =	sshll.u32 s6, $0xD  }
0x5d: {  	s0 =	sor.u32 s7, s3  }
0x5e: {  	s0 =	sshrl.u32 s0, $0x3  }
0x5f: {  	s20 =	simm.s32 $0x4800;
	s10 =	sadd.s32 s0, s11  }
0x60: {  	[tilespmem:s20], [sflag:$0x1] =	stream.strided.gather [hbm4b:s10+s21], $0x1000, s22, s21, $0x38;
	[tilespmem:$0x10800] =	vst v63  }
0x61: {  	s20 =	sor.u32 $0x80040, s0  }
0x62: {  	s31 =	simm.s32 $0x5800;
	s10 =	sadd.s32 s2, s20;
	s20 =	sor.u32 $0x100040, s0  }
0x63: {  	[tilespmem:s31], [sflag:$0x1] =	stream.strided.gather [hbm4b:s10+s21], $0x1000, s22, s21, $0x38;
	[tilespmem:$0x10800] =	vst v63  }
0x64: {  	s0 =	sor.u32 $0x180040, s0;
	s10 =	sadd.s32 s2, s20;
	s31 =	simm.s32 $0x6800  }
0x65: {  	[tilespmem:s31], [sflag:$0x1] =	stream.strided.gather [hbm4b:s10+s21], $0x1000, s22, s21, $0x38;
	[tilespmem:$0x10800] =	vst v63  }
0x66: {  	s0 =	sadd.s32 s2, s0;
	s31 =	simm.s32 $0x7800  }
0x67: {  	[tilespmem:s31], [sflag:$0x1] =	stream.strided.gather [hbm4b:s0+s21], $0x1000, s22, s21, $0x38;
	[tilespmem:$0x10800] =	vst v63  }
0x68: {  	_ =	swait.ge [sflag:s1], $0x1000  }
0x69: {  	[sflag:s1] =	ssyncset.done $0x0  }
0x6a: {  	[sflag:s1] =	ssyncadd.s32 $0xFFFFF000  }
0x6b: {  	_ =	swait.ge [sflag:s1], $0x1000  }
0x6c: {  	[sflag:s1] =	ssyncset.done $0x0  }
0x6d: {  	[sflag:s1] =	ssyncadd.s32 $0xFFFFF000  }
0x6e: {  	_ =	swait.ge [sflag:s1], $0x1000  }
0x6f: {  	[sflag:s1] =	ssyncset.done $0x0  }
0x70: {  	[sflag:s1] =	ssyncadd.s32 $0xFFFFF000  }
0x71: {  	_ =	swait.ge [sflag:s1], $0x1000  }
0x72: {  	p0 =	seq.s32 s6, $0x0;
	[sflag:s1] =	ssyncset.done $0x0  }
0x73: {  	s0 =	simm.s32 @!p0 $0x2;
	[sflag:s1] =	ssyncadd.s32 $0xFFFFF000  }
0x74: {  	_ =	swait.ge @!p0 [sflag:s0], $0x1000  }
0x75: {  	[sflag:s0] =	ssyncset.done @!p0 $0x0  }
0x76: {  	[sflag:s0] =	ssyncadd.s32 @!p0 $0xFFFFF000  }
0x77: {  	_ =	swait.ge @!p0 [sflag:s0], $0x1000  }
0x78: {  	s20 =	sshll.u32 s6, $0x3;
	[sflag:s0] =	ssyncset.done @!p0 $0x0  }
0x79: {  	s10 =	sor.u32 s5, s20;
	[sflag:s0] =	ssyncadd.s32 @!p0 $0xFFFFF000  }
0x7a: {  	s28 =	scvt.s32.f32 s10;
	s30 =	sor.u32 $0x3, s10;
	_ =	swait.ge @!p0 [sflag:s0], $0x1000  }
0x7b: {  	s31 =	sor.u32 $0x1, s10;
	s30 =	scvt.s32.f32 s30;
	[sflag:s0] =	ssyncset.done @!p0 $0x0  }
0x7c: {  	s29 =	scvt.s32.f32 s31;
	s31 =	sor.u32 $0x2, s10;
	[sflag:s0] =	ssyncadd.s32 @!p0 $0xFFFFF000  }
0x7d: {  	s20 =	sshll.u32 s10, $0x7;
	s31 =	scvt.s32.f32 s31;
	_ =	swait.ge @!p0 [sflag:s0], $0x1000  }
0x7e: {  	v5 =	vmov s28;
	s28 =	simm.s32 $0x0;
	v3 =	vmov s30;
	s30 =	simm.s32 $0x10;
	[sflag:s0] =	ssyncset.done @!p0 $0x0  }
0x7f: {  	v6 =	vmov s29;
	s29 =	simm.s32 $0x0;
	v4 =	vmov s31;
	[sflag:s0] =	ssyncadd.s32 @!p0 $0xFFFFF000;
	s0 =	simm.s32 $0x0  }
.LBB2_5:
0x80: {  	p1 =	sne.s32 s30, $0x3F0;
	v7 =	vld [tilespmem:s0+$0x0];
	_ =	sdelay $0x1  }
0x81: {  	v8 =	vld [tilespmem:s0+$0x400];
	_ =	sdelay $0x2  }
0x82: {  	v9 =	vmul.f32 v7, v5;
	v10 =	vmul.f32 v7, v6  }
0x83: {  	v11 =	vmul.f32 v7, v4;
	v7 =	vmul.f32 v7, v3  }
0x84: {  	v9 =	vadd.f32 v8, v9;
	v10 =	vadd.f32 v8, v10  }
0x85: {  	v11 =	vadd.f32 v8, v11;
	v7 =	vadd.f32 v8, v7  }
0x86: {  	v8 =	vadd.f32 $5.000000000e-01, v9;
	v12 =	vadd.f32 $5.000000000e-01, v10  }
0x87: {  	v13 =	vadd.f32 $5.000000000e-01, v11;
	v14 =	vadd.f32 $5.000000000e-01, v7  }
0x88: {  	v8 =	vtrunc.f32 v8;
	v12 =	vtrunc.f32 v12  }
0x89: {  	v8 =	vcvt.f32.s32 v8;
	v12 =	vcvt.f32.s32 v12  }
0x8a: {  	v13 =	vtrunc.f32 v13;
	v14 =	vtrunc.f32 v14  }
0x8b: {  	v8 =	vcvt.s32.f32 v8;
	v12 =	vcvt.s32.f32 v12  }
0x8c: {  	v13 =	vcvt.f32.s32 v13;
	v14 =	vcvt.f32.s32 v14  }
0x8d: {  	v8 =	vsub.f32 v9, v8;
	v9 =	vsub.f32 v10, v12  }
0x8e: {  	s31 =	sand.u32 $0xE00, s28;
	s0 =	sand.u32 $0x70, s29;
	s29 =	smov.u32 s30;
	v10 =	vcvt.s32.f32 v13;
	v12 =	vcvt.s32.f32 v14  }
0x8f: {  	s31 =	sor.u32 s0, s31;
	v13 =	vmul.f32 v8, v8;
	v14 =	vmul.f32 v9, v9  }
0x90: {  	v10 =	vsub.f32 v11, v10;
	v7 =	vsub.f32 v7, v12;
	v15 =	vld [tilespmem:s31+$0x800]  }
0x91: {  	v11 =	vmul.f32 $3.316884990e+01, v13;
	v12 =	vld [tilespmem:s31+$0x1800];
	v16 =	vmul.f32 $3.316884990e+01, v14  }
0x92: {  	v18 =	vmul.f32 v10, v10;
	v19 =	vmul.f32 v7, v7;
	v17 =	vld [tilespmem:s31+$0x2800]  }
0x93: {  	v11 =	vadd.f32 $-7.467623900e+01, v11;
	v20 =	vld [tilespmem:s31+$0x3800];
	v16 =	vadd.f32 $-7.467623900e+01, v16  }
0x94: {  	v22 =	vmul.f32 $3.316884990e+01, v18;
	v23 =	vmul.f32 $3.316884990e+01, v19;
	v21 =	vld [tilespmem:s31+$0x880]  }
0x95: {  	v11 =	vmul.f32 v11, v13;
	vm0 =	veq.f32 v15, $0.0e+00;
	v15 =	vmul.f32 v16, v14;
	v16 =	vld [tilespmem:s31+$0x1880]  }
0x96: {  	v22 =	vadd.f32 $-7.467623900e+01, v22;
	v23 =	vadd.f32 $-7.467623900e+01, v23;
	vm1 =	veq.f32 v12, $0.0e+00;
	v12 =	vld [tilespmem:s31+$0x2880]  }
0x97: {  	v11 =	vadd.f32 $8.140014640e+01, v11;
	vm2 =	veq.f32 v17, $0.0e+00;
	v15 =	vadd.f32 $8.140014640e+01, v15;
	v17 =	vld [tilespmem:s31+$0x3880]  }
0x98: {  	v23 =	vmul.f32 v23, v19;
	vm3 =	veq.f32 v20, $0.0e+00;
	v20 =	vmul.f32 v22, v18;
	v22 =	vld [tilespmem:s31+$0x900]  }
0x99: {  	v11 =	vmul.f32 v11, v13;
	v15 =	vmul.f32 v15, v14;
	vm5 =	veq.f32 v21, $0.0e+00;
	v21 =	vld [tilespmem:s31+$0x1900]  }
0x9a: {  	v23 =	vadd.f32 $8.140014640e+01, v23;
	vm4 =	veq.f32 v16, $0.0e+00;
	v16 =	vadd.f32 $8.140014640e+01, v20;
	v20 =	vld [tilespmem:s31+$0x2900]  }
0x9b: {  	v11 =	vadd.f32 $-4.133325200e+01, v11;
	v15 =	vadd.f32 $-4.133325200e+01, v15;
	vm6 =	veq.f32 v12, $0.0e+00;
	v12 =	vld [tilespmem:s31+$0x3900]  }
0x9c: {  	vm8 =	veq.f32 v17, $0.0e+00;
	v16 =	vmul.f32 v16, v18;
	v17 =	vmul.f32 v23, v19;
	v23 =	vld [tilespmem:s31+$0x980]  }
0x9d: {  	v11 =	vmul.f32 v11, v13;
	v13 =	vmul.f32 v15, v14;
	vm7 =	veq.f32 v22, $0.0e+00;
	v14 =	vld [tilespmem:s31+$0x1980]  }
0x9e: {  	v15 =	vadd.f32 $-4.133325200e+01, v16;
	vm9 =	veq.f32 v21, $0.0e+00;
	v16 =	vadd.f32 $-4.133325200e+01, v17  }
0x9f: {  	v11 =	vadd.f32 $6.283088680e+00, v11;
	v13 =	vadd.f32 $6.283088680e+00, v13;
	vm10 =	veq.f32 v20, $0.0e+00  }
0xa0: {  	v15 =	vmul.f32 v15, v18;
	vm11 =	veq.f32 v12, $0.0e+00;
	v12 =	vmul.f32 v16, v19;
	v16 =	vld [tilespmem:s31+$0x2980]  }
0xa1: {  	v8 =	vmul.f32 v11, v8;
	v9 =	vmul.f32 v13, v9;
	vm12 =	veq.f32 v23, $0.0e+00;
	v11 =	vld [tilespmem:s31+$0x3980]  }
0xa2: {  	v13 =	vadd.f32 $6.283088680e+00, v15;
	v12 =	vadd.f32 $6.283088680e+00, v12;
	vm13 =	veq.f32 v14, $0.0e+00  }
0xa3: {  	v14 =	vsel vm2, $0x0, v8;
	v15 =	vsel vm3, $0x0, v8;
	v17 =	vsel vm5, $0x0, v9  }
0xa4: {  	v18 =	vsel vm0, $0x0, v8;
	v8 =	vsel vm1, $0x0, v8;
	[tilespmem:s31+$0x8880] =	vst v17;
	v17 =	vsel vm4, $0x0, v9  }
0xa5: {  	v10 =	vmul.f32 v13, v10;
	[tilespmem:s31+$0xB800] =	vst v15;
	v15 =	vsel vm6, $0x0, v9;
	v9 =	vsel vm8, $0x0, v9  }
0xa6: {  	v7 =	vmul.f32 v12, v7;
	vm0 =	veq.f32 v16, $0.0e+00;
	[tilespmem:s31+$0xA800] =	vst v14;
	vm1 =	veq.f32 v11, $0.0e+00  }
0xa7: {  	v11 =	vsel vm9, $0x0, v10;
	v12 =	vsel vm10, $0x0, v10;
	[tilespmem:s31+$0x9800] =	vst v8;
	v8 =	vsel vm7, $0x0, v10  }
0xa8: {  	v13 =	vsel vm12, $0x0, v7;
	v14 =	vsel vm13, $0x0, v7;
	v10 =	vsel vm11, $0x0, v10;
	[tilespmem:s31+$0x8800] =	vst v18  }
0xa9: {  	v16 =	vsel vm0, $0x0, v7;
	v7 =	vsel vm1, $0x0, v7;
	[tilespmem:s31+$0x9880] =	vst v17  }
0xaa: {  	[tilespmem:s31+$0xA880] =	vst v15  }
0xab: {  	[tilespmem:s31+$0xB880] =	vst v9  }
0xac: {  	[tilespmem:s31+$0x8900] =	vst v8  }
0xad: {  	[tilespmem:s31+$0x9900] =	vst v11  }
0xae: {  	[tilespmem:s31+$0xA900] =	vst v12  }
.Ltmp1:
0xaf: {  	[tilespmem:s31+$0xB900] =	vst v10;
	(pc) =	sbr.rel @p1 .LBB2_5-.Ltmp1, $4  }
0xb0: {  	[tilespmem:s31+$0x8980] =	vst v13  }
0xb1: {  	[tilespmem:s31+$0x9980] =	vst v14  }
0xb2: {  	s28 =	sadd.s32 $0x40, s28;
	[tilespmem:s31+$0xA980] =	vst v16  }
0xb3: {  	s30 =	sadd.s32 $0x10, s30;
	s0 =	sshra.s32 s28, $0x2;
	[tilespmem:s31+$0xB980] =	vst v7  }
0xb4: {  	v7 =	vld [tilespmem:s0+$0x0];
	_ =	sdelay $0x1  }
0xb5: {  	v8 =	vld [tilespmem:s0+$0x400];
	_ =	sdelay $0x2  }
0xb6: {  	v6 =	vmul.f32 v7, v6  }
0xb7: {  	v5 =	vmul.f32 v7, v5  }
0xb8: {  	v6 =	vadd.f32 v8, v6  }
0xb9: {  	v5 =	vadd.f32 v8, v5  }
0xba: {  	v9 =	vadd.f32 $5.000000000e-01, v6  }
0xbb: {  	v4 =	vmul.f32 v7, v4;
	v10 =	vadd.f32 $5.000000000e-01, v5  }
0xbc: {  	v9 =	vtrunc.f32 v9  }
0xbd: {  	v4 =	vadd.f32 v8, v4;
	v10 =	vtrunc.f32 v10;
	v9 =	vcvt.f32.s32 v9  }
0xbe: {  	v10 =	vcvt.f32.s32 v10  }
0xbf: {  	v3 =	vmul.f32 v7, v3;
	v7 =	vadd.f32 $5.000000000e-01, v4;
	v9 =	vcvt.s32.f32 v9  }
0xc0: {  	v10 =	vcvt.s32.f32 v10  }
0xc1: {  	v7 =	vtrunc.f32 v7;
	v6 =	vsub.f32 v6, v9  }
0xc2: {  	v3 =	vadd.f32 v8, v3;
	v7 =	vcvt.f32.s32 v7;
	v5 =	vsub.f32 v5, v10  }
0xc3: {  	v8 =	vmul.f32 v6, v6  }
0xc4: {  	v46 =	vadd.f32 $5.000000000e-01, v3;
	v7 =	vcvt.s32.f32 v7;
	v45 =	vmul.f32 v5, v5  }
0xc5: {  	v11 =	vmul.f32 $3.316884990e+01, v8  }
0xc6: {  	v10 =	vtrunc.f32 v46;
	v4 =	vsub.f32 v4, v7;
	v12 =	vmul.f32 $3.316884990e+01, v45  }
0xc7: {  	v10 =	vcvt.f32.s32 v10;
	v11 =	vadd.f32 $-7.467623900e+01, v11  }
0xc8: {  	v48 =	vmul.f32 v4, v4;
	v12 =	vadd.f32 $-7.467623900e+01, v12  }
0xc9: {  	v10 =	vcvt.s32.f32 v10;
	v7 =	vmul.f32 v11, v8  }
0xca: {  	v47 =	vmul.f32 v12, v45  }
0xcb: {  	v50 =	vmul.f32 $3.316884990e+01, v48;
	v3 =	vsub.f32 v3, v10;
	v7 =	vadd.f32 $8.140014640e+01, v7  }
0xcc: {  	v49 =	vadd.f32 $8.140014640e+01, v47  }
0xcd: {  	s30 =	sand.u32 $0x70, s29;
	s28 =	sand.u32 $0xE00, s28;
	v13 =	vmul.f32 v3, v3;
	v11 =	vadd.f32 $-7.467623900e+01, v50;
	v7 =	vmul.f32 v7, v8  }
0xce: {  	s28 =	sor.u32 s30, s28;
	v10 =	vmul.f32 v49, v45  }
0xcf: {  	v14 =	vld [tilespmem:s28+$0x3800];
	v15 =	vmul.f32 $3.316884990e+01, v13;
	v11 =	vmul.f32 v11, v48;
	v7 =	vadd.f32 $-4.133325200e+01, v7  }
0xd0: {  	v16 =	vld [tilespmem:s28+$0x880];
	v10 =	vadd.f32 $-4.133325200e+01, v10  }
0xd1: {  	v51 =	vld [tilespmem:s28+$0x2800];
	v15 =	vadd.f32 $-7.467623900e+01, v15;
	v11 =	vadd.f32 $8.140014640e+01, v11;
	v7 =	vmul.f32 v7, v8  }
0xd2: {  	v17 =	vld [tilespmem:s28+$0x800];
	v9 =	vmul.f32 v10, v45  }
0xd3: {  	v15 =	vmul.f32 v15, v13;
	v11 =	vmul.f32 v11, v48;
	v8 =	vld [tilespmem:s28+$0x1800];
	v7 =	vadd.f32 $6.283088680e+00, v7  }
0xd4: {  	vm0 =	veq.f32 v14, $0.0e+00;
	v9 =	vadd.f32 $6.283088680e+00, v9  }
0xd5: {  	v53 =	vadd.f32 $8.140014640e+01, v15;
	v11 =	vadd.f32 $-4.133325200e+01, v11;
	v6 =	vmul.f32 v7, v6  }
0xd6: {  	v18 =	vld [tilespmem:s28+$0x1880];
	vm1 =	veq.f32 v16, $0.0e+00;
	vm2 =	veq.f32 v51, $0.0e+00;
	v5 =	vmul.f32 v9, v5  }
0xd7: {  	v55 =	vld [tilespmem:s28+$0x900];
	v14 =	vmul.f32 v53, v13;
	v11 =	vmul.f32 v11, v48;
	v54 =	vsel vm1, $0x0, v6  }
0xd8: {  	vm4 =	veq.f32 v17, $0.0e+00;
	v7 =	vld [tilespmem:s28+$0x2880];
	vm15 =	veq.f32 v8, $0.0e+00;
	v8 =	vsel vm0, $0x0, v5;
	[tilespmem:s28+$0x8880] =	vst v54  }
0xd9: {  	v52 =	vld [tilespmem:s28+$0x3880];
	v14 =	vadd.f32 $-4.133325200e+01, v14;
	v11 =	vadd.f32 $6.283088680e+00, v11;
	v56 =	vsel vm2, $0x0, v5;
	[tilespmem:s28+$0xB800] =	vst v8  }
0xda: {  	v57 =	vsel vm15, $0x0, v5;
	v5 =	vsel vm4, $0x0, v5;
	v8 =	vld [tilespmem:s28+$0x1900];
	[tilespmem:s28+$0xA800] =	vst v56  }
0xdb: {  	vm5 =	veq.f32 v18, $0.0e+00;
	v13 =	vmul.f32 v14, v13;
	v4 =	vmul.f32 v11, v4;
	[tilespmem:s28+$0x8800] =	vst v5;
	v5 =	vld [tilespmem:s28+$0x980]  }
0xdc: {  	v58 =	vld [tilespmem:s28+$0x2900];
	vm8 =	veq.f32 v55, $0.0e+00;
	v59 =	vsel vm5, $0x0, v6;
	[tilespmem:s28+$0x9800] =	vst v57  }
0xdd: {  	[tilespmem:s28+$0x9880] =	vst v59;
	v62 =	vadd.f32 $6.283088680e+00, v13;
	v11 =	vsel vm8, $0x0, v4;
	vm6 =	veq.f32 v7, $0.0e+00;
	v7 =	vld [tilespmem:s28+$0x3900]  }
0xde: {  	v61 =	vld [tilespmem:s28+$0x1980];
	vm7 =	veq.f32 v52, $0.0e+00;
	[tilespmem:s28+$0x8900] =	vst v11;
	v60 =	vsel vm6, $0x0, v6  }
0xdf: {  	v3 =	vmul.f32 v62, v3;
	v6 =	vsel vm7, $0x0, v6;
	[tilespmem:s28+$0xA880] =	vst v60;
	vm9 =	veq.f32 v8, $0.0e+00;
	v8 =	vld [tilespmem:s28+$0x2980]  }
0xe0: {  	[tilespmem:s28+$0xB880] =	vst v6;
	v6 =	vld [tilespmem:s28+$0x3980];
	vm12 =	veq.f32 v5, $0.0e+00;
	v63 =	vsel vm9, $0x0, v4  }
0xe1: {  	vm10 =	veq.f32 v58, $0.0e+00;
	v5 =	vsel vm12, $0x0, v3;
	[tilespmem:s28+$0x9900] =	vst v63  }
0xe2: {  	vm11 =	veq.f32 v7, $0.0e+00;
	v7 =	vsel vm10, $0x0, v4;
	[tilespmem:s28+$0x8980] =	vst v5  }
0xe3: {  	vm13 =	veq.f32 v61, $0.0e+00;
	v4 =	vsel vm11, $0x0, v4;
	[tilespmem:s28+$0xA900] =	vst v7  }
0xe4: {  	[tilespmem:s28+$0xB900] =	vst v4;
	v4 =	vsel vm13, $0x0, v3;
	vm14 =	veq.f32 v8, $0.0e+00  }
0xe5: {  	vm15 =	veq.f32 v6, $0.0e+00;
	[tilespmem:s28+$0x9980] =	vst v4;
	v5 =	vsel vm14, $0x0, v3  }
0xe6: {  	s31 =	rddreg [dreg:$0x1];
	v3 =	vsel vm15, $0x0, v3;
	[tilespmem:s28+$0xA980] =	vst v5  }
0xe7: {  	s0 =	sadd.s32 s31, s20;
	[tilespmem:s28+$0xB980] =	vst v3;
	s28 =	simm.s32 $0x8800  }
0xe8: {  	[hbm4b:s0+s21] =	stream.strided.scatter [tilespmem:s28], [sflag:$0x2], $0x1000, s22, s21, $0x38;
	[tilespmem:$0x10800] =	vst v63  }
0xe9: {  	s29 =	sadd.s32 s20, s12;
	p1 =	seq.s32 s6, $0xF  }
0xea: {  	[hbm4b:s29+s21] =	stream.strided.scatter [tilespmem:s23], [sflag:$0x2], $0x1000, s22, s21, $0x38;
	[tilespmem:$0x10800] =	vst v63  }
0xeb: {  	s30 =	sadd.s32 s20, s13;
	s0 =	sadd.s32 @!p1 s3, s15  }
0xec: {  	[hbm4b:s30+s21] =	stream.strided.scatter [tilespmem:s24], [sflag:$0x2], $0x1000, s22, s21, $0x38;
	[tilespmem:$0x10800] =	vst v63  }
0xed: {  	s31 =	sadd.s32 s20, s14;
	s28 =	simm.s32 @!p1 $0x200;
	s0 =	sshrl.u32 @!p1 s0, $0x3  }
0xee: {  	[hbm4b:s31+s21] =	stream.strided.scatter [tilespmem:s25], [sflag:$0x2], $0x1000, s22, s21, $0x38;
	[tilespmem:$0x10800] =	vst v63  }
0xef: {  	s3 =	sadd.s32 @!p1 s2, s0;
	s29 =	simm.s32 @!p1 $0x400;
	s30 =	simm.s32 @!p1 $0x800  }
0xf0: {  	[tilespmem:s30], [sflag:$0x1] =	stream.strided.gather @!p1 [hbm4b:s3+s28], $0x1000, s29, s28, $0x38;
	[tilespmem:$0x10800] =	vst v63  }
0xf1: {  	s0 =	sor.u32 @!p1 $0x100000, s0;
	s31 =	simm.s32 @!p1 $0x1800;
	s30 =	sadd.s32 @!p1 $0x80000, s3  }
0xf2: {  	[tilespmem:s31], [sflag:$0x1] =	stream.strided.gather @!p1 [hbm4b:s30+s28], $0x1000, s29, s28, $0x38;
	[tilespmem:$0x10800] =	vst v63  }
0xf3: {  	s0 =	sadd.s32 @!p1 s2, s0;
	s30 =	simm.s32 @!p1 $0x2800  }
0xf4: {  	[tilespmem:s30], [sflag:$0x1] =	stream.strided.gather @!p1 [hbm4b:s0+s28], $0x1000, s29, s28, $0x38;
	[tilespmem:$0x10800] =	vst v63  }
0xf5: {  	s0 =	sadd.s32 @!p1 $0x180000, s3;
	s3 =	simm.s32 @!p1 $0x3800  }
0xf6: {  	[tilespmem:s3], [sflag:$0x1] =	stream.strided.gather @!p1 [hbm4b:s0+s28], $0x1000, s29, s28, $0x38;
	[tilespmem:$0x10800] =	vst v63  }
0xf7: {  	_ =	swait.ge [sflag:s1], $0x1000  }
0xf8: {  	[sflag:s1] =	ssyncset.done $0x0  }
0xf9: {  	[sflag:s1] =	ssyncadd.s32 $0xFFFFF000  }
0xfa: {  	_ =	swait.ge [sflag:s1], $0x1000  }
0xfb: {  	[sflag:s1] =	ssyncset.done $0x0  }
0xfc: {  	[sflag:s1] =	ssyncadd.s32 $0xFFFFF000  }
0xfd: {  	_ =	swait.ge [sflag:s1], $0x1000  }
0xfe: {  	[sflag:s1] =	ssyncset.done $0x0  }
0xff: {  	[sflag:s1] =	ssyncadd.s32 $0xFFFFF000  }
0x100: {  	_ =	swait.ge [sflag:s1], $0x1000  }
0x101: {  	[sflag:s1] =	ssyncset.done $0x0  }
0x102: {  	s0 =	simm.s32 @!p0 $0x2;
	[sflag:s1] =	ssyncadd.s32 $0xFFFFF000  }
0x103: {  	_ =	swait.ge @!p0 [sflag:s0], $0x1000  }
0x104: {  	[sflag:s0] =	ssyncset.done @!p0 $0x0  }
0x105: {  	[sflag:s0] =	ssyncadd.s32 @!p0 $0xFFFFF000  }
0x106: {  	_ =	swait.ge @!p0 [sflag:s0], $0x1000  }
0x107: {  	[sflag:s0] =	ssyncset.done @!p0 $0x0  }
0x108: {  	[sflag:s0] =	ssyncadd.s32 @!p0 $0xFFFFF000  }
0x109: {  	s31 =	sor.u32 $0x7, s10;
	s30 =	sor.u32 $0x6, s10;
	_ =	swait.ge @!p0 [sflag:s0], $0x1000  }
0x10a: {  	s29 =	sor.u32 $0x4, s10;
	s28 =	sor.u32 $0x5, s10;
	[sflag:s0] =	ssyncset.done @!p0 $0x0  }
0x10b: {  	s10 =	scvt.s32.f32 s31;
	s3 =	scvt.s32.f32 s29;
	[sflag:s0] =	ssyncadd.s32 @!p0 $0xFFFFF000  }
0x10c: {  	s28 =	scvt.s32.f32 s28;
	s29 =	scvt.s32.f32 s30;
	_ =	swait.ge @!p0 [sflag:s0], $0x1000  }
0x10d: {  	v3 =	vmov s10;
	s10 =	simm.s32 $0x0;
	v5 =	vmov s3;
	s3 =	simm.s32 $0x0;
	[sflag:s0] =	ssyncset.done @!p0 $0x0  }
0x10e: {  	v6 =	vmov s28;
	v4 =	vmov s29;
	s28 =	simm.s32 $0x10;
	[sflag:s0] =	ssyncadd.s32 @!p0 $0xFFFFF000;
	s0 =	simm.s32 $0x0  }
.LBB2_7:
0x10f: {  	p0 =	sne.s32 s28, $0x3F0;
	v7 =	vld [tilespmem:s0+$0x0];
	_ =	sdelay $0x1  }
0x110: {  	v8 =	vld [tilespmem:s0+$0x400];
	_ =	sdelay $0x2  }
0x111: {  	v9 =	vmul.f32 v7, v5;
	v10 =	vmul.f32 v7, v6  }
0x112: {  	v11 =	vmul.f32 v7, v4;
	v7 =	vmul.f32 v7, v3  }
0x113: {  	v9 =	vadd.f32 v8, v9;
	v10 =	vadd.f32 v8, v10  }
0x114: {  	v11 =	vadd.f32 v8, v11;
	v7 =	vadd.f32 v8, v7  }
0x115: {  	v8 =	vadd.f32 $5.000000000e-01, v9;
	v12 =	vadd.f32 $5.000000000e-01, v10  }
0x116: {  	v13 =	vadd.f32 $5.000000000e-01, v11;
	v14 =	vadd.f32 $5.000000000e-01, v7  }
0x117: {  	v8 =	vtrunc.f32 v8;
	v12 =	vtrunc.f32 v12  }
0x118: {  	v8 =	vcvt.f32.s32 v8;
	v12 =	vcvt.f32.s32 v12  }
0x119: {  	v13 =	vtrunc.f32 v13;
	v14 =	vtrunc.f32 v14  }
0x11a: {  	v8 =	vcvt.s32.f32 v8;
	v12 =	vcvt.s32.f32 v12  }
0x11b: {  	v13 =	vcvt.f32.s32 v13;
	v14 =	vcvt.f32.s32 v14  }
0x11c: {  	v8 =	vsub.f32 v9, v8;
	v9 =	vsub.f32 v10, v12  }
0x11d: {  	s29 =	sand.u32 $0xE00, s10;
	s0 =	sand.u32 $0x70, s3;
	s3 =	smov.u32 s28;
	v10 =	vcvt.s32.f32 v13;
	v12 =	vcvt.s32.f32 v14  }
0x11e: {  	s29 =	sor.u32 s0, s29;
	v13 =	vmul.f32 v8, v8;
	v14 =	vmul.f32 v9, v9  }
0x11f: {  	v10 =	vsub.f32 v11, v10;
	v7 =	vsub.f32 v7, v12;
	v15 =	vld [tilespmem:s29+$0x4800]  }
0x120: {  	v11 =	vmul.f32 $3.316884990e+01, v13;
	v12 =	vld [tilespmem:s29+$0x5800];
	v16 =	vmul.f32 $3.316884990e+01, v14  }
0x121: {  	v18 =	vmul.f32 v10, v10;
	v19 =	vmul.f32 v7, v7;
	v17 =	vld [tilespmem:s29+$0x6800]  }
0x122: {  	v11 =	vadd.f32 $-7.467623900e+01, v11;
	v20 =	vld [tilespmem:s29+$0x7800];
	v16 =	vadd.f32 $-7.467623900e+01, v16  }
0x123: {  	v22 =	vmul.f32 $3.316884990e+01, v18;
	v23 =	vmul.f32 $3.316884990e+01, v19;
	v21 =	vld [tilespmem:s29+$0x4880]  }
0x124: {  	v11 =	vmul.f32 v11, v13;
	vm0 =	veq.f32 v15, $0.0e+00;
	v15 =	vmul.f32 v16, v14;
	v16 =	vld [tilespmem:s29+$0x5880]  }
0x125: {  	v22 =	vadd.f32 $-7.467623900e+01, v22;
	v23 =	vadd.f32 $-7.467623900e+01, v23;
	vm1 =	veq.f32 v12, $0.0e+00;
	v12 =	vld [tilespmem:s29+$0x6880]  }
0x126: {  	v11 =	vadd.f32 $8.140014640e+01, v11;
	vm2 =	veq.f32 v17, $0.0e+00;
	v15 =	vadd.f32 $8.140014640e+01, v15;
	v17 =	vld [tilespmem:s29+$0x7880]  }
0x127: {  	v23 =	vmul.f32 v23, v19;
	vm3 =	veq.f32 v20, $0.0e+00;
	v20 =	vmul.f32 v22, v18;
	v22 =	vld [tilespmem:s29+$0x4900]  }
0x128: {  	v11 =	vmul.f32 v11, v13;
	v15 =	vmul.f32 v15, v14;
	vm5 =	veq.f32 v21, $0.0e+00;
	v21 =	vld [tilespmem:s29+$0x5900]  }
0x129: {  	v23 =	vadd.f32 $8.140014640e+01, v23;
	vm4 =	veq.f32 v16, $0.0e+00;
	v16 =	vadd.f32 $8.140014640e+01, v20;
	v20 =	vld [tilespmem:s29+$0x6900]  }
0x12a: {  	v11 =	vadd.f32 $-4.133325200e+01, v11;
	v15 =	vadd.f32 $-4.133325200e+01, v15;
	vm6 =	veq.f32 v12, $0.0e+00;
	v12 =	vld [tilespmem:s29+$0x7900]  }
0x12b: {  	vm8 =	veq.f32 v17, $0.0e+00;
	v16 =	vmul.f32 v16, v18;
	v17 =	vmul.f32 v23, v19;
	v23 =	vld [tilespmem:s29+$0x4980]  }
0x12c: {  	v11 =	vmul.f32 v11, v13;
	v13 =	vmul.f32 v15, v14;
	vm7 =	veq.f32 v22, $0.0e+00;
	v14 =	vld [tilespmem:s29+$0x5980]  }
0x12d: {  	v15 =	vadd.f32 $-4.133325200e+01, v16;
	vm9 =	veq.f32 v21, $0.0e+00;
	v16 =	vadd.f32 $-4.133325200e+01, v17  }
0x12e: {  	v11 =	vadd.f32 $6.283088680e+00, v11;
	v13 =	vadd.f32 $6.283088680e+00, v13;
	vm10 =	veq.f32 v20, $0.0e+00  }
0x12f: {  	v15 =	vmul.f32 v15, v18;
	vm11 =	veq.f32 v12, $0.0e+00;
	v12 =	vmul.f32 v16, v19;
	v16 =	vld [tilespmem:s29+$0x6980]  }
0x130: {  	v8 =	vmul.f32 v11, v8;
	v9 =	vmul.f32 v13, v9;
	vm12 =	veq.f32 v23, $0.0e+00;
	v11 =	vld [tilespmem:s29+$0x7980]  }
0x131: {  	v13 =	vadd.f32 $6.283088680e+00, v15;
	v12 =	vadd.f32 $6.283088680e+00, v12;
	vm13 =	veq.f32 v14, $0.0e+00  }
0x132: {  	v14 =	vsel vm2, $0x0, v8;
	v15 =	vsel vm3, $0x0, v8;
	v17 =	vsel vm5, $0x0, v9  }
0x133: {  	v18 =	vsel vm0, $0x0, v8;
	v8 =	vsel vm1, $0x0, v8;
	[tilespmem:s29+$0xC880] =	vst v17;
	v17 =	vsel vm4, $0x0, v9  }
0x134: {  	v10 =	vmul.f32 v13, v10;
	[tilespmem:s29+$0xF800] =	vst v15;
	v15 =	vsel vm6, $0x0, v9;
	v9 =	vsel vm8, $0x0, v9  }
0x135: {  	v7 =	vmul.f32 v12, v7;
	vm0 =	veq.f32 v16, $0.0e+00;
	[tilespmem:s29+$0xE800] =	vst v14;
	vm1 =	veq.f32 v11, $0.0e+00  }
0x136: {  	v11 =	vsel vm9, $0x0, v10;
	v12 =	vsel vm10, $0x0, v10;
	[tilespmem:s29+$0xD800] =	vst v8;
	v8 =	vsel vm7, $0x0, v10  }
0x137: {  	v13 =	vsel vm12, $0x0, v7;
	v14 =	vsel vm13, $0x0, v7;
	v10 =	vsel vm11, $0x0, v10;
	[tilespmem:s29+$0xC800] =	vst v18  }
0x138: {  	v16 =	vsel vm0, $0x0, v7;
	v7 =	vsel vm1, $0x0, v7;
	[tilespmem:s29+$0xD880] =	vst v17  }
0x139: {  	[tilespmem:s29+$0xE880] =	vst v15  }
0x13a: {  	[tilespmem:s29+$0xF880] =	vst v9  }
0x13b: {  	[tilespmem:s29+$0xC900] =	vst v8  }
0x13c: {  	[tilespmem:s29+$0xD900] =	vst v11  }
0x13d: {  	[tilespmem:s29+$0xE900] =	vst v12  }
.Ltmp2:
0x13e: {  	[tilespmem:s29+$0xF900] =	vst v10;
	(pc) =	sbr.rel @p0 .LBB2_7-.Ltmp2, $4  }
0x13f: {  	[tilespmem:s29+$0xC980] =	vst v13  }
0x140: {  	[tilespmem:s29+$0xD980] =	vst v14  }
0x141: {  	s10 =	sadd.s32 $0x40, s10;
	[tilespmem:s29+$0xE980] =	vst v16  }
0x142: {  	s28 =	sadd.s32 $0x10, s28;
	s0 =	sshra.s32 s10, $0x2;
	[tilespmem:s29+$0xF980] =	vst v7  }
0x143: {  	v7 =	vld [tilespmem:s0+$0x0];
	_ =	sdelay $0x1  }
0x144: {  	v8 =	vld [tilespmem:s0+$0x400];
	_ =	sdelay $0x2  }
0x145: {  	v6 =	vmul.f32 v7, v6  }
0x146: {  	v5 =	vmul.f32 v7, v5  }
0x147: {  	v6 =	vadd.f32 v8, v6  }
0x148: {  	v5 =	vadd.f32 v8, v5  }
0x149: {  	v9 =	vadd.f32 $5.000000000e-01, v6  }
0x14a: {  	v10 =	vadd.f32 $5.000000000e-01, v5  }
0x14b: {  	v9 =	vtrunc.f32 v9  }
0x14c: {  	v10 =	vtrunc.f32 v10;
	v9 =	vcvt.f32.s32 v9  }
0x14d: {  	v4 =	vmul.f32 v7, v4;
	v10 =	vcvt.f32.s32 v10  }
0x14e: {  	v9 =	vcvt.s32.f32 v9  }
0x14f: {  	v4 =	vadd.f32 v8, v4;
	v10 =	vcvt.s32.f32 v10  }
0x150: {  	v3 =	vmul.f32 v7, v3;
	v6 =	vsub.f32 v6, v9  }
0x151: {  	v31 =	vadd.f32 $5.000000000e-01, v4;
	v5 =	vsub.f32 v5, v10  }
0x152: {  	v3 =	vadd.f32 v8, v3;
	v32 =	vmul.f32 v6, v6  }
0x153: {  	v7 =	vtrunc.f32 v31;
	v33 =	vmul.f32 v5, v5  }
0x154: {  	v34 =	vadd.f32 $5.000000000e-01, v3;
	v7 =	vcvt.f32.s32 v7;
	v11 =	vmul.f32 $3.316884990e+01, v32  }
0x155: {  	v12 =	vmul.f32 $3.316884990e+01, v33  }
0x156: {  	v7 =	vcvt.s32.f32 v7;
	v10 =	vtrunc.f32 v34;
	v11 =	vadd.f32 $-7.467623900e+01, v11  }
0x157: {  	v10 =	vcvt.f32.s32 v10;
	v12 =	vadd.f32 $-7.467623900e+01, v12  }
0x158: {  	v4 =	vsub.f32 v4, v7;
	v35 =	vmul.f32 v11, v32  }
0x159: {  	v10 =	vcvt.s32.f32 v10;
	v36 =	vmul.f32 v12, v33  }
0x15a: {  	v37 =	vmul.f32 v4, v4;
	v7 =	vadd.f32 $8.140014640e+01, v35  }
0x15b: {  	v3 =	vsub.f32 v3, v10;
	v38 =	vadd.f32 $8.140014640e+01, v36  }
0x15c: {  	v39 =	vmul.f32 $3.316884990e+01, v37;
	v7 =	vmul.f32 v7, v32  }
0x15d: {  	s3 =	sand.u32 $0x70, s3;
	s10 =	sand.u32 $0xE00, s10;
	v13 =	vmul.f32 v3, v3;
	v10 =	vmul.f32 v38, v33  }
0x15e: {  	s3 =	sor.u32 s3, s10;
	v11 =	vadd.f32 $-7.467623900e+01, v39;
	v7 =	vadd.f32 $-4.133325200e+01, v7  }
0x15f: {  	v14 =	vld [tilespmem:s3+$0x7800];
	v15 =	vmul.f32 $3.316884990e+01, v13;
	v10 =	vadd.f32 $-4.133325200e+01, v10  }
0x160: {  	v16 =	vld [tilespmem:s3+$0x4880];
	v11 =	vmul.f32 v11, v37;
	v7 =	vmul.f32 v7, v32  }
0x161: {  	v40 =	vld [tilespmem:s3+$0x5800];
	v15 =	vadd.f32 $-7.467623900e+01, v15;
	v9 =	vmul.f32 v10, v33  }
0x162: {  	v41 =	vld [tilespmem:s3+$0x6800];
	v11 =	vadd.f32 $8.140014640e+01, v11;
	v7 =	vadd.f32 $6.283088680e+00, v7  }
0x163: {  	v17 =	vld [tilespmem:s3+$0x4800];
	v15 =	vmul.f32 v15, v13;
	v9 =	vadd.f32 $6.283088680e+00, v9  }
0x164: {  	v18 =	vld [tilespmem:s3+$0x5880];
	v11 =	vmul.f32 v11, v37;
	v6 =	vmul.f32 v7, v6  }
0x165: {  	v42 =	vld [tilespmem:s3+$0x6880];
	vm0 =	veq.f32 v14, $0.0e+00;
	vm1 =	veq.f32 v16, $0.0e+00;
	v5 =	vmul.f32 v9, v5  }
0x166: {  	v43 =	vld [tilespmem:s3+$0x7880];
	v44 =	vadd.f32 $8.140014640e+01, v15;
	v11 =	vadd.f32 $-4.133325200e+01, v11;
	v45 =	vsel vm1, $0x0, v6  }
0x167: {  	vm15 =	veq.f32 v40, $0.0e+00;
	vm2 =	veq.f32 v41, $0.0e+00;
	v46 =	vsel vm0, $0x0, v5;
	[tilespmem:s3+$0xC880] =	vst v45  }
0x168: {  	v47 =	vld [tilespmem:s3+$0x4900];
	v14 =	vmul.f32 v44, v13;
	v11 =	vmul.f32 v11, v37;
	v48 =	vsel vm2, $0x0, v5;
	[tilespmem:s3+$0xF800] =	vst v46  }
0x169: {  	v49 =	vld [tilespmem:s3+$0x5900];
	vm4 =	veq.f32 v17, $0.0e+00;
	vm5 =	veq.f32 v18, $0.0e+00;
	v50 =	vsel vm15, $0x0, v5;
	[tilespmem:s3+$0xE800] =	vst v48  }
0x16a: {  	v51 =	vld [tilespmem:s3+$0x6900];
	v14 =	vadd.f32 $-4.133325200e+01, v14;
	v11 =	vadd.f32 $6.283088680e+00, v11;
	v5 =	vsel vm4, $0x0, v5;
	[tilespmem:s3+$0xD800] =	vst v50  }
0x16b: {  	v52 =	vld [tilespmem:s3+$0x7900];
	vm6 =	veq.f32 v42, $0.0e+00;
	vm7 =	veq.f32 v43, $0.0e+00;
	v53 =	vsel vm5, $0x0, v6;
	[tilespmem:s3+$0xC800] =	vst v5  }
0x16c: {  	v54 =	vld [tilespmem:s3+$0x4980];
	v13 =	vmul.f32 v14, v13;
	v55 =	vsel vm6, $0x0, v6;
	v4 =	vmul.f32 v11, v4;
	[tilespmem:s3+$0xD880] =	vst v53  }
0x16d: {  	v56 =	vld [tilespmem:s3+$0x5980];
	vm8 =	veq.f32 v47, $0.0e+00;
	v6 =	vsel vm7, $0x0, v6;
	[tilespmem:s3+$0xE880] =	vst v55  }
0x16e: {  	v57 =	vld [tilespmem:s3+$0x6980];
	vm9 =	veq.f32 v49, $0.0e+00;
	v58 =	vadd.f32 $6.283088680e+00, v13;
	[tilespmem:s3+$0xF880] =	vst v6;
	v11 =	vsel vm8, $0x0, v4  }
0x16f: {  	v59 =	vld [tilespmem:s3+$0x7980];
	vm10 =	veq.f32 v51, $0.0e+00;
	v60 =	vsel vm9, $0x0, v4;
	[tilespmem:s3+$0xC900] =	vst v11  }
0x170: {  	vm11 =	veq.f32 v52, $0.0e+00;
	v61 =	vsel vm10, $0x0, v4;
	v3 =	vmul.f32 v58, v3;
	[tilespmem:s3+$0xD900] =	vst v60  }
0x171: {  	vm12 =	veq.f32 v54, $0.0e+00;
	v4 =	vsel vm11, $0x0, v4;
	[tilespmem:s3+$0xE900] =	vst v61  }
0x172: {  	vm13 =	veq.f32 v56, $0.0e+00;
	[tilespmem:s3+$0xF900] =	vst v4;
	v5 =	vsel vm12, $0x0, v3  }
0x173: {  	vm14 =	veq.f32 v57, $0.0e+00;
	v62 =	vsel vm13, $0x0, v3;
	[tilespmem:s3+$0xC980] =	vst v5  }
0x174: {  	vm15 =	veq.f32 v59, $0.0e+00;
	v63 =	vsel vm14, $0x0, v3;
	[tilespmem:s3+$0xD980] =	vst v62  }
0x175: {  	v3 =	vsel vm15, $0x0, v3;
	[tilespmem:s3+$0xE980] =	vst v63  }
0x176: {  	s28 =	sadd.s32 s20, s16;
	s6 =	sadd.s32 $0x1, s6;
	[tilespmem:s3+$0xF980] =	vst v3  }
0x177: {  	[hbm4b:s28+s21] =	stream.strided.scatter [tilespmem:s26], [sflag:$0x2], $0x1000, s22, s21, $0x38;
	[tilespmem:$0x10800] =	vst v63  }
0x178: {  	s29 =	sadd.s32 s20, s17;
	p0 =	sne.s32 s6, $0x10  }
0x179: {  	[hbm4b:s29+s21] =	stream.strided.scatter [tilespmem:s4], [sflag:$0x2], $0x1000, s22, s21, $0x38;
	[tilespmem:$0x10800] =	vst v63  }
.Ltmp3:
0x17a: {  	_ = 	snop;
	(pc) =	sbr.rel @p0 .LBB2_4-.Ltmp3, $4  }
0x17b: {  	s30 =	sadd.s32 s20, s18  }
0x17c: {  	[hbm4b:s30+s21] =	stream.strided.scatter [tilespmem:s8], [sflag:$0x2], $0x1000, s22, s21, $0x38;
	[tilespmem:$0x10800] =	vst v63  }
0x17d: {  	s31 =	sadd.s32 s20, s19  }
0x17e: {  	[hbm4b:s31+s21] =	stream.strided.scatter [tilespmem:s9], [sflag:$0x2], $0x1000, s22, s21, $0x38;
	[tilespmem:$0x10800] =	vst v63  }
0x17f: {  	s3 =	simm.s32 $0x2  }
0x180: {  	_ =	swait.ge [sflag:s3], $0x1000  }
0x181: {  	[sflag:s3] =	ssyncset.done $0x0  }
0x182: {  	[sflag:s3] =	ssyncadd.s32 $0xFFFFF000  }
0x183: {  	_ =	swait.ge [sflag:s3], $0x1000  }
0x184: {  	[sflag:s3] =	ssyncset.done $0x0  }
0x185: {  	[sflag:s3] =	ssyncadd.s32 $0xFFFFF000  }
0x186: {  	_ =	swait.ge [sflag:s3], $0x1000  }
0x187: {  	[sflag:s3] =	ssyncset.done $0x0  }
0x188: {  	[sflag:s3] =	ssyncadd.s32 $0xFFFFF000  }
0x189: {  	_ =	swait.ge [sflag:s3], $0x1000  }
0x18a: {  	[sflag:s3] =	ssyncset.done $0x0  }
0x18b: {  	[sflag:s3] =	ssyncadd.s32 $0xFFFFF000  }
0x18c: {  	_ =	swait.ge [sflag:s3], $0x1000  }
0x18d: {  	[sflag:s3] =	ssyncset.done $0x0  }
0x18e: {  	[sflag:s3] =	ssyncadd.s32 $0xFFFFF000  }
0x18f: {  	_ =	swait.ge [sflag:s3], $0x1000  }
0x190: {  	[sflag:s3] =	ssyncset.done $0x0  }
0x191: {  	[sflag:s3] =	ssyncadd.s32 $0xFFFFF000  }
0x192: {  	_ =	swait.ge [sflag:s3], $0x1000  }
0x193: {  	[sflag:s3] =	ssyncset.done $0x0  }
0x194: {  	[sflag:s3] =	ssyncadd.s32 $0xFFFFF000  }
0x195: {  	_ =	swait.ge [sflag:s3], $0x1000  }
0x196: {  	s6 =	rddreg [dreg:$0x8]  }
0x197: {  	s0 =	rddreg [dreg:$0x7];
	s6 =	sadd.s32 $0x1, s6  }
0x198: {  	p0 =	sne.s32 s6, s0  }
.Ltmp4:
0x199: {  	_ = 	snop;
	(pc) =	sbr.rel @p0 .LBB2_1-.Ltmp4, $3  }
0x19a: {  	_ =	sdelay $0x1  }
0x19b: {  	[sflag:s3] =	ssyncset.done $0x0  }
0x19c: {  	[sflag:s3] =	ssyncadd.s32 $0xFFFFF000  }
0x19d: {  	_ =	sfence.sel $0x180000  }
0x19e: {  	[bflag:$0x0] =	sbarrier.arrive $0xFFFF  }
0x19f: {  	_ =	strace $0x90000047  }
0x1a0: {  	s0 =	stileid.u32;
	[bflag:$0x2] =	sbarrier.arrive $0xFFFF  }
0x1a1: {  	p0 =	sne.s32 s0, $0x0;
	s0 =	rddreg [dreg:$0x2]  }
0x1a2: {  	s0 =	sadd.s32 @!p0 $0x100000, s0  }
0x1a3: {  	[sflag:s0] =	ssyncadd.tile.s32 @!p0 $0x1;
	_ =	shalt  }
.Lfunc_end2:
_tile_overlayer_lowered:
.L_overlay_start_2:
0x1a4: {  	(tag) =	ssettag $0x2  }
0x1a5: {  	s0 =	rddreg [dreg:$0x0];
	s2 =	stileid.u32  }
0x1a6: {  	s1 =	rddreg [dreg:$0x1];
	p0 =	sne.s32 s2, $0x0  }
0x1a7: {  	s3 =	rddreg [dreg:$0x2];
	[bflag:$0x3] =	sbarrier.arrive $0xFFFF;
	s2 =	simm.s32 @!p0 $0x1C03  }
0x1a8: {  	[timem:s3], [sflag:s2] =	dma.local @!p0 [hbm:s0], s1  }
0x1a9: {  	s0 =	simm.s32 @!p0 $0x3  }
0x1aa: {  	_ =	swait.ge @!p0 [sflag:s0], s1  }
0x1ab: {  	s1 =	ssub.s32 @!p0 $0x0, s1;
	[sflag:s0] =	ssyncset.done @!p0 $0x0  }
0x1ac: {  	[sflag:s0] =	ssyncadd.s32 @!p0 s1  }
0x1ad: {  	[bflag:$0x3] =	sbarrier.arrive $0xFFFF  }
0x1ae: {  	_ =	shalt  }

</sc_bundles>
